<compile_context>
chip_gen: v7x
topology: tpu7x:2x2x1
jax: 0.10.2.dev20260603
libtpu: 0.0.44.dev20260713+nightly
codegen_flags: <defaults>
</compile_context>

<pallas_src>
import functools

import jax
import jax.numpy as jnp
from jax import lax
from jax.experimental import pallas as pl
from jax.experimental.pallas import tpu as pltpu
import jax.experimental.pallas.tpu_sc as plsc

N = 10000
E = 320000
IN_DIM = 128
HID = 16
NUM_CLASSES = 7

NP = 10240
NTILES = 32
EDGES_PER_TILE = NP
E_PAD = NTILES * EDGES_PER_TILE
IDX_ROWS = E_PAD // 128
ROWS_PER_TILE = IDX_ROWS // NTILES
CHUNK_ROWS = 8
NCHUNKS = ROWS_PER_TILE // CHUNK_ROWS
NODES_PER_TILE = NP // 16

_MESH = plsc.VectorSubcoreMesh(core_axis_name="c", subcore_axis_name="s")


@functools.partial(
    pl.kernel,
    out_type=jax.ShapeDtypeStruct((2 * NP,), jnp.float32),
    mesh=_MESH,
    scratch_types=[
        pltpu.VMEM((ROWS_PER_TILE, 128), jnp.int32),
        pltpu.VMEM((128,), jnp.float32),
        pltpu.VMEM_SHARED((NP,), jnp.float32),
    ],
)
def _sc_degree(dst_hbm, zeros_hbm, ones_hbm, out_hbm, didx, ones_v, cnt):
    cid = lax.axis_index("c")
    sid = lax.axis_index("s")
    wid = cid * 16 + sid
    pltpu.sync_copy(zeros_hbm.at[pl.ds(sid * NODES_PER_TILE, NODES_PER_TILE)],
                    cnt.at[pl.ds(sid * NODES_PER_TILE, NODES_PER_TILE)])
    pltpu.sync_copy(ones_hbm, ones_v)
    pltpu.sync_copy(dst_hbm.at[pl.ds(wid * ROWS_PER_TILE, ROWS_PER_TILE)], didx)
    plsc.subcore_barrier()

    def body(j, carry):
        pltpu.sync_copy(ones_v, cnt.at[didx.at[j]], add=True)
        return carry

    lax.fori_loop(0, ROWS_PER_TILE, body, 0)
    plsc.subcore_barrier()
    pltpu.sync_copy(cnt.at[pl.ds(sid * NODES_PER_TILE, NODES_PER_TILE)],
                    out_hbm.at[pl.ds(cid * NP + sid * NODES_PER_TILE,
                                     NODES_PER_TILE)])


@functools.partial(
    pl.kernel,
    out_type=jax.ShapeDtypeStruct((2 * NP, HID), jnp.float32),
    mesh=_MESH,
    scratch_types=[
        pltpu.VMEM((ROWS_PER_TILE, 128), jnp.int32),
        pltpu.VMEM((ROWS_PER_TILE, 128), jnp.int32),
        pltpu.VMEM((CHUNK_ROWS * 128, HID), jnp.float32),
        pltpu.VMEM_SHARED((NP, HID), jnp.float32),
        pltpu.SemaphoreType.DMA,
    ],
    compiler_params=pltpu.CompilerParams(use_tc_tiling_on_sc=False),
)
def _sc_agg(table_hbm, src_hbm, dst_hbm, zeros_hbm, out_hbm,
            sidx, didx, rows, acc, sem):
    cid = lax.axis_index("c")
    sid = lax.axis_index("s")
    wid = cid * 16 + sid
    pltpu.sync_copy(zeros_hbm.at[pl.ds(sid * NODES_PER_TILE, NODES_PER_TILE)],
                    acc.at[pl.ds(sid * NODES_PER_TILE, NODES_PER_TILE)])
    pltpu.sync_copy(src_hbm.at[pl.ds(wid * ROWS_PER_TILE, ROWS_PER_TILE)], sidx)
    pltpu.sync_copy(dst_hbm.at[pl.ds(wid * ROWS_PER_TILE, ROWS_PER_TILE)], didx)
    plsc.subcore_barrier()

    def chunk(c, carry):
        base = c * CHUNK_ROWS
        cps = []
        for j in range(CHUNK_ROWS):
            cps.append(pltpu.async_copy(
                table_hbm.at[sidx.at[base + j]],
                rows.at[pl.ds(j * 128, 128)], sem))
        for cp in cps:
            cp.wait()
        for j in range(CHUNK_ROWS):
            pltpu.sync_copy(rows.at[pl.ds(j * 128, 128)],
                            acc.at[didx.at[base + j]], add=True)
        return carry

    lax.fori_loop(0, NCHUNKS, chunk, 0)
    plsc.subcore_barrier()
    pltpu.sync_copy(acc.at[pl.ds(sid * NODES_PER_TILE, NODES_PER_TILE)],
                    out_hbm.at[pl.ds(cid * NP + sid * NODES_PER_TILE,
                                     NODES_PER_TILE)])


_R = 512
_GRID = NP // _R


def _tc1_body(cnt_ref, x_ref, w1_ref, hs_ref):
    c = cnt_ref[...]
    dinv = lax.rsqrt(1.0 + c[:, 0:1] + c[:, 1:2])
    h = jnp.dot(x_ref[...], w1_ref[...], preferred_element_type=jnp.float32)
    hs_ref[...] = dinv * h


def _tc1(cnt_t, x_p, W1):
    return pl.pallas_call(
        _tc1_body,
        grid=(_GRID,),
        in_specs=[
            pl.BlockSpec((_R, 2), lambda r: (r, 0)),
            pl.BlockSpec((_R, IN_DIM), lambda r: (r, 0)),
            pl.BlockSpec((IN_DIM, HID), lambda r: (0, 0)),
        ],
        out_specs=pl.BlockSpec((_R, HID), lambda r: (r, 0)),
        out_shape=jax.ShapeDtypeStruct((NP, HID), jnp.float32),
    )(cnt_t, x_p, W1)


def _tc2_body(a_ref, hs_ref, cnt_ref, b1_ref, hs1_ref):
    c = cnt_ref[...]
    dinv = lax.rsqrt(1.0 + c[:, 0:1] + c[:, 1:2])
    a = a_ref[...]
    h1 = jnp.maximum(dinv * (a[0] + a[1] + hs_ref[...]) + b1_ref[...], 0.0)
    hs1_ref[...] = dinv * h1


def _tc2(acc, hs, cnt_t, b1):
    return pl.pallas_call(
        _tc2_body,
        grid=(_GRID,),
        in_specs=[
            pl.BlockSpec((2, _R, HID), lambda r: (0, r, 0)),
            pl.BlockSpec((_R, HID), lambda r: (r, 0)),
            pl.BlockSpec((_R, 2), lambda r: (r, 0)),
            pl.BlockSpec((HID,), lambda r: (0,)),
        ],
        out_specs=pl.BlockSpec((_R, HID), lambda r: (r, 0)),
        out_shape=jax.ShapeDtypeStruct((NP, HID), jnp.float32),
    )(acc, hs, cnt_t, b1)


def _tc3_body(a_ref, hs1_ref, cnt_ref, w2_ref, b2_ref, out_ref):
    c = cnt_ref[...]
    dinv = lax.rsqrt(1.0 + c[:, 0:1] + c[:, 1:2])
    a = a_ref[...]
    t = dinv * (a[0] + a[1] + hs1_ref[...])
    out_ref[...] = (jnp.dot(t, w2_ref[...], preferred_element_type=jnp.float32)
                    + b2_ref[...])


def _tc3(acc, hs1, cnt_t, W2, b2):
    return pl.pallas_call(
        _tc3_body,
        grid=(_GRID,),
        in_specs=[
            pl.BlockSpec((2, _R, HID), lambda r: (0, r, 0)),
            pl.BlockSpec((_R, HID), lambda r: (r, 0)),
            pl.BlockSpec((_R, 2), lambda r: (r, 0)),
            pl.BlockSpec((HID, NUM_CLASSES), lambda r: (0, 0)),
            pl.BlockSpec((NUM_CLASSES,), lambda r: (0,)),
        ],
        out_specs=pl.BlockSpec((_R, NUM_CLASSES), lambda r: (r, 0)),
        out_shape=jax.ShapeDtypeStruct((NP, NUM_CLASSES), jnp.float32),
    )(acc, hs1, cnt_t, W2, b2)


def kernel(x, edge_index, W1, b1, W2, b2):
    src = edge_index[0]
    dst = edge_index[1]
    pad = E_PAD - E
    src_p = jnp.concatenate(
        [src, jnp.zeros((pad,), jnp.int32)]).reshape(IDX_ROWS, 128)
    dst_p = jnp.concatenate(
        [dst, jnp.full((pad,), NP - 1, jnp.int32)]).reshape(IDX_ROWS, 128)
    x_p = jnp.pad(x, ((0, NP - N), (0, 0)))
    zeros_n = jnp.zeros((NP,), jnp.float32)
    zeros_nh = jnp.zeros((NP, HID), jnp.float32)
    ones128 = jnp.ones((128,), jnp.float32)

    cnt = _sc_degree(dst_p, zeros_n, ones128)
    cnt_t = jnp.transpose(cnt.reshape(2, NP), (1, 0))

    hs = _tc1(cnt_t, x_p, W1)
    acc1 = _sc_agg(hs, src_p, dst_p, zeros_nh).reshape(2, NP, HID)
    hs1 = _tc2(acc1, hs, cnt_t, b1)
    acc2 = _sc_agg(hs1, src_p, dst_p, zeros_nh).reshape(2, NP, HID)
    out = _tc3(acc2, hs1, cnt_t, W2, b2)
    return out[:N]

# --- scband reference (transcript-rebuilt; emitter-appended) ---
"""Pipeline reference for scband-gcnnet-55920474193965 (READ-ONLY COPY).

The authoritative reference and input builder live on the scoring server;
editing this copy changes nothing except your own understanding.
"""

import jax, jax.numpy as jnp
import numpy as np

N = 10000
E = 320000
IN_DIM = 128
HID = 16
NUM_CLASSES = 7


def setup_inputs(seed: int = 0) -> dict:
    key = jax.random.key(seed)
    k1, k2, k3, k4 = jax.random.split(key, 4)
    x = jax.random.normal(k1, (N, IN_DIM), dtype=jnp.float32)
    edge_index = jax.random.randint(k2, (2, E), 0, N, dtype=jnp.int32)
    W1 = jax.random.normal(k3, (IN_DIM, HID), dtype=jnp.float32) * (1.0 / np.sqrt(IN_DIM))
    b1 = jnp.zeros((HID,), dtype=jnp.float32)
    W2 = jax.random.normal(k4, (HID, NUM_CLASSES), dtype=jnp.float32) * (1.0 / np.sqrt(HID))
    b2 = jnp.zeros((NUM_CLASSES,), dtype=jnp.float32)
    return {"x": x, "edge_index": edge_index, "W1": W1, "b1": b1, "W2": W2, "b2": b2}


def _gcn_conv(x, edge_index, W, b):
    # GCNConv: D^{-1/2} (A + I) D^{-1/2} X W + b  (symmetric normalization with self-loops)
    src = edge_index[0]
    dst = edge_index[1]
    loop = jnp.arange(N, dtype=src.dtype)
    src_f = jnp.concatenate([src, loop])
    dst_f = jnp.concatenate([dst, loop])
    ones = jnp.ones_like(src_f, dtype=jnp.float32)
    deg = jax.ops.segment_sum(ones, dst_f, num_segments=N)
    deg_inv_sqrt = jnp.where(deg > 0, jax.lax.rsqrt(jnp.maximum(deg, 1e-12)), 0.0)
    norm = deg_inv_sqrt[src_f] * deg_inv_sqrt[dst_f]
    h = x @ W
    msg = h[src_f] * norm[:, None]
    out = jax.ops.segment_sum(msg, dst_f, num_segments=N)
    return out + b


def reference(x, edge_index, W1, b1, W2, b2):
    h = jax.nn.relu(_gcn_conv(x, edge_index, W1, b1))
    out = _gcn_conv(h, edge_index, W2, b2)
    return out

if __name__ == "__main__":
    import jax
    _d = setup_inputs()
    print(jax.jit(kernel)(*tuple(_d.values())))

</pallas_src>

<mosaic_0001>
#map = affine_map<(d0, d1) -> (0, 0)>
#map1 = affine_map<(d0, d1) -> (0)>
module attributes {stable_mosaic.version = 14 : i64} {
  func.func @_sc_degree(%arg0: i32, %arg1: i32, %arg2: memref<2560x128xi32, #tpu.memory_space<hbm>>, %arg3: memref<10240xf32, #tpu.memory_space<hbm>>, %arg4: memref<128xf32, #tpu.memory_space<hbm>>, %arg5: memref<20480xf32, #tpu.memory_space<hbm>>, %arg6: memref<80x128xi32, #tpu.memory_space<vmem>>, %arg7: memref<128xf32, #tpu.memory_space<vmem>>, %arg8: memref<10240xf32, #tpu.memory_space<vmem_shared>>) attributes {dimension_semantics = [#tpu.dimension_semantics<core_parallel>, #tpu.dimension_semantics<subcore_parallel>], iteration_bounds = array<i64: 2, 16>, scalar_prefetch = 0 : i64, scratch_operands = 3 : i64, tpu.core_type = #tpu.core_type<sc_vector_subcore>, window_params = [{transform_indices = #map}, {transform_indices = #map1}, {transform_indices = #map1}, {transform_indices = #map1}]} {
    %mul3A = arith.constant 16 : i32
    %mul3A_0 = arith.muli %arg0, %mul3A : i32
    %add3A = arith.addi %mul3A_0, %arg1 : i32
    %mul3A_1 = arith.constant 640 : i32
    %mul3A_2 = arith.muli %arg1, %mul3A_1 : i32
    %mul3A_3 = arith.constant 640 : i32
    %mul3A_4 = arith.muli %arg1, %mul3A_3 : i32
    "tpu.region"() ({
      %run_scoped3A = tpu.sem_alloc : memref<!tpu.dma_semaphore, #tpu.memory_space<semaphore_mem>>
      %dma_start3A = tpu.memref_slice %arg8[%mul3A_4] : memref<10240xf32, #tpu.memory_space<vmem_shared>> -> memref<640xf32, #tpu.memory_space<vmem_shared>>
      %dma_start3A_20 = tpu.memref_slice %arg3[%mul3A_2] : memref<10240xf32, #tpu.memory_space<hbm>> -> memref<640xf32, #tpu.memory_space<hbm>>
      tpu.enqueue_dma source(%dma_start3A_20 : memref<640xf32, #tpu.memory_space<hbm>>) target(%dma_start3A : memref<640xf32, #tpu.memory_space<vmem_shared>>) target_semaphore(%run_scoped3A : memref<!tpu.dma_semaphore, #tpu.memory_space<semaphore_mem>>)
      %dma_wait3A = tpu.memref_slice %arg8[%mul3A_4] : memref<10240xf32, #tpu.memory_space<vmem_shared>> -> memref<640xf32, #tpu.memory_space<vmem_shared>>
      %dma_wait3A_21 = tpu.memref_slice %arg3[%mul3A_2] : memref<10240xf32, #tpu.memory_space<hbm>> -> memref<640xf32, #tpu.memory_space<hbm>>
      tpu.wait_dma2 semaphore(%run_scoped3A : memref<!tpu.dma_semaphore, #tpu.memory_space<semaphore_mem>>) src(%dma_wait3A_21 : memref<640xf32, #tpu.memory_space<hbm>>) dst(%dma_wait3A : memref<640xf32, #tpu.memory_space<vmem_shared>>)
      tpu.yield
    }) : () -> ()
    "tpu.region"() ({
      %run_scoped3A = tpu.sem_alloc : memref<!tpu.dma_semaphore, #tpu.memory_space<semaphore_mem>>
      tpu.enqueue_dma source(%arg4 : memref<128xf32, #tpu.memory_space<hbm>>) target(%arg7 : memref<128xf32, #tpu.memory_space<vmem>>) target_semaphore(%run_scoped3A : memref<!tpu.dma_semaphore, #tpu.memory_space<semaphore_mem>>)
      tpu.wait_dma2 semaphore(%run_scoped3A : memref<!tpu.dma_semaphore, #tpu.memory_space<semaphore_mem>>) src(%arg4 : memref<128xf32, #tpu.memory_space<hbm>>) dst(%arg7 : memref<128xf32, #tpu.memory_space<vmem>>)
      tpu.yield
    }) : () -> ()
    %mul3A_5 = arith.constant 80 : i32
    %mul3A_6 = arith.muli %add3A, %mul3A_5 : i32
    "tpu.region"() ({
      %run_scoped3A = tpu.sem_alloc : memref<!tpu.dma_semaphore, #tpu.memory_space<semaphore_mem>>
      %dma_start3A = arith.constant 0 : i32
      %dma_start3A_20 = tpu.memref_slice %arg2[%mul3A_6, %dma_start3A] : memref<2560x128xi32, #tpu.memory_space<hbm>> -> memref<80x128xi32, #tpu.memory_space<hbm>>
      %dma_start3A_21 = arith.constant 0 : i32
      %dma_start3A_22 = tpu.memref_slice %arg2[%mul3A_6, %dma_start3A_21] : memref<2560x128xi32, #tpu.memory_space<hbm>> -> memref<80x128xi32, #tpu.memory_space<hbm>>
      tpu.enqueue_dma source(%dma_start3A_22 : memref<80x128xi32, #tpu.memory_space<hbm>>) target(%arg6 : memref<80x128xi32, #tpu.memory_space<vmem>>) target_semaphore(%run_scoped3A : memref<!tpu.dma_semaphore, #tpu.memory_space<semaphore_mem>>)
      %dma_wait3A = arith.constant 0 : i32
      %dma_wait3A_23 = tpu.memref_slice %arg2[%mul3A_6, %dma_wait3A] : memref<2560x128xi32, #tpu.memory_space<hbm>> -> memref<80x128xi32, #tpu.memory_space<hbm>>
      %dma_wait3A_24 = arith.constant 0 : i32
      %dma_wait3A_25 = tpu.memref_slice %arg2[%mul3A_6, %dma_wait3A_24] : memref<2560x128xi32, #tpu.memory_space<hbm>> -> memref<80x128xi32, #tpu.memory_space<hbm>>
      tpu.wait_dma2 semaphore(%run_scoped3A : memref<!tpu.dma_semaphore, #tpu.memory_space<semaphore_mem>>) src(%dma_wait3A_25 : memref<80x128xi32, #tpu.memory_space<hbm>>) dst(%arg6 : memref<80x128xi32, #tpu.memory_space<vmem>>)
      tpu.yield
    }) : () -> ()
    %barrier3A = arith.constant 0 : index
    tpu.barrier barrier_id(%barrier3A)
    %scan3A = arith.constant 0 : i32
    %scan3A_7 = arith.constant 0 : i32
    %scan3A_8 = arith.constant 80 : i32
    %scan3A_9 = arith.addi %scan3A_7, %scan3A_8 : i32
    %scan3A_10 = arith.constant 1 : i32
    scf.for %scan3A_20 = %scan3A_7 to %scan3A_9 step %scan3A_10  : i32 {
      "tpu.region"() ({
        %run_scoped3A = tpu.sem_alloc : memref<!tpu.dma_semaphore, #tpu.memory_space<semaphore_mem>>
        %dma_start3A = arith.constant 0 : i32
        %dma_start3A_21 = tpu.memref_slice %arg6[%scan3A_20, %dma_start3A] : memref<80x128xi32, #tpu.memory_space<vmem>> -> memref<1x128xi32, #tpu.memory_space<vmem>>
        %dma_start3A_22 = tpu.memref_squeeze %dma_start3A_21 : memref<1x128xi32, #tpu.memory_space<vmem>> -> memref<128xi32, #tpu.memory_space<vmem>>
        %dma_start3A_23 = arith.constant 0 : i32
        %dma_start3A_24 = tpu.memref_slice %arg8[%dma_start3A_23] : memref<10240xf32, #tpu.memory_space<vmem_shared>> -> memref<10240xf32, #tpu.memory_space<vmem_shared>>
        tpu.enqueue_indirect_dma source(%arg7 : memref<128xf32, #tpu.memory_space<vmem>>) target(%dma_start3A_24 : memref<10240xf32, #tpu.memory_space<vmem_shared>>) offsets(%dma_start3A_22 : memref<128xi32, #tpu.memory_space<vmem>>) semaphore(%run_scoped3A : memref<!tpu.dma_semaphore, #tpu.memory_space<semaphore_mem>>) {add = true}
        %dma_wait3A = arith.constant 0 : i32
        %dma_wait3A_25 = tpu.memref_slice %arg6[%scan3A_20, %dma_wait3A] : memref<80x128xi32, #tpu.memory_space<vmem>> -> memref<1x128xi32, #tpu.memory_space<vmem>>
        %dma_wait3A_26 = tpu.memref_squeeze %dma_wait3A_25 : memref<1x128xi32, #tpu.memory_space<vmem>> -> memref<128xi32, #tpu.memory_space<vmem>>
        %dma_wait3A_27 = arith.constant 0 : i32
        %dma_wait3A_28 = tpu.memref_slice %arg8[%dma_wait3A_27] : memref<10240xf32, #tpu.memory_space<vmem_shared>> -> memref<10240xf32, #tpu.memory_space<vmem_shared>>
        tpu.wait_indirect_dma semaphore(%run_scoped3A : memref<!tpu.dma_semaphore, #tpu.memory_space<semaphore_mem>>) src(%arg7 : memref<128xf32, #tpu.memory_space<vmem>>) dst(%dma_wait3A_28 : memref<10240xf32, #tpu.memory_space<vmem_shared>>)
        tpu.yield
      }) : () -> ()
    }
    %scan3A_11 = arith.constant 80 : i32
    %barrier3A_12 = arith.constant 0 : index
    tpu.barrier barrier_id(%barrier3A_12)
    %mul3A_13 = arith.constant 640 : i32
    %mul3A_14 = arith.muli %arg1, %mul3A_13 : i32
    %mul3A_15 = arith.constant 10240 : i32
    %mul3A_16 = arith.muli %arg0, %mul3A_15 : i32
    %mul3A_17 = arith.constant 640 : i32
    %mul3A_18 = arith.muli %arg1, %mul3A_17 : i32
    %add3A_19 = arith.addi %mul3A_16, %mul3A_18 : i32
    "tpu.region"() ({
      %run_scoped3A = tpu.sem_alloc : memref<!tpu.dma_semaphore, #tpu.memory_space<semaphore_mem>>
      %dma_start3A = tpu.memref_slice %arg5[%add3A_19] : memref<20480xf32, #tpu.memory_space<hbm>> -> memref<640xf32, #tpu.memory_space<hbm>>
      %dma_start3A_20 = tpu.memref_slice %arg8[%mul3A_14] : memref<10240xf32, #tpu.memory_space<vmem_shared>> -> memref<640xf32, #tpu.memory_space<vmem_shared>>
      tpu.enqueue_dma source(%dma_start3A_20 : memref<640xf32, #tpu.memory_space<vmem_shared>>) target(%dma_start3A : memref<640xf32, #tpu.memory_space<hbm>>) target_semaphore(%run_scoped3A : memref<!tpu.dma_semaphore, #tpu.memory_space<semaphore_mem>>)
      %dma_wait3A = tpu.memref_slice %arg5[%add3A_19] : memref<20480xf32, #tpu.memory_space<hbm>> -> memref<640xf32, #tpu.memory_space<hbm>>
      %dma_wait3A_21 = tpu.memref_slice %arg8[%mul3A_14] : memref<10240xf32, #tpu.memory_space<vmem_shared>> -> memref<640xf32, #tpu.memory_space<vmem_shared>>
      tpu.wait_dma2 semaphore(%run_scoped3A : memref<!tpu.dma_semaphore, #tpu.memory_space<semaphore_mem>>) src(%dma_wait3A_21 : memref<640xf32, #tpu.memory_space<vmem_shared>>) dst(%dma_wait3A : memref<640xf32, #tpu.memory_space<hbm>>)
      tpu.yield
    }) : () -> ()
    return
  }
}

#map = affine_map<(d0, d1) -> (0, 0)>
module attributes {stable_mosaic.version = 14 : i64} {
  func.func @_sc_agg(%arg0: i32, %arg1: i32, %arg2: memref<10240x16xf32, #tpu.memory_space<hbm>>, %arg3: memref<2560x128xi32, #tpu.memory_space<hbm>>, %arg4: memref<2560x128xi32, #tpu.memory_space<hbm>>, %arg5: memref<10240x16xf32, #tpu.memory_space<hbm>>, %arg6: memref<20480x16xf32, #tpu.memory_space<hbm>>, %arg7: memref<80x128xi32, #tpu.memory_space<vmem>>, %arg8: memref<80x128xi32, #tpu.memory_space<vmem>>, %arg9: memref<1024x16xf32, #tpu.memory_space<vmem>>, %arg10: memref<10240x16xf32, #tpu.memory_space<vmem_shared>>, %arg11: memref<!tpu.dma_semaphore, #tpu.memory_space<semaphore_mem>>) attributes {dimension_semantics = [#tpu.dimension_semantics<core_parallel>, #tpu.dimension_semantics<subcore_parallel>], iteration_bounds = array<i64: 2, 16>, scalar_prefetch = 0 : i64, scratch_operands = 5 : i64, tpu.core_type = #tpu.core_type<sc_vector_subcore>, window_params = [{transform_indices = #map}, {transform_indices = #map}, {transform_indices = #map}, {transform_indices = #map}, {transform_indices = #map}]} {
    %mul3A = arith.constant 16 : i32
    %mul3A_0 = arith.muli %arg0, %mul3A : i32
    %add3A = arith.addi %mul3A_0, %arg1 : i32
    %mul3A_1 = arith.constant 640 : i32
    %mul3A_2 = arith.muli %arg1, %mul3A_1 : i32
    %mul3A_3 = arith.constant 640 : i32
    %mul3A_4 = arith.muli %arg1, %mul3A_3 : i32
    "tpu.region"() ({
      %run_scoped3A = tpu.sem_alloc : memref<!tpu.dma_semaphore, #tpu.memory_space<semaphore_mem>>
      %dma_start3A = arith.constant 0 : i32
      %dma_start3A_22 = tpu.memref_slice %arg10[%mul3A_4, %dma_start3A] : memref<10240x16xf32, #tpu.memory_space<vmem_shared>> -> memref<640x16xf32, #tpu.memory_space<vmem_shared>>
      %dma_start3A_23 = arith.constant 0 : i32
      %dma_start3A_24 = tpu.memref_slice %arg5[%mul3A_2, %dma_start3A_23] : memref<10240x16xf32, #tpu.memory_space<hbm>> -> memref<640x16xf32, #tpu.memory_space<hbm>>
      tpu.enqueue_dma source(%dma_start3A_24 : memref<640x16xf32, #tpu.memory_space<hbm>>) target(%dma_start3A_22 : memref<640x16xf32, #tpu.memory_space<vmem_shared>>) target_semaphore(%run_scoped3A : memref<!tpu.dma_semaphore, #tpu.memory_space<semaphore_mem>>)
      %dma_wait3A = arith.constant 0 : i32
      %dma_wait3A_25 = tpu.memref_slice %arg10[%mul3A_4, %dma_wait3A] : memref<10240x16xf32, #tpu.memory_space<vmem_shared>> -> memref<640x16xf32, #tpu.memory_space<vmem_shared>>
      %dma_wait3A_26 = arith.constant 0 : i32
      %dma_wait3A_27 = tpu.memref_slice %arg5[%mul3A_2, %dma_wait3A_26] : memref<10240x16xf32, #tpu.memory_space<hbm>> -> memref<640x16xf32, #tpu.memory_space<hbm>>
      tpu.wait_dma2 semaphore(%run_scoped3A : memref<!tpu.dma_semaphore, #tpu.memory_space<semaphore_mem>>) src(%dma_wait3A_27 : memref<640x16xf32, #tpu.memory_space<hbm>>) dst(%dma_wait3A_25 : memref<640x16xf32, #tpu.memory_space<vmem_shared>>)
      tpu.yield
    }) : () -> ()
    %mul3A_5 = arith.constant 80 : i32
    %mul3A_6 = arith.muli %add3A, %mul3A_5 : i32
    "tpu.region"() ({
      %run_scoped3A = tpu.sem_alloc : memref<!tpu.dma_semaphore, #tpu.memory_space<semaphore_mem>>
      %dma_start3A = arith.constant 0 : i32
      %dma_start3A_22 = tpu.memref_slice %arg3[%mul3A_6, %dma_start3A] : memref<2560x128xi32, #tpu.memory_space<hbm>> -> memref<80x128xi32, #tpu.memory_space<hbm>>
      %dma_start3A_23 = arith.constant 0 : i32
      %dma_start3A_24 = tpu.memref_slice %arg3[%mul3A_6, %dma_start3A_23] : memref<2560x128xi32, #tpu.memory_space<hbm>> -> memref<80x128xi32, #tpu.memory_space<hbm>>
      tpu.enqueue_dma source(%dma_start3A_24 : memref<80x128xi32, #tpu.memory_space<hbm>>) target(%arg7 : memref<80x128xi32, #tpu.memory_space<vmem>>) target_semaphore(%run_scoped3A : memref<!tpu.dma_semaphore, #tpu.memory_space<semaphore_mem>>)
      %dma_wait3A = arith.constant 0 : i32
      %dma_wait3A_25 = tpu.memref_slice %arg3[%mul3A_6, %dma_wait3A] : memref<2560x128xi32, #tpu.memory_space<hbm>> -> memref<80x128xi32, #tpu.memory_space<hbm>>
      %dma_wait3A_26 = arith.constant 0 : i32
      %dma_wait3A_27 = tpu.memref_slice %arg3[%mul3A_6, %dma_wait3A_26] : memref<2560x128xi32, #tpu.memory_space<hbm>> -> memref<80x128xi32, #tpu.memory_space<hbm>>
      tpu.wait_dma2 semaphore(%run_scoped3A : memref<!tpu.dma_semaphore, #tpu.memory_space<semaphore_mem>>) src(%dma_wait3A_27 : memref<80x128xi32, #tpu.memory_space<hbm>>) dst(%arg7 : memref<80x128xi32, #tpu.memory_space<vmem>>)
      tpu.yield
    }) : () -> ()
    %mul3A_7 = arith.constant 80 : i32
    %mul3A_8 = arith.muli %add3A, %mul3A_7 : i32
    "tpu.region"() ({
      %run_scoped3A = tpu.sem_alloc : memref<!tpu.dma_semaphore, #tpu.memory_space<semaphore_mem>>
      %dma_start3A = arith.constant 0 : i32
      %dma_start3A_22 = tpu.memref_slice %arg4[%mul3A_8, %dma_start3A] : memref<2560x128xi32, #tpu.memory_space<hbm>> -> memref<80x128xi32, #tpu.memory_space<hbm>>
      %dma_start3A_23 = arith.constant 0 : i32
      %dma_start3A_24 = tpu.memref_slice %arg4[%mul3A_8, %dma_start3A_23] : memref<2560x128xi32, #tpu.memory_space<hbm>> -> memref<80x128xi32, #tpu.memory_space<hbm>>
      tpu.enqueue_dma source(%dma_start3A_24 : memref<80x128xi32, #tpu.memory_space<hbm>>) target(%arg8 : memref<80x128xi32, #tpu.memory_space<vmem>>) target_semaphore(%run_scoped3A : memref<!tpu.dma_semaphore, #tpu.memory_space<semaphore_mem>>)
      %dma_wait3A = arith.constant 0 : i32
      %dma_wait3A_25 = tpu.memref_slice %arg4[%mul3A_8, %dma_wait3A] : memref<2560x128xi32, #tpu.memory_space<hbm>> -> memref<80x128xi32, #tpu.memory_space<hbm>>
      %dma_wait3A_26 = arith.constant 0 : i32
      %dma_wait3A_27 = tpu.memref_slice %arg4[%mul3A_8, %dma_wait3A_26] : memref<2560x128xi32, #tpu.memory_space<hbm>> -> memref<80x128xi32, #tpu.memory_space<hbm>>
      tpu.wait_dma2 semaphore(%run_scoped3A : memref<!tpu.dma_semaphore, #tpu.memory_space<semaphore_mem>>) src(%dma_wait3A_27 : memref<80x128xi32, #tpu.memory_space<hbm>>) dst(%arg8 : memref<80x128xi32, #tpu.memory_space<vmem>>)
      tpu.yield
    }) : () -> ()
    %barrier3A = arith.constant 0 : index
    tpu.barrier barrier_id(%barrier3A)
    %scan3A = arith.constant 0 : i32
    %scan3A_9 = arith.constant 0 : i32
    %scan3A_10 = arith.constant 10 : i32
    %scan3A_11 = arith.addi %scan3A_9, %scan3A_10 : i32
    %scan3A_12 = arith.constant 1 : i32
    scf.for %scan3A_22 = %scan3A_9 to %scan3A_11 step %scan3A_12  : i32 {
      %mul3A_23 = arith.constant 8 : i32
      %mul3A_24 = arith.muli %scan3A_22, %mul3A_23 : i32
      %add3A_25 = arith.constant 0 : i32
      %add3A_26 = arith.addi %mul3A_24, %add3A_25 : i32
      %dma_start3A = arith.constant 0 : i32
      %dma_start3A_27 = arith.constant 0 : i32
      %dma_start3A_28 = tpu.memref_slice %arg9[%dma_start3A, %dma_start3A_27] : memref<1024x16xf32, #tpu.memory_space<vmem>> -> memref<128x16xf32, #tpu.memory_space<vmem>>
      %dma_start3A_29 = arith.constant 0 : i32
      %dma_start3A_30 = tpu.memref_slice %arg7[%add3A_26, %dma_start3A_29] : memref<80x128xi32, #tpu.memory_space<vmem>> -> memref<1x128xi32, #tpu.memory_space<vmem>>
      %dma_start3A_31 = tpu.memref_squeeze %dma_start3A_30 : memref<1x128xi32, #tpu.memory_space<vmem>> -> memref<128xi32, #tpu.memory_space<vmem>>
      %dma_start3A_32 = arith.constant 0 : i32
      %dma_start3A_33 = arith.constant 0 : i32
      %dma_start3A_34 = tpu.memref_slice %arg2[%dma_start3A_32, %dma_start3A_33] : memref<10240x16xf32, #tpu.memory_space<hbm>> -> memref<10240x16xf32, #tpu.memory_space<hbm>>
      tpu.enqueue_indirect_dma source(%dma_start3A_34 : memref<10240x16xf32, #tpu.memory_space<hbm>>) target(%dma_start3A_28 : memref<128x16xf32, #tpu.memory_space<vmem>>) offsets(%dma_start3A_31 : memref<128xi32, #tpu.memory_space<vmem>>) semaphore(%arg11 : memref<!tpu.dma_semaphore, #tpu.memory_space<semaphore_mem>>)
      %add3A_35 = arith.constant 1 : i32
      %add3A_36 = arith.addi %mul3A_24, %add3A_35 : i32
      %dma_start3A_37 = arith.constant 128 : i32
      %dma_start3A_38 = arith.constant 0 : i32
      %dma_start3A_39 = tpu.memref_slice %arg9[%dma_start3A_37, %dma_start3A_38] : memref<1024x16xf32, #tpu.memory_space<vmem>> -> memref<128x16xf32, #tpu.memory_space<vmem>>
      %dma_start3A_40 = arith.constant 0 : i32
      %dma_start3A_41 = tpu.memref_slice %arg7[%add3A_36, %dma_start3A_40] : memref<80x128xi32, #tpu.memory_space<vmem>> -> memref<1x128xi32, #tpu.memory_space<vmem>>
      %dma_start3A_42 = tpu.memref_squeeze %dma_start3A_41 : memref<1x128xi32, #tpu.memory_space<vmem>> -> memref<128xi32, #tpu.memory_space<vmem>>
      %dma_start3A_43 = arith.constant 0 : i32
      %dma_start3A_44 = arith.constant 0 : i32
      %dma_start3A_45 = tpu.memref_slice %arg2[%dma_start3A_43, %dma_start3A_44] : memref<10240x16xf32, #tpu.memory_space<hbm>> -> memref<10240x16xf32, #tpu.memory_space<hbm>>
      tpu.enqueue_indirect_dma source(%dma_start3A_45 : memref<10240x16xf32, #tpu.memory_space<hbm>>) target(%dma_start3A_39 : memref<128x16xf32, #tpu.memory_space<vmem>>) offsets(%dma_start3A_42 : memref<128xi32, #tpu.memory_space<vmem>>) semaphore(%arg11 : memref<!tpu.dma_semaphore, #tpu.memory_space<semaphore_mem>>)
      %add3A_46 = arith.constant 2 : i32
      %add3A_47 = arith.addi %mul3A_24, %add3A_46 : i32
      %dma_start3A_48 = arith.constant 256 : i32
      %dma_start3A_49 = arith.constant 0 : i32
      %dma_start3A_50 = tpu.memref_slice %arg9[%dma_start3A_48, %dma_start3A_49] : memref<1024x16xf32, #tpu.memory_space<vmem>> -> memref<128x16xf32, #tpu.memory_space<vmem>>
      %dma_start3A_51 = arith.constant 0 : i32
      %dma_start3A_52 = tpu.memref_slice %arg7[%add3A_47, %dma_start3A_51] : memref<80x128xi32, #tpu.memory_space<vmem>> -> memref<1x128xi32, #tpu.memory_space<vmem>>
      %dma_start3A_53 = tpu.memref_squeeze %dma_start3A_52 : memref<1x128xi32, #tpu.memory_space<vmem>> -> memref<128xi32, #tpu.memory_space<vmem>>
      %dma_start3A_54 = arith.constant 0 : i32
      %dma_start3A_55 = arith.constant 0 : i32
      %dma_start3A_56 = tpu.memref_slice %arg2[%dma_start3A_54, %dma_start3A_55] : memref<10240x16xf32, #tpu.memory_space<hbm>> -> memref<10240x16xf32, #tpu.memory_space<hbm>>
      tpu.enqueue_indirect_dma source(%dma_start3A_56 : memref<10240x16xf32, #tpu.memory_space<hbm>>) target(%dma_start3A_50 : memref<128x16xf32, #tpu.memory_space<vmem>>) offsets(%dma_start3A_53 : memref<128xi32, #tpu.memory_space<vmem>>) semaphore(%arg11 : memref<!tpu.dma_semaphore, #tpu.memory_space<semaphore_mem>>)
      %add3A_57 = arith.constant 3 : i32
      %add3A_58 = arith.addi %mul3A_24, %add3A_57 : i32
      %dma_start3A_59 = arith.constant 384 : i32
      %dma_start3A_60 = arith.constant 0 : i32
      %dma_start3A_61 = tpu.memref_slice %arg9[%dma_start3A_59, %dma_start3A_60] : memref<1024x16xf32, #tpu.memory_space<vmem>> -> memref<128x16xf32, #tpu.memory_space<vmem>>
      %dma_start3A_62 = arith.constant 0 : i32
      %dma_start3A_63 = tpu.memref_slice %arg7[%add3A_58, %dma_start3A_62] : memref<80x128xi32, #tpu.memory_space<vmem>> -> memref<1x128xi32, #tpu.memory_space<vmem>>
      %dma_start3A_64 = tpu.memref_squeeze %dma_start3A_63 : memref<1x128xi32, #tpu.memory_space<vmem>> -> memref<128xi32, #tpu.memory_space<vmem>>
      %dma_start3A_65 = arith.constant 0 : i32
      %dma_start3A_66 = arith.constant 0 : i32
      %dma_start3A_67 = tpu.memref_slice %arg2[%dma_start3A_65, %dma_start3A_66] : memref<10240x16xf32, #tpu.memory_space<hbm>> -> memref<10240x16xf32, #tpu.memory_space<hbm>>
      tpu.enqueue_indirect_dma source(%dma_start3A_67 : memref<10240x16xf32, #tpu.memory_space<hbm>>) target(%dma_start3A_61 : memref<128x16xf32, #tpu.memory_space<vmem>>) offsets(%dma_start3A_64 : memref<128xi32, #tpu.memory_space<vmem>>) semaphore(%arg11 : memref<!tpu.dma_semaphore, #tpu.memory_space<semaphore_mem>>)
      %add3A_68 = arith.constant 4 : i32
      %add3A_69 = arith.addi %mul3A_24, %add3A_68 : i32
      %dma_start3A_70 = arith.constant 512 : i32
      %dma_start3A_71 = arith.constant 0 : i32
      %dma_start3A_72 = tpu.memref_slice %arg9[%dma_start3A_70, %dma_start3A_71] : memref<1024x16xf32, #tpu.memory_space<vmem>> -> memref<128x16xf32, #tpu.memory_space<vmem>>
      %dma_start3A_73 = arith.constant 0 : i32
      %dma_start3A_74 = tpu.memref_slice %arg7[%add3A_69, %dma_start3A_73] : memref<80x128xi32, #tpu.memory_space<vmem>> -> memref<1x128xi32, #tpu.memory_space<vmem>>
      %dma_start3A_75 = tpu.memref_squeeze %dma_start3A_74 : memref<1x128xi32, #tpu.memory_space<vmem>> -> memref<128xi32, #tpu.memory_space<vmem>>
      %dma_start3A_76 = arith.constant 0 : i32
      %dma_start3A_77 = arith.constant 0 : i32
      %dma_start3A_78 = tpu.memref_slice %arg2[%dma_start3A_76, %dma_start3A_77] : memref<10240x16xf32, #tpu.memory_space<hbm>> -> memref<10240x16xf32, #tpu.memory_space<hbm>>
      tpu.enqueue_indirect_dma source(%dma_start3A_78 : memref<10240x16xf32, #tpu.memory_space<hbm>>) target(%dma_start3A_72 : memref<128x16xf32, #tpu.memory_space<vmem>>) offsets(%dma_start3A_75 : memref<128xi32, #tpu.memory_space<vmem>>) semaphore(%arg11 : memref<!tpu.dma_semaphore, #tpu.memory_space<semaphore_mem>>)
      %add3A_79 = arith.constant 5 : i32
      %add3A_80 = arith.addi %mul3A_24, %add3A_79 : i32
      %dma_start3A_81 = arith.constant 640 : i32
      %dma_start3A_82 = arith.constant 0 : i32
      %dma_start3A_83 = tpu.memref_slice %arg9[%dma_start3A_81, %dma_start3A_82] : memref<1024x16xf32, #tpu.memory_space<vmem>> -> memref<128x16xf32, #tpu.memory_space<vmem>>
      %dma_start3A_84 = arith.constant 0 : i32
      %dma_start3A_85 = tpu.memref_slice %arg7[%add3A_80, %dma_start3A_84] : memref<80x128xi32, #tpu.memory_space<vmem>> -> memref<1x128xi32, #tpu.memory_space<vmem>>
      %dma_start3A_86 = tpu.memref_squeeze %dma_start3A_85 : memref<1x128xi32, #tpu.memory_space<vmem>> -> memref<128xi32, #tpu.memory_space<vmem>>
      %dma_start3A_87 = arith.constant 0 : i32
      %dma_start3A_88 = arith.constant 0 : i32
      %dma_start3A_89 = tpu.memref_slice %arg2[%dma_start3A_87, %dma_start3A_88] : memref<10240x16xf32, #tpu.memory_space<hbm>> -> memref<10240x16xf32, #tpu.memory_space<hbm>>
      tpu.enqueue_indirect_dma source(%dma_start3A_89 : memref<10240x16xf32, #tpu.memory_space<hbm>>) target(%dma_start3A_83 : memref<128x16xf32, #tpu.memory_space<vmem>>) offsets(%dma_start3A_86 : memref<128xi32, #tpu.memory_space<vmem>>) semaphore(%arg11 : memref<!tpu.dma_semaphore, #tpu.memory_space<semaphore_mem>>)
      %add3A_90 = arith.constant 6 : i32
      %add3A_91 = arith.addi %mul3A_24, %add3A_90 : i32
      %dma_start3A_92 = arith.constant 768 : i32
      %dma_start3A_93 = arith.constant 0 : i32
      %dma_start3A_94 = tpu.memref_slice %arg9[%dma_start3A_92, %dma_start3A_93] : memref<1024x16xf32, #tpu.memory_space<vmem>> -> memref<128x16xf32, #tpu.memory_space<vmem>>
      %dma_start3A_95 = arith.constant 0 : i32
      %dma_start3A_96 = tpu.memref_slice %arg7[%add3A_91, %dma_start3A_95] : memref<80x128xi32, #tpu.memory_space<vmem>> -> memref<1x128xi32, #tpu.memory_space<vmem>>
      %dma_start3A_97 = tpu.memref_squeeze %dma_start3A_96 : memref<1x128xi32, #tpu.memory_space<vmem>> -> memref<128xi32, #tpu.memory_space<vmem>>
      %dma_start3A_98 = arith.constant 0 : i32
      %dma_start3A_99 = arith.constant 0 : i32
      %dma_start3A_100 = tpu.memref_slice %arg2[%dma_start3A_98, %dma_start3A_99] : memref<10240x16xf32, #tpu.memory_space<hbm>> -> memref<10240x16xf32, #tpu.memory_space<hbm>>
      tpu.enqueue_indirect_dma source(%dma_start3A_100 : memref<10240x16xf32, #tpu.memory_space<hbm>>) target(%dma_start3A_94 : memref<128x16xf32, #tpu.memory_space<vmem>>) offsets(%dma_start3A_97 : memref<128xi32, #tpu.memory_space<vmem>>) semaphore(%arg11 : memref<!tpu.dma_semaphore, #tpu.memory_space<semaphore_mem>>)
      %add3A_101 = arith.constant 7 : i32
      %add3A_102 = arith.addi %mul3A_24, %add3A_101 : i32
      %dma_start3A_103 = arith.constant 896 : i32
      %dma_start3A_104 = arith.constant 0 : i32
      %dma_start3A_105 = tpu.memref_slice %arg9[%dma_start3A_103, %dma_start3A_104] : memref<1024x16xf32, #tpu.memory_space<vmem>> -> memref<128x16xf32, #tpu.memory_space<vmem>>
      %dma_start3A_106 = arith.constant 0 : i32
      %dma_start3A_107 = tpu.memref_slice %arg7[%add3A_102, %dma_start3A_106] : memref<80x128xi32, #tpu.memory_space<vmem>> -> memref<1x128xi32, #tpu.memory_space<vmem>>
      %dma_start3A_108 = tpu.memref_squeeze %dma_start3A_107 : memref<1x128xi32, #tpu.memory_space<vmem>> -> memref<128xi32, #tpu.memory_space<vmem>>
      %dma_start3A_109 = arith.constant 0 : i32
      %dma_start3A_110 = arith.constant 0 : i32
      %dma_start3A_111 = tpu.memref_slice %arg2[%dma_start3A_109, %dma_start3A_110] : memref<10240x16xf32, #tpu.memory_space<hbm>> -> memref<10240x16xf32, #tpu.memory_space<hbm>>
      tpu.enqueue_indirect_dma source(%dma_start3A_111 : memref<10240x16xf32, #tpu.memory_space<hbm>>) target(%dma_start3A_105 : memref<128x16xf32, #tpu.memory_space<vmem>>) offsets(%dma_start3A_108 : memref<128xi32, #tpu.memory_space<vmem>>) semaphore(%arg11 : memref<!tpu.dma_semaphore, #tpu.memory_space<semaphore_mem>>)
      %dma_wait3A = arith.constant 0 : i32
      %dma_wait3A_112 = arith.constant 0 : i32
      %dma_wait3A_113 = tpu.memref_slice %arg9[%dma_wait3A, %dma_wait3A_112] : memref<1024x16xf32, #tpu.memory_space<vmem>> -> memref<128x16xf32, #tpu.memory_space<vmem>>
      %dma_wait3A_114 = arith.constant 0 : i32
      %dma_wait3A_115 = tpu.memref_slice %arg7[%add3A_26, %dma_wait3A_114] : memref<80x128xi32, #tpu.memory_space<vmem>> -> memref<1x128xi32, #tpu.memory_space<vmem>>
      %dma_wait3A_116 = tpu.memref_squeeze %dma_wait3A_115 : memref<1x128xi32, #tpu.memory_space<vmem>> -> memref<128xi32, #tpu.memory_space<vmem>>
      %dma_wait3A_117 = arith.constant 0 : i32
      %dma_wait3A_118 = arith.constant 0 : i32
      %dma_wait3A_119 = tpu.memref_slice %arg2[%dma_wait3A_117, %dma_wait3A_118] : memref<10240x16xf32, #tpu.memory_space<hbm>> -> memref<10240x16xf32, #tpu.memory_space<hbm>>
      tpu.wait_indirect_dma semaphore(%arg11 : memref<!tpu.dma_semaphore, #tpu.memory_space<semaphore_mem>>) src(%dma_wait3A_119 : memref<10240x16xf32, #tpu.memory_space<hbm>>) dst(%dma_wait3A_113 : memref<128x16xf32, #tpu.memory_space<vmem>>)
      %dma_wait3A_120 = arith.constant 128 : i32
      %dma_wait3A_121 = arith.constant 0 : i32
      %dma_wait3A_122 = tpu.memref_slice %arg9[%dma_wait3A_120, %dma_wait3A_121] : memref<1024x16xf32, #tpu.memory_space<vmem>> -> memref<128x16xf32, #tpu.memory_space<vmem>>
      %dma_wait3A_123 = arith.constant 0 : i32
      %dma_wait3A_124 = tpu.memref_slice %arg7[%add3A_36, %dma_wait3A_123] : memref<80x128xi32, #tpu.memory_space<vmem>> -> memref<1x128xi32, #tpu.memory_space<vmem>>
      %dma_wait3A_125 = tpu.memref_squeeze %dma_wait3A_124 : memref<1x128xi32, #tpu.memory_space<vmem>> -> memref<128xi32, #tpu.memory_space<vmem>>
      %dma_wait3A_126 = arith.constant 0 : i32
      %dma_wait3A_127 = arith.constant 0 : i32
      %dma_wait3A_128 = tpu.memref_slice %arg2[%dma_wait3A_126, %dma_wait3A_127] : memref<10240x16xf32, #tpu.memory_space<hbm>> -> memref<10240x16xf32, #tpu.memory_space<hbm>>
      tpu.wait_indirect_dma semaphore(%arg11 : memref<!tpu.dma_semaphore, #tpu.memory_space<semaphore_mem>>) src(%dma_wait3A_128 : memref<10240x16xf32, #tpu.memory_space<hbm>>) dst(%dma_wait3A_122 : memref<128x16xf32, #tpu.memory_space<vmem>>)
      %dma_wait3A_129 = arith.constant 256 : i32
      %dma_wait3A_130 = arith.constant 0 : i32
      %dma_wait3A_131 = tpu.memref_slice %arg9[%dma_wait3A_129, %dma_wait3A_130] : memref<1024x16xf32, #tpu.memory_space<vmem>> -> memref<128x16xf32, #tpu.memory_space<vmem>>
      %dma_wait3A_132 = arith.constant 0 : i32
      %dma_wait3A_133 = tpu.memref_slice %arg7[%add3A_47, %dma_wait3A_132] : memref<80x128xi32, #tpu.memory_space<vmem>> -> memref<1x128xi32, #tpu.memory_space<vmem>>
      %dma_wait3A_134 = tpu.memref_squeeze %dma_wait3A_133 : memref<1x128xi32, #tpu.memory_space<vmem>> -> memref<128xi32, #tpu.memory_space<vmem>>
      %dma_wait3A_135 = arith.constant 0 : i32
      %dma_wait3A_136 = arith.constant 0 : i32
      %dma_wait3A_137 = tpu.memref_slice %arg2[%dma_wait3A_135, %dma_wait3A_136] : memref<10240x16xf32, #tpu.memory_space<hbm>> -> memref<10240x16xf32, #tpu.memory_space<hbm>>
      tpu.wait_indirect_dma semaphore(%arg11 : memref<!tpu.dma_semaphore, #tpu.memory_space<semaphore_mem>>) src(%dma_wait3A_137 : memref<10240x16xf32, #tpu.memory_space<hbm>>) dst(%dma_wait3A_131 : memref<128x16xf32, #tpu.memory_space<vmem>>)
      %dma_wait3A_138 = arith.constant 384 : i32
      %dma_wait3A_139 = arith.constant 0 : i32
      %dma_wait3A_140 = tpu.memref_slice %arg9[%dma_wait3A_138, %dma_wait3A_139] : memref<1024x16xf32, #tpu.memory_space<vmem>> -> memref<128x16xf32, #tpu.memory_space<vmem>>
      %dma_wait3A_141 = arith.constant 0 : i32
      %dma_wait3A_142 = tpu.memref_slice %arg7[%add3A_58, %dma_wait3A_141] : memref<80x128xi32, #tpu.memory_space<vmem>> -> memref<1x128xi32, #tpu.memory_space<vmem>>
      %dma_wait3A_143 = tpu.memref_squeeze %dma_wait3A_142 : memref<1x128xi32, #tpu.memory_space<vmem>> -> memref<128xi32, #tpu.memory_space<vmem>>
      %dma_wait3A_144 = arith.constant 0 : i32
      %dma_wait3A_145 = arith.constant 0 : i32
      %dma_wait3A_146 = tpu.memref_slice %arg2[%dma_wait3A_144, %dma_wait3A_145] : memref<10240x16xf32, #tpu.memory_space<hbm>> -> memref<10240x16xf32, #tpu.memory_space<hbm>>
      tpu.wait_indirect_dma semaphore(%arg11 : memref<!tpu.dma_semaphore, #tpu.memory_space<semaphore_mem>>) src(%dma_wait3A_146 : memref<10240x16xf32, #tpu.memory_space<hbm>>) dst(%dma_wait3A_140 : memref<128x16xf32, #tpu.memory_space<vmem>>)
      %dma_wait3A_147 = arith.constant 512 : i32
      %dma_wait3A_148 = arith.constant 0 : i32
      %dma_wait3A_149 = tpu.memref_slice %arg9[%dma_wait3A_147, %dma_wait3A_148] : memref<1024x16xf32, #tpu.memory_space<vmem>> -> memref<128x16xf32, #tpu.memory_space<vmem>>
      %dma_wait3A_150 = arith.constant 0 : i32
      %dma_wait3A_151 = tpu.memref_slice %arg7[%add3A_69, %dma_wait3A_150] : memref<80x128xi32, #tpu.memory_space<vmem>> -> memref<1x128xi32, #tpu.memory_space<vmem>>
      %dma_wait3A_152 = tpu.memref_squeeze %dma_wait3A_151 : memref<1x128xi32, #tpu.memory_space<vmem>> -> memref<128xi32, #tpu.memory_space<vmem>>
      %dma_wait3A_153 = arith.constant 0 : i32
      %dma_wait3A_154 = arith.constant 0 : i32
      %dma_wait3A_155 = tpu.memref_slice %arg2[%dma_wait3A_153, %dma_wait3A_154] : memref<10240x16xf32, #tpu.memory_space<hbm>> -> memref<10240x16xf32, #tpu.memory_space<hbm>>
      tpu.wait_indirect_dma semaphore(%arg11 : memref<!tpu.dma_semaphore, #tpu.memory_space<semaphore_mem>>) src(%dma_wait3A_155 : memref<10240x16xf32, #tpu.memory_space<hbm>>) dst(%dma_wait3A_149 : memref<128x16xf32, #tpu.memory_space<vmem>>)
      %dma_wait3A_156 = arith.constant 640 : i32
      %dma_wait3A_157 = arith.constant 0 : i32
      %dma_wait3A_158 = tpu.memref_slice %arg9[%dma_wait3A_156, %dma_wait3A_157] : memref<1024x16xf32, #tpu.memory_space<vmem>> -> memref<128x16xf32, #tpu.memory_space<vmem>>
      %dma_wait3A_159 = arith.constant 0 : i32
      %dma_wait3A_160 = tpu.memref_slice %arg7[%add3A_80, %dma_wait3A_159] : memref<80x128xi32, #tpu.memory_space<vmem>> -> memref<1x128xi32, #tpu.memory_space<vmem>>
      %dma_wait3A_161 = tpu.memref_squeeze %dma_wait3A_160 : memref<1x128xi32, #tpu.memory_space<vmem>> -> memref<128xi32, #tpu.memory_space<vmem>>
      %dma_wait3A_162 = arith.constant 0 : i32
      %dma_wait3A_163 = arith.constant 0 : i32
      %dma_wait3A_164 = tpu.memref_slice %arg2[%dma_wait3A_162, %dma_wait3A_163] : memref<10240x16xf32, #tpu.memory_space<hbm>> -> memref<10240x16xf32, #tpu.memory_space<hbm>>
      tpu.wait_indirect_dma semaphore(%arg11 : memref<!tpu.dma_semaphore, #tpu.memory_space<semaphore_mem>>) src(%dma_wait3A_164 : memref<10240x16xf32, #tpu.memory_space<hbm>>) dst(%dma_wait3A_158 : memref<128x16xf32, #tpu.memory_space<vmem>>)
      %dma_wait3A_165 = arith.constant 768 : i32
      %dma_wait3A_166 = arith.constant 0 : i32
      %dma_wait3A_167 = tpu.memref_slice %arg9[%dma_wait3A_165, %dma_wait3A_166] : memref<1024x16xf32, #tpu.memory_space<vmem>> -> memref<128x16xf32, #tpu.memory_space<vmem>>
      %dma_wait3A_168 = arith.constant 0 : i32
      %dma_wait3A_169 = tpu.memref_slice %arg7[%add3A_91, %dma_wait3A_168] : memref<80x128xi32, #tpu.memory_space<vmem>> -> memref<1x128xi32, #tpu.memory_space<vmem>>
      %dma_wait3A_170 = tpu.memref_squeeze %dma_wait3A_169 : memref<1x128xi32, #tpu.memory_space<vmem>> -> memref<128xi32, #tpu.memory_space<vmem>>
      %dma_wait3A_171 = arith.constant 0 : i32
      %dma_wait3A_172 = arith.constant 0 : i32
      %dma_wait3A_173 = tpu.memref_slice %arg2[%dma_wait3A_171, %dma_wait3A_172] : memref<10240x16xf32, #tpu.memory_space<hbm>> -> memref<10240x16xf32, #tpu.memory_space<hbm>>
      tpu.wait_indirect_dma semaphore(%arg11 : memref<!tpu.dma_semaphore, #tpu.memory_space<semaphore_mem>>) src(%dma_wait3A_173 : memref<10240x16xf32, #tpu.memory_space<hbm>>) dst(%dma_wait3A_167 : memref<128x16xf32, #tpu.memory_space<vmem>>)
      %dma_wait3A_174 = arith.constant 896 : i32
      %dma_wait3A_175 = arith.constant 0 : i32
      %dma_wait3A_176 = tpu.memref_slice %arg9[%dma_wait3A_174, %dma_wait3A_175] : memref<1024x16xf32, #tpu.memory_space<vmem>> -> memref<128x16xf32, #tpu.memory_space<vmem>>
      %dma_wait3A_177 = arith.constant 0 : i32
      %dma_wait3A_178 = tpu.memref_slice %arg7[%add3A_102, %dma_wait3A_177] : memref<80x128xi32, #tpu.memory_space<vmem>> -> memref<1x128xi32, #tpu.memory_space<vmem>>
      %dma_wait3A_179 = tpu.memref_squeeze %dma_wait3A_178 : memref<1x128xi32, #tpu.memory_space<vmem>> -> memref<128xi32, #tpu.memory_space<vmem>>
      %dma_wait3A_180 = arith.constant 0 : i32
      %dma_wait3A_181 = arith.constant 0 : i32
      %dma_wait3A_182 = tpu.memref_slice %arg2[%dma_wait3A_180, %dma_wait3A_181] : memref<10240x16xf32, #tpu.memory_space<hbm>> -> memref<10240x16xf32, #tpu.memory_space<hbm>>
      tpu.wait_indirect_dma semaphore(%arg11 : memref<!tpu.dma_semaphore, #tpu.memory_space<semaphore_mem>>) src(%dma_wait3A_182 : memref<10240x16xf32, #tpu.memory_space<hbm>>) dst(%dma_wait3A_176 : memref<128x16xf32, #tpu.memory_space<vmem>>)
      %add3A_183 = arith.constant 0 : i32
      %add3A_184 = arith.addi %mul3A_24, %add3A_183 : i32
      "tpu.region"() ({
        %run_scoped3A = tpu.sem_alloc : memref<!tpu.dma_semaphore, #tpu.memory_space<semaphore_mem>>
        %dma_start3A_199 = arith.constant 0 : i32
        %dma_start3A_200 = arith.constant 0 : i32
        %dma_start3A_201 = tpu.memref_slice %arg9[%dma_start3A_199, %dma_start3A_200] : memref<1024x16xf32, #tpu.memory_space<vmem>> -> memref<128x16xf32, #tpu.memory_space<vmem>>
        %dma_start3A_202 = arith.constant 0 : i32
        %dma_start3A_203 = tpu.memref_slice %arg8[%add3A_184, %dma_start3A_202] : memref<80x128xi32, #tpu.memory_space<vmem>> -> memref<1x128xi32, #tpu.memory_space<vmem>>
        %dma_start3A_204 = tpu.memref_squeeze %dma_start3A_203 : memref<1x128xi32, #tpu.memory_space<vmem>> -> memref<128xi32, #tpu.memory_space<vmem>>
        %dma_start3A_205 = arith.constant 0 : i32
        %dma_start3A_206 = arith.constant 0 : i32
        %dma_start3A_207 = tpu.memref_slice %arg10[%dma_start3A_205, %dma_start3A_206] : memref<10240x16xf32, #tpu.memory_space<vmem_shared>> -> memref<10240x16xf32, #tpu.memory_space<vmem_shared>>
        tpu.enqueue_indirect_dma source(%dma_start3A_201 : memref<128x16xf32, #tpu.memory_space<vmem>>) target(%dma_start3A_207 : memref<10240x16xf32, #tpu.memory_space<vmem_shared>>) offsets(%dma_start3A_204 : memref<128xi32, #tpu.memory_space<vmem>>) semaphore(%run_scoped3A : memref<!tpu.dma_semaphore, #tpu.memory_space<semaphore_mem>>) {add = true}
        %dma_wait3A_208 = arith.constant 0 : i32
        %dma_wait3A_209 = arith.constant 0 : i32
        %dma_wait3A_210 = tpu.memref_slice %arg9[%dma_wait3A_208, %dma_wait3A_209] : memref<1024x16xf32, #tpu.memory_space<vmem>> -> memref<128x16xf32, #tpu.memory_space<vmem>>
        %dma_wait3A_211 = arith.constant 0 : i32
        %dma_wait3A_212 = tpu.memref_slice %arg8[%add3A_184, %dma_wait3A_211] : memref<80x128xi32, #tpu.memory_space<vmem>> -> memref<1x128xi32, #tpu.memory_space<vmem>>
        %dma_wait3A_213 = tpu.memref_squeeze %dma_wait3A_212 : memref<1x128xi32, #tpu.memory_space<vmem>> -> memref<128xi32, #tpu.memory_space<vmem>>
        %dma_wait3A_214 = arith.constant 0 : i32
        %dma_wait3A_215 = arith.constant 0 : i32
        %dma_wait3A_216 = tpu.memref_slice %arg10[%dma_wait3A_214, %dma_wait3A_215] : memref<10240x16xf32, #tpu.memory_space<vmem_shared>> -> memref<10240x16xf32, #tpu.memory_space<vmem_shared>>
        tpu.wait_indirect_dma semaphore(%run_scoped3A : memref<!tpu.dma_semaphore, #tpu.memory_space<semaphore_mem>>) src(%dma_wait3A_210 : memref<128x16xf32, #tpu.memory_space<vmem>>) dst(%dma_wait3A_216 : memref<10240x16xf32, #tpu.memory_space<vmem_shared>>)
        tpu.yield
      }) : () -> ()
      %add3A_185 = arith.constant 1 : i32
      %add3A_186 = arith.addi %mul3A_24, %add3A_185 : i32
      "tpu.region"() ({
        %run_scoped3A = tpu.sem_alloc : memref<!tpu.dma_semaphore, #tpu.memory_space<semaphore_mem>>
        %dma_start3A_199 = arith.constant 128 : i32
        %dma_start3A_200 = arith.constant 0 : i32
        %dma_start3A_201 = tpu.memref_slice %arg9[%dma_start3A_199, %dma_start3A_200] : memref<1024x16xf32, #tpu.memory_space<vmem>> -> memref<128x16xf32, #tpu.memory_space<vmem>>
        %dma_start3A_202 = arith.constant 0 : i32
        %dma_start3A_203 = tpu.memref_slice %arg8[%add3A_186, %dma_start3A_202] : memref<80x128xi32, #tpu.memory_space<vmem>> -> memref<1x128xi32, #tpu.memory_space<vmem>>
        %dma_start3A_204 = tpu.memref_squeeze %dma_start3A_203 : memref<1x128xi32, #tpu.memory_space<vmem>> -> memref<128xi32, #tpu.memory_space<vmem>>
        %dma_start3A_205 = arith.constant 0 : i32
        %dma_start3A_206 = arith.constant 0 : i32
        %dma_start3A_207 = tpu.memref_slice %arg10[%dma_start3A_205, %dma_start3A_206] : memref<10240x16xf32, #tpu.memory_space<vmem_shared>> -> memref<10240x16xf32, #tpu.memory_space<vmem_shared>>
        tpu.enqueue_indirect_dma source(%dma_start3A_201 : memref<128x16xf32, #tpu.memory_space<vmem>>) target(%dma_start3A_207 : memref<10240x16xf32, #tpu.memory_space<vmem_shared>>) offsets(%dma_start3A_204 : memref<128xi32, #tpu.memory_space<vmem>>) semaphore(%run_scoped3A : memref<!tpu.dma_semaphore, #tpu.memory_space<semaphore_mem>>) {add = true}
        %dma_wait3A_208 = arith.constant 128 : i32
        %dma_wait3A_209 = arith.constant 0 : i32
        %dma_wait3A_210 = tpu.memref_slice %arg9[%dma_wait3A_208, %dma_wait3A_209] : memref<1024x16xf32, #tpu.memory_space<vmem>> -> memref<128x16xf32, #tpu.memory_space<vmem>>
        %dma_wait3A_211 = arith.constant 0 : i32
        %dma_wait3A_212 = tpu.memref_slice %arg8[%add3A_186, %dma_wait3A_211] : memref<80x128xi32, #tpu.memory_space<vmem>> -> memref<1x128xi32, #tpu.memory_space<vmem>>
        %dma_wait3A_213 = tpu.memref_squeeze %dma_wait3A_212 : memref<1x128xi32, #tpu.memory_space<vmem>> -> memref<128xi32, #tpu.memory_space<vmem>>
        %dma_wait3A_214 = arith.constant 0 : i32
        %dma_wait3A_215 = arith.constant 0 : i32
        %dma_wait3A_216 = tpu.memref_slice %arg10[%dma_wait3A_214, %dma_wait3A_215] : memref<10240x16xf32, #tpu.memory_space<vmem_shared>> -> memref<10240x16xf32, #tpu.memory_space<vmem_shared>>
        tpu.wait_indirect_dma semaphore(%run_scoped3A : memref<!tpu.dma_semaphore, #tpu.memory_space<semaphore_mem>>) src(%dma_wait3A_210 : memref<128x16xf32, #tpu.memory_space<vmem>>) dst(%dma_wait3A_216 : memref<10240x16xf32, #tpu.memory_space<vmem_shared>>)
        tpu.yield
      }) : () -> ()
      %add3A_187 = arith.constant 2 : i32
      %add3A_188 = arith.addi %mul3A_24, %add3A_187 : i32
      "tpu.region"() ({
        %run_scoped3A = tpu.sem_alloc : memref<!tpu.dma_semaphore, #tpu.memory_space<semaphore_mem>>
        %dma_start3A_199 = arith.constant 256 : i32
        %dma_start3A_200 = arith.constant 0 : i32
        %dma_start3A_201 = tpu.memref_slice %arg9[%dma_start3A_199, %dma_start3A_200] : memref<1024x16xf32, #tpu.memory_space<vmem>> -> memref<128x16xf32, #tpu.memory_space<vmem>>
        %dma_start3A_202 = arith.constant 0 : i32
        %dma_start3A_203 = tpu.memref_slice %arg8[%add3A_188, %dma_start3A_202] : memref<80x128xi32, #tpu.memory_space<vmem>> -> memref<1x128xi32, #tpu.memory_space<vmem>>
        %dma_start3A_204 = tpu.memref_squeeze %dma_start3A_203 : memref<1x128xi32, #tpu.memory_space<vmem>> -> memref<128xi32, #tpu.memory_space<vmem>>
        %dma_start3A_205 = arith.constant 0 : i32
        %dma_start3A_206 = arith.constant 0 : i32
        %dma_start3A_207 = tpu.memref_slice %arg10[%dma_start3A_205, %dma_start3A_206] : memref<10240x16xf32, #tpu.memory_space<vmem_shared>> -> memref<10240x16xf32, #tpu.memory_space<vmem_shared>>
        tpu.enqueue_indirect_dma source(%dma_start3A_201 : memref<128x16xf32, #tpu.memory_space<vmem>>) target(%dma_start3A_207 : memref<10240x16xf32, #tpu.memory_space<vmem_shared>>) offsets(%dma_start3A_204 : memref<128xi32, #tpu.memory_space<vmem>>) semaphore(%run_scoped3A : memref<!tpu.dma_semaphore, #tpu.memory_space<semaphore_mem>>) {add = true}
        %dma_wait3A_208 = arith.constant 256 : i32
        %dma_wait3A_209 = arith.constant 0 : i32
        %dma_wait3A_210 = tpu.memref_slice %arg9[%dma_wait3A_208, %dma_wait3A_209] : memref<1024x16xf32, #tpu.memory_space<vmem>> -> memref<128x16xf32, #tpu.memory_space<vmem>>
        %dma_wait3A_211 = arith.constant 0 : i32
        %dma_wait3A_212 = tpu.memref_slice %arg8[%add3A_188, %dma_wait3A_211] : memref<80x128xi32, #tpu.memory_space<vmem>> -> memref<1x128xi32, #tpu.memory_space<vmem>>
        %dma_wait3A_213 = tpu.memref_squeeze %dma_wait3A_212 : memref<1x128xi32, #tpu.memory_space<vmem>> -> memref<128xi32, #tpu.memory_space<vmem>>
        %dma_wait3A_214 = arith.constant 0 : i32
        %dma_wait3A_215 = arith.constant 0 : i32
        %dma_wait3A_216 = tpu.memref_slice %arg10[%dma_wait3A_214, %dma_wait3A_215] : memref<10240x16xf32, #tpu.memory_space<vmem_shared>> -> memref<10240x16xf32, #tpu.memory_space<vmem_shared>>
        tpu.wait_indirect_dma semaphore(%run_scoped3A : memref<!tpu.dma_semaphore, #tpu.memory_space<semaphore_mem>>) src(%dma_wait3A_210 : memref<128x16xf32, #tpu.memory_space<vmem>>) dst(%dma_wait3A_216 : memref<10240x16xf32, #tpu.memory_space<vmem_shared>>)
        tpu.yield
      }) : () -> ()
      %add3A_189 = arith.constant 3 : i32
      %add3A_190 = arith.addi %mul3A_24, %add3A_189 : i32
      "tpu.region"() ({
        %run_scoped3A = tpu.sem_alloc : memref<!tpu.dma_semaphore, #tpu.memory_space<semaphore_mem>>
        %dma_start3A_199 = arith.constant 384 : i32
        %dma_start3A_200 = arith.constant 0 : i32
        %dma_start3A_201 = tpu.memref_slice %arg9[%dma_start3A_199, %dma_start3A_200] : memref<1024x16xf32, #tpu.memory_space<vmem>> -> memref<128x16xf32, #tpu.memory_space<vmem>>
        %dma_start3A_202 = arith.constant 0 : i32
        %dma_start3A_203 = tpu.memref_slice %arg8[%add3A_190, %dma_start3A_202] : memref<80x128xi32, #tpu.memory_space<vmem>> -> memref<1x128xi32, #tpu.memory_space<vmem>>
        %dma_start3A_204 = tpu.memref_squeeze %dma_start3A_203 : memref<1x128xi32, #tpu.memory_space<vmem>> -> memref<128xi32, #tpu.memory_space<vmem>>
        %dma_start3A_205 = arith.constant 0 : i32
        %dma_start3A_206 = arith.constant 0 : i32
        %dma_start3A_207 = tpu.memref_slice %arg10[%dma_start3A_205, %dma_start3A_206] : memref<10240x16xf32, #tpu.memory_space<vmem_shared>> -> memref<10240x16xf32, #tpu.memory_space<vmem_shared>>
        tpu.enqueue_indirect_dma source(%dma_start3A_201 : memref<128x16xf32, #tpu.memory_space<vmem>>) target(%dma_start3A_207 : memref<10240x16xf32, #tpu.memory_space<vmem_shared>>) offsets(%dma_start3A_204 : memref<128xi32, #tpu.memory_space<vmem>>) semaphore(%run_scoped3A : memref<!tpu.dma_semaphore, #tpu.memory_space<semaphore_mem>>) {add = true}
        %dma_wait3A_208 = arith.constant 384 : i32
        %dma_wait3A_209 = arith.constant 0 : i32
        %dma_wait3A_210 = tpu.memref_slice %arg9[%dma_wait3A_208, %dma_wait3A_209] : memref<1024x16xf32, #tpu.memory_space<vmem>> -> memref<128x16xf32, #tpu.memory_space<vmem>>
        %dma_wait3A_211 = arith.constant 0 : i32
        %dma_wait3A_212 = tpu.memref_slice %arg8[%add3A_190, %dma_wait3A_211] : memref<80x128xi32, #tpu.memory_space<vmem>> -> memref<1x128xi32, #tpu.memory_space<vmem>>
        %dma_wait3A_213 = tpu.memref_squeeze %dma_wait3A_212 : memref<1x128xi32, #tpu.memory_space<vmem>> -> memref<128xi32, #tpu.memory_space<vmem>>
        %dma_wait3A_214 = arith.constant 0 : i32
        %dma_wait3A_215 = arith.constant 0 : i32
        %dma_wait3A_216 = tpu.memref_slice %arg10[%dma_wait3A_214, %dma_wait3A_215] : memref<10240x16xf32, #tpu.memory_space<vmem_shared>> -> memref<10240x16xf32, #tpu.memory_space<vmem_shared>>
        tpu.wait_indirect_dma semaphore(%run_scoped3A : memref<!tpu.dma_semaphore, #tpu.memory_space<semaphore_mem>>) src(%dma_wait3A_210 : memref<128x16xf32, #tpu.memory_space<vmem>>) dst(%dma_wait3A_216 : memref<10240x16xf32, #tpu.memory_space<vmem_shared>>)
        tpu.yield
      }) : () -> ()
      %add3A_191 = arith.constant 4 : i32
      %add3A_192 = arith.addi %mul3A_24, %add3A_191 : i32
      "tpu.region"() ({
        %run_scoped3A = tpu.sem_alloc : memref<!tpu.dma_semaphore, #tpu.memory_space<semaphore_mem>>
        %dma_start3A_199 = arith.constant 512 : i32
        %dma_start3A_200 = arith.constant 0 : i32
        %dma_start3A_201 = tpu.memref_slice %arg9[%dma_start3A_199, %dma_start3A_200] : memref<1024x16xf32, #tpu.memory_space<vmem>> -> memref<128x16xf32, #tpu.memory_space<vmem>>
        %dma_start3A_202 = arith.constant 0 : i32
        %dma_start3A_203 = tpu.memref_slice %arg8[%add3A_192, %dma_start3A_202] : memref<80x128xi32, #tpu.memory_space<vmem>> -> memref<1x128xi32, #tpu.memory_space<vmem>>
        %dma_start3A_204 = tpu.memref_squeeze %dma_start3A_203 : memref<1x128xi32, #tpu.memory_space<vmem>> -> memref<128xi32, #tpu.memory_space<vmem>>
        %dma_start3A_205 = arith.constant 0 : i32
        %dma_start3A_206 = arith.constant 0 : i32
        %dma_start3A_207 = tpu.memref_slice %arg10[%dma_start3A_205, %dma_start3A_206] : memref<10240x16xf32, #tpu.memory_space<vmem_shared>> -> memref<10240x16xf32, #tpu.memory_space<vmem_shared>>
        tpu.enqueue_indirect_dma source(%dma_start3A_201 : memref<128x16xf32, #tpu.memory_space<vmem>>) target(%dma_start3A_207 : memref<10240x16xf32, #tpu.memory_space<vmem_shared>>) offsets(%dma_start3A_204 : memref<128xi32, #tpu.memory_space<vmem>>) semaphore(%run_scoped3A : memref<!tpu.dma_semaphore, #tpu.memory_space<semaphore_mem>>) {add = true}
        %dma_wait3A_208 = arith.constant 512 : i32
        %dma_wait3A_209 = arith.constant 0 : i32
        %dma_wait3A_210 = tpu.memref_slice %arg9[%dma_wait3A_208, %dma_wait3A_209] : memref<1024x16xf32, #tpu.memory_space<vmem>> -> memref<128x16xf32, #tpu.memory_space<vmem>>
        %dma_wait3A_211 = arith.constant 0 : i32
        %dma_wait3A_212 = tpu.memref_slice %arg8[%add3A_192, %dma_wait3A_211] : memref<80x128xi32, #tpu.memory_space<vmem>> -> memref<1x128xi32, #tpu.memory_space<vmem>>
        %dma_wait3A_213 = tpu.memref_squeeze %dma_wait3A_212 : memref<1x128xi32, #tpu.memory_space<vmem>> -> memref<128xi32, #tpu.memory_space<vmem>>
        %dma_wait3A_214 = arith.constant 0 : i32
        %dma_wait3A_215 = arith.constant 0 : i32
        %dma_wait3A_216 = tpu.memref_slice %arg10[%dma_wait3A_214, %dma_wait3A_215] : memref<10240x16xf32, #tpu.memory_space<vmem_shared>> -> memref<10240x16xf32, #tpu.memory_space<vmem_shared>>
        tpu.wait_indirect_dma semaphore(%run_scoped3A : memref<!tpu.dma_semaphore, #tpu.memory_space<semaphore_mem>>) src(%dma_wait3A_210 : memref<128x16xf32, #tpu.memory_space<vmem>>) dst(%dma_wait3A_216 : memref<10240x16xf32, #tpu.memory_space<vmem_shared>>)
        tpu.yield
      }) : () -> ()
      %add3A_193 = arith.constant 5 : i32
      %add3A_194 = arith.addi %mul3A_24, %add3A_193 : i32
      "tpu.region"() ({
        %run_scoped3A = tpu.sem_alloc : memref<!tpu.dma_semaphore, #tpu.memory_space<semaphore_mem>>
        %dma_start3A_199 = arith.constant 640 : i32
        %dma_start3A_200 = arith.constant 0 : i32
        %dma_start3A_201 = tpu.memref_slice %arg9[%dma_start3A_199, %dma_start3A_200] : memref<1024x16xf32, #tpu.memory_space<vmem>> -> memref<128x16xf32, #tpu.memory_space<vmem>>
        %dma_start3A_202 = arith.constant 0 : i32
        %dma_start3A_203 = tpu.memref_slice %arg8[%add3A_194, %dma_start3A_202] : memref<80x128xi32, #tpu.memory_space<vmem>> -> memref<1x128xi32, #tpu.memory_space<vmem>>
        %dma_start3A_204 = tpu.memref_squeeze %dma_start3A_203 : memref<1x128xi32, #tpu.memory_space<vmem>> -> memref<128xi32, #tpu.memory_space<vmem>>
        %dma_start3A_205 = arith.constant 0 : i32
        %dma_start3A_206 = arith.constant 0 : i32
        %dma_start3A_207 = tpu.memref_slice %arg10[%dma_start3A_205, %dma_start3A_206] : memref<10240x16xf32, #tpu.memory_space<vmem_shared>> -> memref<10240x16xf32, #tpu.memory_space<vmem_shared>>
        tpu.enqueue_indirect_dma source(%dma_start3A_201 : memref<128x16xf32, #tpu.memory_space<vmem>>) target(%dma_start3A_207 : memref<10240x16xf32, #tpu.memory_space<vmem_shared>>) offsets(%dma_start3A_204 : memref<128xi32, #tpu.memory_space<vmem>>) semaphore(%run_scoped3A : memref<!tpu.dma_semaphore, #tpu.memory_space<semaphore_mem>>) {add = true}
        %dma_wait3A_208 = arith.constant 640 : i32
        %dma_wait3A_209 = arith.constant 0 : i32
        %dma_wait3A_210 = tpu.memref_slice %arg9[%dma_wait3A_208, %dma_wait3A_209] : memref<1024x16xf32, #tpu.memory_space<vmem>> -> memref<128x16xf32, #tpu.memory_space<vmem>>
        %dma_wait3A_211 = arith.constant 0 : i32
        %dma_wait3A_212 = tpu.memref_slice %arg8[%add3A_194, %dma_wait3A_211] : memref<80x128xi32, #tpu.memory_space<vmem>> -> memref<1x128xi32, #tpu.memory_space<vmem>>
        %dma_wait3A_213 = tpu.memref_squeeze %dma_wait3A_212 : memref<1x128xi32, #tpu.memory_space<vmem>> -> memref<128xi32, #tpu.memory_space<vmem>>
        %dma_wait3A_214 = arith.constant 0 : i32
        %dma_wait3A_215 = arith.constant 0 : i32
        %dma_wait3A_216 = tpu.memref_slice %arg10[%dma_wait3A_214, %dma_wait3A_215] : memref<10240x16xf32, #tpu.memory_space<vmem_shared>> -> memref<10240x16xf32, #tpu.memory_space<vmem_shared>>
        tpu.wait_indirect_dma semaphore(%run_scoped3A : memref<!tpu.dma_semaphore, #tpu.memory_space<semaphore_mem>>) src(%dma_wait3A_210 : memref<128x16xf32, #tpu.memory_space<vmem>>) dst(%dma_wait3A_216 : memref<10240x16xf32, #tpu.memory_space<vmem_shared>>)
        tpu.yield
      }) : () -> ()
      %add3A_195 = arith.constant 6 : i32
      %add3A_196 = arith.addi %mul3A_24, %add3A_195 : i32
      "tpu.region"() ({
        %run_scoped3A = tpu.sem_alloc : memref<!tpu.dma_semaphore, #tpu.memory_space<semaphore_mem>>
        %dma_start3A_199 = arith.constant 768 : i32
        %dma_start3A_200 = arith.constant 0 : i32
        %dma_start3A_201 = tpu.memref_slice %arg9[%dma_start3A_199, %dma_start3A_200] : memref<1024x16xf32, #tpu.memory_space<vmem>> -> memref<128x16xf32, #tpu.memory_space<vmem>>
        %dma_start3A_202 = arith.constant 0 : i32
        %dma_start3A_203 = tpu.memref_slice %arg8[%add3A_196, %dma_start3A_202] : memref<80x128xi32, #tpu.memory_space<vmem>> -> memref<1x128xi32, #tpu.memory_space<vmem>>
        %dma_start3A_204 = tpu.memref_squeeze %dma_start3A_203 : memref<1x128xi32, #tpu.memory_space<vmem>> -> memref<128xi32, #tpu.memory_space<vmem>>
        %dma_start3A_205 = arith.constant 0 : i32
        %dma_start3A_206 = arith.constant 0 : i32
        %dma_start3A_207 = tpu.memref_slice %arg10[%dma_start3A_205, %dma_start3A_206] : memref<10240x16xf32, #tpu.memory_space<vmem_shared>> -> memref<10240x16xf32, #tpu.memory_space<vmem_shared>>
        tpu.enqueue_indirect_dma source(%dma_start3A_201 : memref<128x16xf32, #tpu.memory_space<vmem>>) target(%dma_start3A_207 : memref<10240x16xf32, #tpu.memory_space<vmem_shared>>) offsets(%dma_start3A_204 : memref<128xi32, #tpu.memory_space<vmem>>) semaphore(%run_scoped3A : memref<!tpu.dma_semaphore, #tpu.memory_space<semaphore_mem>>) {add = true}
        %dma_wait3A_208 = arith.constant 768 : i32
        %dma_wait3A_209 = arith.constant 0 : i32
        %dma_wait3A_210 = tpu.memref_slice %arg9[%dma_wait3A_208, %dma_wait3A_209] : memref<1024x16xf32, #tpu.memory_space<vmem>> -> memref<128x16xf32, #tpu.memory_space<vmem>>
        %dma_wait3A_211 = arith.constant 0 : i32
        %dma_wait3A_212 = tpu.memref_slice %arg8[%add3A_196, %dma_wait3A_211] : memref<80x128xi32, #tpu.memory_space<vmem>> -> memref<1x128xi32, #tpu.memory_space<vmem>>
        %dma_wait3A_213 = tpu.memref_squeeze %dma_wait3A_212 : memref<1x128xi32, #tpu.memory_space<vmem>> -> memref<128xi32, #tpu.memory_space<vmem>>
        %dma_wait3A_214 = arith.constant 0 : i32
        %dma_wait3A_215 = arith.constant 0 : i32
        %dma_wait3A_216 = tpu.memref_slice %arg10[%dma_wait3A_214, %dma_wait3A_215] : memref<10240x16xf32, #tpu.memory_space<vmem_shared>> -> memref<10240x16xf32, #tpu.memory_space<vmem_shared>>
        tpu.wait_indirect_dma semaphore(%run_scoped3A : memref<!tpu.dma_semaphore, #tpu.memory_space<semaphore_mem>>) src(%dma_wait3A_210 : memref<128x16xf32, #tpu.memory_space<vmem>>) dst(%dma_wait3A_216 : memref<10240x16xf32, #tpu.memory_space<vmem_shared>>)
        tpu.yield
      }) : () -> ()
      %add3A_197 = arith.constant 7 : i32
      %add3A_198 = arith.addi %mul3A_24, %add3A_197 : i32
      "tpu.region"() ({
        %run_scoped3A = tpu.sem_alloc : memref<!tpu.dma_semaphore, #tpu.memory_space<semaphore_mem>>
        %dma_start3A_199 = arith.constant 896 : i32
        %dma_start3A_200 = arith.constant 0 : i32
        %dma_start3A_201 = tpu.memref_slice %arg9[%dma_start3A_199, %dma_start3A_200] : memref<1024x16xf32, #tpu.memory_space<vmem>> -> memref<128x16xf32, #tpu.memory_space<vmem>>
        %dma_start3A_202 = arith.constant 0 : i32
        %dma_start3A_203 = tpu.memref_slice %arg8[%add3A_198, %dma_start3A_202] : memref<80x128xi32, #tpu.memory_space<vmem>> -> memref<1x128xi32, #tpu.memory_space<vmem>>
        %dma_start3A_204 = tpu.memref_squeeze %dma_start3A_203 : memref<1x128xi32, #tpu.memory_space<vmem>> -> memref<128xi32, #tpu.memory_space<vmem>>
        %dma_start3A_205 = arith.constant 0 : i32
        %dma_start3A_206 = arith.constant 0 : i32
        %dma_start3A_207 = tpu.memref_slice %arg10[%dma_start3A_205, %dma_start3A_206] : memref<10240x16xf32, #tpu.memory_space<vmem_shared>> -> memref<10240x16xf32, #tpu.memory_space<vmem_shared>>
        tpu.enqueue_indirect_dma source(%dma_start3A_201 : memref<128x16xf32, #tpu.memory_space<vmem>>) target(%dma_start3A_207 : memref<10240x16xf32, #tpu.memory_space<vmem_shared>>) offsets(%dma_start3A_204 : memref<128xi32, #tpu.memory_space<vmem>>) semaphore(%run_scoped3A : memref<!tpu.dma_semaphore, #tpu.memory_space<semaphore_mem>>) {add = true}
        %dma_wait3A_208 = arith.constant 896 : i32
        %dma_wait3A_209 = arith.constant 0 : i32
        %dma_wait3A_210 = tpu.memref_slice %arg9[%dma_wait3A_208, %dma_wait3A_209] : memref<1024x16xf32, #tpu.memory_space<vmem>> -> memref<128x16xf32, #tpu.memory_space<vmem>>
        %dma_wait3A_211 = arith.constant 0 : i32
        %dma_wait3A_212 = tpu.memref_slice %arg8[%add3A_198, %dma_wait3A_211] : memref<80x128xi32, #tpu.memory_space<vmem>> -> memref<1x128xi32, #tpu.memory_space<vmem>>
        %dma_wait3A_213 = tpu.memref_squeeze %dma_wait3A_212 : memref<1x128xi32, #tpu.memory_space<vmem>> -> memref<128xi32, #tpu.memory_space<vmem>>
        %dma_wait3A_214 = arith.constant 0 : i32
        %dma_wait3A_215 = arith.constant 0 : i32
        %dma_wait3A_216 = tpu.memref_slice %arg10[%dma_wait3A_214, %dma_wait3A_215] : memref<10240x16xf32, #tpu.memory_space<vmem_shared>> -> memref<10240x16xf32, #tpu.memory_space<vmem_shared>>
        tpu.wait_indirect_dma semaphore(%run_scoped3A : memref<!tpu.dma_semaphore, #tpu.memory_space<semaphore_mem>>) src(%dma_wait3A_210 : memref<128x16xf32, #tpu.memory_space<vmem>>) dst(%dma_wait3A_216 : memref<10240x16xf32, #tpu.memory_space<vmem_shared>>)
        tpu.yield
      }) : () -> ()
    }
    %scan3A_13 = arith.constant 10 : i32
    %barrier3A_14 = arith.constant 0 : index
    tpu.barrier barrier_id(%barrier3A_14)
    %mul3A_15 = arith.constant 640 : i32
    %mul3A_16 = arith.muli %arg1, %mul3A_15 : i32
    %mul3A_17 = arith.constant 10240 : i32
    %mul3A_18 = arith.muli %arg0, %mul3A_17 : i32
    %mul3A_19 = arith.constant 640 : i32
    %mul3A_20 = arith.muli %arg1, %mul3A_19 : i32
    %add3A_21 = arith.addi %mul3A_18, %mul3A_20 : i32
    "tpu.region"() ({
      %run_scoped3A = tpu.sem_alloc : memref<!tpu.dma_semaphore, #tpu.memory_space<semaphore_mem>>
      %dma_start3A = arith.constant 0 : i32
      %dma_start3A_22 = tpu.memref_slice %arg6[%add3A_21, %dma_start3A] : memref<20480x16xf32, #tpu.memory_space<hbm>> -> memref<640x16xf32, #tpu.memory_space<hbm>>
      %dma_start3A_23 = arith.constant 0 : i32
      %dma_start3A_24 = tpu.memref_slice %arg10[%mul3A_16, %dma_start3A_23] : memref<10240x16xf32, #tpu.memory_space<vmem_shared>> -> memref<640x16xf32, #tpu.memory_space<vmem_shared>>
      tpu.enqueue_dma source(%dma_start3A_24 : memref<640x16xf32, #tpu.memory_space<vmem_shared>>) target(%dma_start3A_22 : memref<640x16xf32, #tpu.memory_space<hbm>>) target_semaphore(%run_scoped3A : memref<!tpu.dma_semaphore, #tpu.memory_space<semaphore_mem>>)
      %dma_wait3A = arith.constant 0 : i32
      %dma_wait3A_25 = tpu.memref_slice %arg6[%add3A_21, %dma_wait3A] : memref<20480x16xf32, #tpu.memory_space<hbm>> -> memref<640x16xf32, #tpu.memory_space<hbm>>
      %dma_wait3A_26 = arith.constant 0 : i32
      %dma_wait3A_27 = tpu.memref_slice %arg10[%mul3A_16, %dma_wait3A_26] : memref<10240x16xf32, #tpu.memory_space<vmem_shared>> -> memref<640x16xf32, #tpu.memory_space<vmem_shared>>
      tpu.wait_dma2 semaphore(%run_scoped3A : memref<!tpu.dma_semaphore, #tpu.memory_space<semaphore_mem>>) src(%dma_wait3A_27 : memref<640x16xf32, #tpu.memory_space<vmem_shared>>) dst(%dma_wait3A_25 : memref<640x16xf32, #tpu.memory_space<hbm>>)
      tpu.yield
    }) : () -> ()
    return
  }
}

#map = affine_map<(d0, d1) -> (0, 0)>
module attributes {stable_mosaic.version = 14 : i64} {
  func.func @_sc_agg(%arg0: i32, %arg1: i32, %arg2: memref<10240x16xf32, #tpu.memory_space<hbm>>, %arg3: memref<2560x128xi32, #tpu.memory_space<hbm>>, %arg4: memref<2560x128xi32, #tpu.memory_space<hbm>>, %arg5: memref<10240x16xf32, #tpu.memory_space<hbm>>, %arg6: memref<20480x16xf32, #tpu.memory_space<hbm>>, %arg7: memref<80x128xi32, #tpu.memory_space<vmem>>, %arg8: memref<80x128xi32, #tpu.memory_space<vmem>>, %arg9: memref<1024x16xf32, #tpu.memory_space<vmem>>, %arg10: memref<10240x16xf32, #tpu.memory_space<vmem_shared>>, %arg11: memref<!tpu.dma_semaphore, #tpu.memory_space<semaphore_mem>>) attributes {dimension_semantics = [#tpu.dimension_semantics<core_parallel>, #tpu.dimension_semantics<subcore_parallel>], iteration_bounds = array<i64: 2, 16>, scalar_prefetch = 0 : i64, scratch_operands = 5 : i64, tpu.core_type = #tpu.core_type<sc_vector_subcore>, window_params = [{transform_indices = #map}, {transform_indices = #map}, {transform_indices = #map}, {transform_indices = #map}, {transform_indices = #map}]} {
    %mul3A = arith.constant 16 : i32
    %mul3A_0 = arith.muli %arg0, %mul3A : i32
    %add3A = arith.addi %mul3A_0, %arg1 : i32
    %mul3A_1 = arith.constant 640 : i32
    %mul3A_2 = arith.muli %arg1, %mul3A_1 : i32
    %mul3A_3 = arith.constant 640 : i32
    %mul3A_4 = arith.muli %arg1, %mul3A_3 : i32
    "tpu.region"() ({
      %run_scoped3A = tpu.sem_alloc : memref<!tpu.dma_semaphore, #tpu.memory_space<semaphore_mem>>
      %dma_start3A = arith.constant 0 : i32
      %dma_start3A_22 = tpu.memref_slice %arg10[%mul3A_4, %dma_start3A] : memref<10240x16xf32, #tpu.memory_space<vmem_shared>> -> memref<640x16xf32, #tpu.memory_space<vmem_shared>>
      %dma_start3A_23 = arith.constant 0 : i32
      %dma_start3A_24 = tpu.memref_slice %arg5[%mul3A_2, %dma_start3A_23] : memref<10240x16xf32, #tpu.memory_space<hbm>> -> memref<640x16xf32, #tpu.memory_space<hbm>>
      tpu.enqueue_dma source(%dma_start3A_24 : memref<640x16xf32, #tpu.memory_space<hbm>>) target(%dma_start3A_22 : memref<640x16xf32, #tpu.memory_space<vmem_shared>>) target_semaphore(%run_scoped3A : memref<!tpu.dma_semaphore, #tpu.memory_space<semaphore_mem>>)
      %dma_wait3A = arith.constant 0 : i32
      %dma_wait3A_25 = tpu.memref_slice %arg10[%mul3A_4, %dma_wait3A] : memref<10240x16xf32, #tpu.memory_space<vmem_shared>> -> memref<640x16xf32, #tpu.memory_space<vmem_shared>>
      %dma_wait3A_26 = arith.constant 0 : i32
      %dma_wait3A_27 = tpu.memref_slice %arg5[%mul3A_2, %dma_wait3A_26] : memref<10240x16xf32, #tpu.memory_space<hbm>> -> memref<640x16xf32, #tpu.memory_space<hbm>>
      tpu.wait_dma2 semaphore(%run_scoped3A : memref<!tpu.dma_semaphore, #tpu.memory_space<semaphore_mem>>) src(%dma_wait3A_27 : memref<640x16xf32, #tpu.memory_space<hbm>>) dst(%dma_wait3A_25 : memref<640x16xf32, #tpu.memory_space<vmem_shared>>)
      tpu.yield
    }) : () -> ()
    %mul3A_5 = arith.constant 80 : i32
    %mul3A_6 = arith.muli %add3A, %mul3A_5 : i32
    "tpu.region"() ({
      %run_scoped3A = tpu.sem_alloc : memref<!tpu.dma_semaphore, #tpu.memory_space<semaphore_mem>>
      %dma_start3A = arith.constant 0 : i32
      %dma_start3A_22 = tpu.memref_slice %arg3[%mul3A_6, %dma_start3A] : memref<2560x128xi32, #tpu.memory_space<hbm>> -> memref<80x128xi32, #tpu.memory_space<hbm>>
      %dma_start3A_23 = arith.constant 0 : i32
      %dma_start3A_24 = tpu.memref_slice %arg3[%mul3A_6, %dma_start3A_23] : memref<2560x128xi32, #tpu.memory_space<hbm>> -> memref<80x128xi32, #tpu.memory_space<hbm>>
      tpu.enqueue_dma source(%dma_start3A_24 : memref<80x128xi32, #tpu.memory_space<hbm>>) target(%arg7 : memref<80x128xi32, #tpu.memory_space<vmem>>) target_semaphore(%run_scoped3A : memref<!tpu.dma_semaphore, #tpu.memory_space<semaphore_mem>>)
      %dma_wait3A = arith.constant 0 : i32
      %dma_wait3A_25 = tpu.memref_slice %arg3[%mul3A_6, %dma_wait3A] : memref<2560x128xi32, #tpu.memory_space<hbm>> -> memref<80x128xi32, #tpu.memory_space<hbm>>
      %dma_wait3A_26 = arith.constant 0 : i32
      %dma_wait3A_27 = tpu.memref_slice %arg3[%mul3A_6, %dma_wait3A_26] : memref<2560x128xi32, #tpu.memory_space<hbm>> -> memref<80x128xi32, #tpu.memory_space<hbm>>
      tpu.wait_dma2 semaphore(%run_scoped3A : memref<!tpu.dma_semaphore, #tpu.memory_space<semaphore_mem>>) src(%dma_wait3A_27 : memref<80x128xi32, #tpu.memory_space<hbm>>) dst(%arg7 : memref<80x128xi32, #tpu.memory_space<vmem>>)
      tpu.yield
    }) : () -> ()
    %mul3A_7 = arith.constant 80 : i32
    %mul3A_8 = arith.muli %add3A, %mul3A_7 : i32
    "tpu.region"() ({
      %run_scoped3A = tpu.sem_alloc : memref<!tpu.dma_semaphore, #tpu.memory_space<semaphore_mem>>
      %dma_start3A = arith.constant 0 : i32
      %dma_start3A_22 = tpu.memref_slice %arg4[%mul3A_8, %dma_start3A] : memref<2560x128xi32, #tpu.memory_space<hbm>> -> memref<80x128xi32, #tpu.memory_space<hbm>>
      %dma_start3A_23 = arith.constant 0 : i32
      %dma_start3A_24 = tpu.memref_slice %arg4[%mul3A_8, %dma_start3A_23] : memref<2560x128xi32, #tpu.memory_space<hbm>> -> memref<80x128xi32, #tpu.memory_space<hbm>>
      tpu.enqueue_dma source(%dma_start3A_24 : memref<80x128xi32, #tpu.memory_space<hbm>>) target(%arg8 : memref<80x128xi32, #tpu.memory_space<vmem>>) target_semaphore(%run_scoped3A : memref<!tpu.dma_semaphore, #tpu.memory_space<semaphore_mem>>)
      %dma_wait3A = arith.constant 0 : i32
      %dma_wait3A_25 = tpu.memref_slice %arg4[%mul3A_8, %dma_wait3A] : memref<2560x128xi32, #tpu.memory_space<hbm>> -> memref<80x128xi32, #tpu.memory_space<hbm>>
      %dma_wait3A_26 = arith.constant 0 : i32
      %dma_wait3A_27 = tpu.memref_slice %arg4[%mul3A_8, %dma_wait3A_26] : memref<2560x128xi32, #tpu.memory_space<hbm>> -> memref<80x128xi32, #tpu.memory_space<hbm>>
      tpu.wait_dma2 semaphore(%run_scoped3A : memref<!tpu.dma_semaphore, #tpu.memory_space<semaphore_mem>>) src(%dma_wait3A_27 : memref<80x128xi32, #tpu.memory_space<hbm>>) dst(%arg8 : memref<80x128xi32, #tpu.memory_space<vmem>>)
      tpu.yield
    }) : () -> ()
    %barrier3A = arith.constant 0 : index
    tpu.barrier barrier_id(%barrier3A)
    %scan3A = arith.constant 0 : i32
    %scan3A_9 = arith.constant 0 : i32
    %scan3A_10 = arith.constant 10 : i32
    %scan3A_11 = arith.addi %scan3A_9, %scan3A_10 : i32
    %scan3A_12 = arith.constant 1 : i32
    scf.for %scan3A_22 = %scan3A_9 to %scan3A_11 step %scan3A_12  : i32 {
      %mul3A_23 = arith.constant 8 : i32
      %mul3A_24 = arith.muli %scan3A_22, %mul3A_23 : i32
      %add3A_25 = arith.constant 0 : i32
      %add3A_26 = arith.addi %mul3A_24, %add3A_25 : i32
      %dma_start3A = arith.constant 0 : i32
      %dma_start3A_27 = arith.constant 0 : i32
      %dma_start3A_28 = tpu.memref_slice %arg9[%dma_start3A, %dma_start3A_27] : memref<1024x16xf32, #tpu.memory_space<vmem>> -> memref<128x16xf32, #tpu.memory_space<vmem>>
      %dma_start3A_29 = arith.constant 0 : i32
      %dma_start3A_30 = tpu.memref_slice %arg7[%add3A_26, %dma_start3A_29] : memref<80x128xi32, #tpu.memory_space<vmem>> -> memref<1x128xi32, #tpu.memory_space<vmem>>
      %dma_start3A_31 = tpu.memref_squeeze %dma_start3A_30 : memref<1x128xi32, #tpu.memory_space<vmem>> -> memref<128xi32, #tpu.memory_space<vmem>>
      %dma_start3A_32 = arith.constant 0 : i32
      %dma_start3A_33 = arith.constant 0 : i32
      %dma_start3A_34 = tpu.memref_slice %arg2[%dma_start3A_32, %dma_start3A_33] : memref<10240x16xf32, #tpu.memory_space<hbm>> -> memref<10240x16xf32, #tpu.memory_space<hbm>>
      tpu.enqueue_indirect_dma source(%dma_start3A_34 : memref<10240x16xf32, #tpu.memory_space<hbm>>) target(%dma_start3A_28 : memref<128x16xf32, #tpu.memory_space<vmem>>) offsets(%dma_start3A_31 : memref<128xi32, #tpu.memory_space<vmem>>) semaphore(%arg11 : memref<!tpu.dma_semaphore, #tpu.memory_space<semaphore_mem>>)
      %add3A_35 = arith.constant 1 : i32
      %add3A_36 = arith.addi %mul3A_24, %add3A_35 : i32
      %dma_start3A_37 = arith.constant 128 : i32
      %dma_start3A_38 = arith.constant 0 : i32
      %dma_start3A_39 = tpu.memref_slice %arg9[%dma_start3A_37, %dma_start3A_38] : memref<1024x16xf32, #tpu.memory_space<vmem>> -> memref<128x16xf32, #tpu.memory_space<vmem>>
      %dma_start3A_40 = arith.constant 0 : i32
      %dma_start3A_41 = tpu.memref_slice %arg7[%add3A_36, %dma_start3A_40] : memref<80x128xi32, #tpu.memory_space<vmem>> -> memref<1x128xi32, #tpu.memory_space<vmem>>
      %dma_start3A_42 = tpu.memref_squeeze %dma_start3A_41 : memref<1x128xi32, #tpu.memory_space<vmem>> -> memref<128xi32, #tpu.memory_space<vmem>>
      %dma_start3A_43 = arith.constant 0 : i32
      %dma_start3A_44 = arith.constant 0 : i32
      %dma_start3A_45 = tpu.memref_slice %arg2[%dma_start3A_43, %dma_start3A_44] : memref<10240x16xf32, #tpu.memory_space<hbm>> -> memref<10240x16xf32, #tpu.memory_space<hbm>>
      tpu.enqueue_indirect_dma source(%dma_start3A_45 : memref<10240x16xf32, #tpu.memory_space<hbm>>) target(%dma_start3A_39 : memref<128x16xf32, #tpu.memory_space<vmem>>) offsets(%dma_start3A_42 : memref<128xi32, #tpu.memory_space<vmem>>) semaphore(%arg11 : memref<!tpu.dma_semaphore, #tpu.memory_space<semaphore_mem>>)
      %add3A_46 = arith.constant 2 : i32
      %add3A_47 = arith.addi %mul3A_24, %add3A_46 : i32
      %dma_start3A_48 = arith.constant 256 : i32
      %dma_start3A_49 = arith.constant 0 : i32
      %dma_start3A_50 = tpu.memref_slice %arg9[%dma_start3A_48, %dma_start3A_49] : memref<1024x16xf32, #tpu.memory_space<vmem>> -> memref<128x16xf32, #tpu.memory_space<vmem>>
      %dma_start3A_51 = arith.constant 0 : i32
      %dma_start3A_52 = tpu.memref_slice %arg7[%add3A_47, %dma_start3A_51] : memref<80x128xi32, #tpu.memory_space<vmem>> -> memref<1x128xi32, #tpu.memory_space<vmem>>
      %dma_start3A_53 = tpu.memref_squeeze %dma_start3A_52 : memref<1x128xi32, #tpu.memory_space<vmem>> -> memref<128xi32, #tpu.memory_space<vmem>>
      %dma_start3A_54 = arith.constant 0 : i32
      %dma_start3A_55 = arith.constant 0 : i32
      %dma_start3A_56 = tpu.memref_slice %arg2[%dma_start3A_54, %dma_start3A_55] : memref<10240x16xf32, #tpu.memory_space<hbm>> -> memref<10240x16xf32, #tpu.memory_space<hbm>>
      tpu.enqueue_indirect_dma source(%dma_start3A_56 : memref<10240x16xf32, #tpu.memory_space<hbm>>) target(%dma_start3A_50 : memref<128x16xf32, #tpu.memory_space<vmem>>) offsets(%dma_start3A_53 : memref<128xi32, #tpu.memory_space<vmem>>) semaphore(%arg11 : memref<!tpu.dma_semaphore, #tpu.memory_space<semaphore_mem>>)
      %add3A_57 = arith.constant 3 : i32
      %add3A_58 = arith.addi %mul3A_24, %add3A_57 : i32
      %dma_start3A_59 = arith.constant 384 : i32
      %dma_start3A_60 = arith.constant 0 : i32
      %dma_start3A_61 = tpu.memref_slice %arg9[%dma_start3A_59, %dma_start3A_60] : memref<1024x16xf32, #tpu.memory_space<vmem>> -> memref<128x16xf32, #tpu.memory_space<vmem>>
      %dma_start3A_62 = arith.constant 0 : i32
      %dma_start3A_63 = tpu.memref_slice %arg7[%add3A_58, %dma_start3A_62] : memref<80x128xi32, #tpu.memory_space<vmem>> -> memref<1x128xi32, #tpu.memory_space<vmem>>
      %dma_start3A_64 = tpu.memref_squeeze %dma_start3A_63 : memref<1x128xi32, #tpu.memory_space<vmem>> -> memref<128xi32, #tpu.memory_space<vmem>>
      %dma_start3A_65 = arith.constant 0 : i32
      %dma_start3A_66 = arith.constant 0 : i32
      %dma_start3A_67 = tpu.memref_slice %arg2[%dma_start3A_65, %dma_start3A_66] : memref<10240x16xf32, #tpu.memory_space<hbm>> -> memref<10240x16xf32, #tpu.memory_space<hbm>>
      tpu.enqueue_indirect_dma source(%dma_start3A_67 : memref<10240x16xf32, #tpu.memory_space<hbm>>) target(%dma_start3A_61 : memref<128x16xf32, #tpu.memory_space<vmem>>) offsets(%dma_start3A_64 : memref<128xi32, #tpu.memory_space<vmem>>) semaphore(%arg11 : memref<!tpu.dma_semaphore, #tpu.memory_space<semaphore_mem>>)
      %add3A_68 = arith.constant 4 : i32
      %add3A_69 = arith.addi %mul3A_24, %add3A_68 : i32
      %dma_start3A_70 = arith.constant 512 : i32
      %dma_start3A_71 = arith.constant 0 : i32
      %dma_start3A_72 = tpu.memref_slice %arg9[%dma_start3A_70, %dma_start3A_71] : memref<1024x16xf32, #tpu.memory_space<vmem>> -> memref<128x16xf32, #tpu.memory_space<vmem>>
      %dma_start3A_73 = arith.constant 0 : i32
      %dma_start3A_74 = tpu.memref_slice %arg7[%add3A_69, %dma_start3A_73] : memref<80x128xi32, #tpu.memory_space<vmem>> -> memref<1x128xi32, #tpu.memory_space<vmem>>
      %dma_start3A_75 = tpu.memref_squeeze %dma_start3A_74 : memref<1x128xi32, #tpu.memory_space<vmem>> -> memref<128xi32, #tpu.memory_space<vmem>>
      %dma_start3A_76 = arith.constant 0 : i32
      %dma_start3A_77 = arith.constant 0 : i32
      %dma_start3A_78 = tpu.memref_slice %arg2[%dma_start3A_76, %dma_start3A_77] : memref<10240x16xf32, #tpu.memory_space<hbm>> -> memref<10240x16xf32, #tpu.memory_space<hbm>>
      tpu.enqueue_indirect_dma source(%dma_start3A_78 : memref<10240x16xf32, #tpu.memory_space<hbm>>) target(%dma_start3A_72 : memref<128x16xf32, #tpu.memory_space<vmem>>) offsets(%dma_start3A_75 : memref<128xi32, #tpu.memory_space<vmem>>) semaphore(%arg11 : memref<!tpu.dma_semaphore, #tpu.memory_space<semaphore_mem>>)
      %add3A_79 = arith.constant 5 : i32
      %add3A_80 = arith.addi %mul3A_24, %add3A_79 : i32
      %dma_start3A_81 = arith.constant 640 : i32
      %dma_start3A_82 = arith.constant 0 : i32
      %dma_start3A_83 = tpu.memref_slice %arg9[%dma_start3A_81, %dma_start3A_82] : memref<1024x16xf32, #tpu.memory_space<vmem>> -> memref<128x16xf32, #tpu.memory_space<vmem>>
      %dma_start3A_84 = arith.constant 0 : i32
      %dma_start3A_85 = tpu.memref_slice %arg7[%add3A_80, %dma_start3A_84] : memref<80x128xi32, #tpu.memory_space<vmem>> -> memref<1x128xi32, #tpu.memory_space<vmem>>
      %dma_start3A_86 = tpu.memref_squeeze %dma_start3A_85 : memref<1x128xi32, #tpu.memory_space<vmem>> -> memref<128xi32, #tpu.memory_space<vmem>>
      %dma_start3A_87 = arith.constant 0 : i32
      %dma_start3A_88 = arith.constant 0 : i32
      %dma_start3A_89 = tpu.memref_slice %arg2[%dma_start3A_87, %dma_start3A_88] : memref<10240x16xf32, #tpu.memory_space<hbm>> -> memref<10240x16xf32, #tpu.memory_space<hbm>>
      tpu.enqueue_indirect_dma source(%dma_start3A_89 : memref<10240x16xf32, #tpu.memory_space<hbm>>) target(%dma_start3A_83 : memref<128x16xf32, #tpu.memory_space<vmem>>) offsets(%dma_start3A_86 : memref<128xi32, #tpu.memory_space<vmem>>) semaphore(%arg11 : memref<!tpu.dma_semaphore, #tpu.memory_space<semaphore_mem>>)
      %add3A_90 = arith.constant 6 : i32
      %add3A_91 = arith.addi %mul3A_24, %add3A_90 : i32
      %dma_start3A_92 = arith.constant 768 : i32
      %dma_start3A_93 = arith.constant 0 : i32
      %dma_start3A_94 = tpu.memref_slice %arg9[%dma_start3A_92, %dma_start3A_93] : memref<1024x16xf32, #tpu.memory_space<vmem>> -> memref<128x16xf32, #tpu.memory_space<vmem>>
      %dma_start3A_95 = arith.constant 0 : i32
      %dma_start3A_96 = tpu.memref_slice %arg7[%add3A_91, %dma_start3A_95] : memref<80x128xi32, #tpu.memory_space<vmem>> -> memref<1x128xi32, #tpu.memory_space<vmem>>
      %dma_start3A_97 = tpu.memref_squeeze %dma_start3A_96 : memref<1x128xi32, #tpu.memory_space<vmem>> -> memref<128xi32, #tpu.memory_space<vmem>>
      %dma_start3A_98 = arith.constant 0 : i32
      %dma_start3A_99 = arith.constant 0 : i32
      %dma_start3A_100 = tpu.memref_slice %arg2[%dma_start3A_98, %dma_start3A_99] : memref<10240x16xf32, #tpu.memory_space<hbm>> -> memref<10240x16xf32, #tpu.memory_space<hbm>>
      tpu.enqueue_indirect_dma source(%dma_start3A_100 : memref<10240x16xf32, #tpu.memory_space<hbm>>) target(%dma_start3A_94 : memref<128x16xf32, #tpu.memory_space<vmem>>) offsets(%dma_start3A_97 : memref<128xi32, #tpu.memory_space<vmem>>) semaphore(%arg11 : memref<!tpu.dma_semaphore, #tpu.memory_space<semaphore_mem>>)
      %add3A_101 = arith.constant 7 : i32
      %add3A_102 = arith.addi %mul3A_24, %add3A_101 : i32
      %dma_start3A_103 = arith.constant 896 : i32
      %dma_start3A_104 = arith.constant 0 : i32
      %dma_start3A_105 = tpu.memref_slice %arg9[%dma_start3A_103, %dma_start3A_104] : memref<1024x16xf32, #tpu.memory_space<vmem>> -> memref<128x16xf32, #tpu.memory_space<vmem>>
      %dma_start3A_106 = arith.constant 0 : i32
      %dma_start3A_107 = tpu.memref_slice %arg7[%add3A_102, %dma_start3A_106] : memref<80x128xi32, #tpu.memory_space<vmem>> -> memref<1x128xi32, #tpu.memory_space<vmem>>
      %dma_start3A_108 = tpu.memref_squeeze %dma_start3A_107 : memref<1x128xi32, #tpu.memory_space<vmem>> -> memref<128xi32, #tpu.memory_space<vmem>>
      %dma_start3A_109 = arith.constant 0 : i32
      %dma_start3A_110 = arith.constant 0 : i32
      %dma_start3A_111 = tpu.memref_slice %arg2[%dma_start3A_109, %dma_start3A_110] : memref<10240x16xf32, #tpu.memory_space<hbm>> -> memref<10240x16xf32, #tpu.memory_space<hbm>>
      tpu.enqueue_indirect_dma source(%dma_start3A_111 : memref<10240x16xf32, #tpu.memory_space<hbm>>) target(%dma_start3A_105 : memref<128x16xf32, #tpu.memory_space<vmem>>) offsets(%dma_start3A_108 : memref<128xi32, #tpu.memory_space<vmem>>) semaphore(%arg11 : memref<!tpu.dma_semaphore, #tpu.memory_space<semaphore_mem>>)
      %dma_wait3A = arith.constant 0 : i32
      %dma_wait3A_112 = arith.constant 0 : i32
      %dma_wait3A_113 = tpu.memref_slice %arg9[%dma_wait3A, %dma_wait3A_112] : memref<1024x16xf32, #tpu.memory_space<vmem>> -> memref<128x16xf32, #tpu.memory_space<vmem>>
      %dma_wait3A_114 = arith.constant 0 : i32
      %dma_wait3A_115 = tpu.memref_slice %arg7[%add3A_26, %dma_wait3A_114] : memref<80x128xi32, #tpu.memory_space<vmem>> -> memref<1x128xi32, #tpu.memory_space<vmem>>
      %dma_wait3A_116 = tpu.memref_squeeze %dma_wait3A_115 : memref<1x128xi32, #tpu.memory_space<vmem>> -> memref<128xi32, #tpu.memory_space<vmem>>
      %dma_wait3A_117 = arith.constant 0 : i32
      %dma_wait3A_118 = arith.constant 0 : i32
      %dma_wait3A_119 = tpu.memref_slice %arg2[%dma_wait3A_117, %dma_wait3A_118] : memref<10240x16xf32, #tpu.memory_space<hbm>> -> memref<10240x16xf32, #tpu.memory_space<hbm>>
      tpu.wait_indirect_dma semaphore(%arg11 : memref<!tpu.dma_semaphore, #tpu.memory_space<semaphore_mem>>) src(%dma_wait3A_119 : memref<10240x16xf32, #tpu.memory_space<hbm>>) dst(%dma_wait3A_113 : memref<128x16xf32, #tpu.memory_space<vmem>>)
      %dma_wait3A_120 = arith.constant 128 : i32
      %dma_wait3A_121 = arith.constant 0 : i32
      %dma_wait3A_122 = tpu.memref_slice %arg9[%dma_wait3A_120, %dma_wait3A_121] : memref<1024x16xf32, #tpu.memory_space<vmem>> -> memref<128x16xf32, #tpu.memory_space<vmem>>
      %dma_wait3A_123 = arith.constant 0 : i32
      %dma_wait3A_124 = tpu.memref_slice %arg7[%add3A_36, %dma_wait3A_123] : memref<80x128xi32, #tpu.memory_space<vmem>> -> memref<1x128xi32, #tpu.memory_space<vmem>>
      %dma_wait3A_125 = tpu.memref_squeeze %dma_wait3A_124 : memref<1x128xi32, #tpu.memory_space<vmem>> -> memref<128xi32, #tpu.memory_space<vmem>>
      %dma_wait3A_126 = arith.constant 0 : i32
      %dma_wait3A_127 = arith.constant 0 : i32
      %dma_wait3A_128 = tpu.memref_slice %arg2[%dma_wait3A_126, %dma_wait3A_127] : memref<10240x16xf32, #tpu.memory_space<hbm>> -> memref<10240x16xf32, #tpu.memory_space<hbm>>
      tpu.wait_indirect_dma semaphore(%arg11 : memref<!tpu.dma_semaphore, #tpu.memory_space<semaphore_mem>>) src(%dma_wait3A_128 : memref<10240x16xf32, #tpu.memory_space<hbm>>) dst(%dma_wait3A_122 : memref<128x16xf32, #tpu.memory_space<vmem>>)
      %dma_wait3A_129 = arith.constant 256 : i32
      %dma_wait3A_130 = arith.constant 0 : i32
      %dma_wait3A_131 = tpu.memref_slice %arg9[%dma_wait3A_129, %dma_wait3A_130] : memref<1024x16xf32, #tpu.memory_space<vmem>> -> memref<128x16xf32, #tpu.memory_space<vmem>>
      %dma_wait3A_132 = arith.constant 0 : i32
      %dma_wait3A_133 = tpu.memref_slice %arg7[%add3A_47, %dma_wait3A_132] : memref<80x128xi32, #tpu.memory_space<vmem>> -> memref<1x128xi32, #tpu.memory_space<vmem>>
      %dma_wait3A_134 = tpu.memref_squeeze %dma_wait3A_133 : memref<1x128xi32, #tpu.memory_space<vmem>> -> memref<128xi32, #tpu.memory_space<vmem>>
      %dma_wait3A_135 = arith.constant 0 : i32
      %dma_wait3A_136 = arith.constant 0 : i32
      %dma_wait3A_137 = tpu.memref_slice %arg2[%dma_wait3A_135, %dma_wait3A_136] : memref<10240x16xf32, #tpu.memory_space<hbm>> -> memref<10240x16xf32, #tpu.memory_space<hbm>>
      tpu.wait_indirect_dma semaphore(%arg11 : memref<!tpu.dma_semaphore, #tpu.memory_space<semaphore_mem>>) src(%dma_wait3A_137 : memref<10240x16xf32, #tpu.memory_space<hbm>>) dst(%dma_wait3A_131 : memref<128x16xf32, #tpu.memory_space<vmem>>)
      %dma_wait3A_138 = arith.constant 384 : i32
      %dma_wait3A_139 = arith.constant 0 : i32
      %dma_wait3A_140 = tpu.memref_slice %arg9[%dma_wait3A_138, %dma_wait3A_139] : memref<1024x16xf32, #tpu.memory_space<vmem>> -> memref<128x16xf32, #tpu.memory_space<vmem>>
      %dma_wait3A_141 = arith.constant 0 : i32
      %dma_wait3A_142 = tpu.memref_slice %arg7[%add3A_58, %dma_wait3A_141] : memref<80x128xi32, #tpu.memory_space<vmem>> -> memref<1x128xi32, #tpu.memory_space<vmem>>
      %dma_wait3A_143 = tpu.memref_squeeze %dma_wait3A_142 : memref<1x128xi32, #tpu.memory_space<vmem>> -> memref<128xi32, #tpu.memory_space<vmem>>
      %dma_wait3A_144 = arith.constant 0 : i32
      %dma_wait3A_145 = arith.constant 0 : i32
      %dma_wait3A_146 = tpu.memref_slice %arg2[%dma_wait3A_144, %dma_wait3A_145] : memref<10240x16xf32, #tpu.memory_space<hbm>> -> memref<10240x16xf32, #tpu.memory_space<hbm>>
      tpu.wait_indirect_dma semaphore(%arg11 : memref<!tpu.dma_semaphore, #tpu.memory_space<semaphore_mem>>) src(%dma_wait3A_146 : memref<10240x16xf32, #tpu.memory_space<hbm>>) dst(%dma_wait3A_140 : memref<128x16xf32, #tpu.memory_space<vmem>>)
      %dma_wait3A_147 = arith.constant 512 : i32
      %dma_wait3A_148 = arith.constant 0 : i32
      %dma_wait3A_149 = tpu.memref_slice %arg9[%dma_wait3A_147, %dma_wait3A_148] : memref<1024x16xf32, #tpu.memory_space<vmem>> -> memref<128x16xf32, #tpu.memory_space<vmem>>
      %dma_wait3A_150 = arith.constant 0 : i32
      %dma_wait3A_151 = tpu.memref_slice %arg7[%add3A_69, %dma_wait3A_150] : memref<80x128xi32, #tpu.memory_space<vmem>> -> memref<1x128xi32, #tpu.memory_space<vmem>>
      %dma_wait3A_152 = tpu.memref_squeeze %dma_wait3A_151 : memref<1x128xi32, #tpu.memory_space<vmem>> -> memref<128xi32, #tpu.memory_space<vmem>>
      %dma_wait3A_153 = arith.constant 0 : i32
      %dma_wait3A_154 = arith.constant 0 : i32
      %dma_wait3A_155 = tpu.memref_slice %arg2[%dma_wait3A_153, %dma_wait3A_154] : memref<10240x16xf32, #tpu.memory_space<hbm>> -> memref<10240x16xf32, #tpu.memory_space<hbm>>
      tpu.wait_indirect_dma semaphore(%arg11 : memref<!tpu.dma_semaphore, #tpu.memory_space<semaphore_mem>>) src(%dma_wait3A_155 : memref<10240x16xf32, #tpu.memory_space<hbm>>) dst(%dma_wait3A_149 : memref<128x16xf32, #tpu.memory_space<vmem>>)
      %dma_wait3A_156 = arith.constant 640 : i32
      %dma_wait3A_157 = arith.constant 0 : i32
      %dma_wait3A_158 = tpu.memref_slice %arg9[%dma_wait3A_156, %dma_wait3A_157] : memref<1024x16xf32, #tpu.memory_space<vmem>> -> memref<128x16xf32, #tpu.memory_space<vmem>>
      %dma_wait3A_159 = arith.constant 0 : i32
      %dma_wait3A_160 = tpu.memref_slice %arg7[%add3A_80, %dma_wait3A_159] : memref<80x128xi32, #tpu.memory_space<vmem>> -> memref<1x128xi32, #tpu.memory_space<vmem>>
      %dma_wait3A_161 = tpu.memref_squeeze %dma_wait3A_160 : memref<1x128xi32, #tpu.memory_space<vmem>> -> memref<128xi32, #tpu.memory_space<vmem>>
      %dma_wait3A_162 = arith.constant 0 : i32
      %dma_wait3A_163 = arith.constant 0 : i32
      %dma_wait3A_164 = tpu.memref_slice %arg2[%dma_wait3A_162, %dma_wait3A_163] : memref<10240x16xf32, #tpu.memory_space<hbm>> -> memref<10240x16xf32, #tpu.memory_space<hbm>>
      tpu.wait_indirect_dma semaphore(%arg11 : memref<!tpu.dma_semaphore, #tpu.memory_space<semaphore_mem>>) src(%dma_wait3A_164 : memref<10240x16xf32, #tpu.memory_space<hbm>>) dst(%dma_wait3A_158 : memref<128x16xf32, #tpu.memory_space<vmem>>)
      %dma_wait3A_165 = arith.constant 768 : i32
      %dma_wait3A_166 = arith.constant 0 : i32
      %dma_wait3A_167 = tpu.memref_slice %arg9[%dma_wait3A_165, %dma_wait3A_166] : memref<1024x16xf32, #tpu.memory_space<vmem>> -> memref<128x16xf32, #tpu.memory_space<vmem>>
      %dma_wait3A_168 = arith.constant 0 : i32
      %dma_wait3A_169 = tpu.memref_slice %arg7[%add3A_91, %dma_wait3A_168] : memref<80x128xi32, #tpu.memory_space<vmem>> -> memref<1x128xi32, #tpu.memory_space<vmem>>
      %dma_wait3A_170 = tpu.memref_squeeze %dma_wait3A_169 : memref<1x128xi32, #tpu.memory_space<vmem>> -> memref<128xi32, #tpu.memory_space<vmem>>
      %dma_wait3A_171 = arith.constant 0 : i32
      %dma_wait3A_172 = arith.constant 0 : i32
      %dma_wait3A_173 = tpu.memref_slice %arg2[%dma_wait3A_171, %dma_wait3A_172] : memref<10240x16xf32, #tpu.memory_space<hbm>> -> memref<10240x16xf32, #tpu.memory_space<hbm>>
      tpu.wait_indirect_dma semaphore(%arg11 : memref<!tpu.dma_semaphore, #tpu.memory_space<semaphore_mem>>) src(%dma_wait3A_173 : memref<10240x16xf32, #tpu.memory_space<hbm>>) dst(%dma_wait3A_167 : memref<128x16xf32, #tpu.memory_space<vmem>>)
      %dma_wait3A_174 = arith.constant 896 : i32
      %dma_wait3A_175 = arith.constant 0 : i32
      %dma_wait3A_176 = tpu.memref_slice %arg9[%dma_wait3A_174, %dma_wait3A_175] : memref<1024x16xf32, #tpu.memory_space<vmem>> -> memref<128x16xf32, #tpu.memory_space<vmem>>
      %dma_wait3A_177 = arith.constant 0 : i32
      %dma_wait3A_178 = tpu.memref_slice %arg7[%add3A_102, %dma_wait3A_177] : memref<80x128xi32, #tpu.memory_space<vmem>> -> memref<1x128xi32, #tpu.memory_space<vmem>>
      %dma_wait3A_179 = tpu.memref_squeeze %dma_wait3A_178 : memref<1x128xi32, #tpu.memory_space<vmem>> -> memref<128xi32, #tpu.memory_space<vmem>>
      %dma_wait3A_180 = arith.constant 0 : i32
      %dma_wait3A_181 = arith.constant 0 : i32
      %dma_wait3A_182 = tpu.memref_slice %arg2[%dma_wait3A_180, %dma_wait3A_181] : memref<10240x16xf32, #tpu.memory_space<hbm>> -> memref<10240x16xf32, #tpu.memory_space<hbm>>
      tpu.wait_indirect_dma semaphore(%arg11 : memref<!tpu.dma_semaphore, #tpu.memory_space<semaphore_mem>>) src(%dma_wait3A_182 : memref<10240x16xf32, #tpu.memory_space<hbm>>) dst(%dma_wait3A_176 : memref<128x16xf32, #tpu.memory_space<vmem>>)
      %add3A_183 = arith.constant 0 : i32
      %add3A_184 = arith.addi %mul3A_24, %add3A_183 : i32
      "tpu.region"() ({
        %run_scoped3A = tpu.sem_alloc : memref<!tpu.dma_semaphore, #tpu.memory_space<semaphore_mem>>
        %dma_start3A_199 = arith.constant 0 : i32
        %dma_start3A_200 = arith.constant 0 : i32
        %dma_start3A_201 = tpu.memref_slice %arg9[%dma_start3A_199, %dma_start3A_200] : memref<1024x16xf32, #tpu.memory_space<vmem>> -> memref<128x16xf32, #tpu.memory_space<vmem>>
        %dma_start3A_202 = arith.constant 0 : i32
        %dma_start3A_203 = tpu.memref_slice %arg8[%add3A_184, %dma_start3A_202] : memref<80x128xi32, #tpu.memory_space<vmem>> -> memref<1x128xi32, #tpu.memory_space<vmem>>
        %dma_start3A_204 = tpu.memref_squeeze %dma_start3A_203 : memref<1x128xi32, #tpu.memory_space<vmem>> -> memref<128xi32, #tpu.memory_space<vmem>>
        %dma_start3A_205 = arith.constant 0 : i32
        %dma_start3A_206 = arith.constant 0 : i32
        %dma_start3A_207 = tpu.memref_slice %arg10[%dma_start3A_205, %dma_start3A_206] : memref<10240x16xf32, #tpu.memory_space<vmem_shared>> -> memref<10240x16xf32, #tpu.memory_space<vmem_shared>>
        tpu.enqueue_indirect_dma source(%dma_start3A_201 : memref<128x16xf32, #tpu.memory_space<vmem>>) target(%dma_start3A_207 : memref<10240x16xf32, #tpu.memory_space<vmem_shared>>) offsets(%dma_start3A_204 : memref<128xi32, #tpu.memory_space<vmem>>) semaphore(%run_scoped3A : memref<!tpu.dma_semaphore, #tpu.memory_space<semaphore_mem>>) {add = true}
        %dma_wait3A_208 = arith.constant 0 : i32
        %dma_wait3A_209 = arith.constant 0 : i32
        %dma_wait3A_210 = tpu.memref_slice %arg9[%dma_wait3A_208, %dma_wait3A_209] : memref<1024x16xf32, #tpu.memory_space<vmem>> -> memref<128x16xf32, #tpu.memory_space<vmem>>
        %dma_wait3A_211 = arith.constant 0 : i32
        %dma_wait3A_212 = tpu.memref_slice %arg8[%add3A_184, %dma_wait3A_211] : memref<80x128xi32, #tpu.memory_space<vmem>> -> memref<1x128xi32, #tpu.memory_space<vmem>>
        %dma_wait3A_213 = tpu.memref_squeeze %dma_wait3A_212 : memref<1x128xi32, #tpu.memory_space<vmem>> -> memref<128xi32, #tpu.memory_space<vmem>>
        %dma_wait3A_214 = arith.constant 0 : i32
        %dma_wait3A_215 = arith.constant 0 : i32
        %dma_wait3A_216 = tpu.memref_slice %arg10[%dma_wait3A_214, %dma_wait3A_215] : memref<10240x16xf32, #tpu.memory_space<vmem_shared>> -> memref<10240x16xf32, #tpu.memory_space<vmem_shared>>
        tpu.wait_indirect_dma semaphore(%run_scoped3A : memref<!tpu.dma_semaphore, #tpu.memory_space<semaphore_mem>>) src(%dma_wait3A_210 : memref<128x16xf32, #tpu.memory_space<vmem>>) dst(%dma_wait3A_216 : memref<10240x16xf32, #tpu.memory_space<vmem_shared>>)
        tpu.yield
      }) : () -> ()
      %add3A_185 = arith.constant 1 : i32
      %add3A_186 = arith.addi %mul3A_24, %add3A_185 : i32
      "tpu.region"() ({
        %run_scoped3A = tpu.sem_alloc : memref<!tpu.dma_semaphore, #tpu.memory_space<semaphore_mem>>
        %dma_start3A_199 = arith.constant 128 : i32
        %dma_start3A_200 = arith.constant 0 : i32
        %dma_start3A_201 = tpu.memref_slice %arg9[%dma_start3A_199, %dma_start3A_200] : memref<1024x16xf32, #tpu.memory_space<vmem>> -> memref<128x16xf32, #tpu.memory_space<vmem>>
        %dma_start3A_202 = arith.constant 0 : i32
        %dma_start3A_203 = tpu.memref_slice %arg8[%add3A_186, %dma_start3A_202] : memref<80x128xi32, #tpu.memory_space<vmem>> -> memref<1x128xi32, #tpu.memory_space<vmem>>
        %dma_start3A_204 = tpu.memref_squeeze %dma_start3A_203 : memref<1x128xi32, #tpu.memory_space<vmem>> -> memref<128xi32, #tpu.memory_space<vmem>>
        %dma_start3A_205 = arith.constant 0 : i32
        %dma_start3A_206 = arith.constant 0 : i32
        %dma_start3A_207 = tpu.memref_slice %arg10[%dma_start3A_205, %dma_start3A_206] : memref<10240x16xf32, #tpu.memory_space<vmem_shared>> -> memref<10240x16xf32, #tpu.memory_space<vmem_shared>>
        tpu.enqueue_indirect_dma source(%dma_start3A_201 : memref<128x16xf32, #tpu.memory_space<vmem>>) target(%dma_start3A_207 : memref<10240x16xf32, #tpu.memory_space<vmem_shared>>) offsets(%dma_start3A_204 : memref<128xi32, #tpu.memory_space<vmem>>) semaphore(%run_scoped3A : memref<!tpu.dma_semaphore, #tpu.memory_space<semaphore_mem>>) {add = true}
        %dma_wait3A_208 = arith.constant 128 : i32
        %dma_wait3A_209 = arith.constant 0 : i32
        %dma_wait3A_210 = tpu.memref_slice %arg9[%dma_wait3A_208, %dma_wait3A_209] : memref<1024x16xf32, #tpu.memory_space<vmem>> -> memref<128x16xf32, #tpu.memory_space<vmem>>
        %dma_wait3A_211 = arith.constant 0 : i32
        %dma_wait3A_212 = tpu.memref_slice %arg8[%add3A_186, %dma_wait3A_211] : memref<80x128xi32, #tpu.memory_space<vmem>> -> memref<1x128xi32, #tpu.memory_space<vmem>>
        %dma_wait3A_213 = tpu.memref_squeeze %dma_wait3A_212 : memref<1x128xi32, #tpu.memory_space<vmem>> -> memref<128xi32, #tpu.memory_space<vmem>>
        %dma_wait3A_214 = arith.constant 0 : i32
        %dma_wait3A_215 = arith.constant 0 : i32
        %dma_wait3A_216 = tpu.memref_slice %arg10[%dma_wait3A_214, %dma_wait3A_215] : memref<10240x16xf32, #tpu.memory_space<vmem_shared>> -> memref<10240x16xf32, #tpu.memory_space<vmem_shared>>
        tpu.wait_indirect_dma semaphore(%run_scoped3A : memref<!tpu.dma_semaphore, #tpu.memory_space<semaphore_mem>>) src(%dma_wait3A_210 : memref<128x16xf32, #tpu.memory_space<vmem>>) dst(%dma_wait3A_216 : memref<10240x16xf32, #tpu.memory_space<vmem_shared>>)
        tpu.yield
      }) : () -> ()
      %add3A_187 = arith.constant 2 : i32
      %add3A_188 = arith.addi %mul3A_24, %add3A_187 : i32
      "tpu.region"() ({
        %run_scoped3A = tpu.sem_alloc : memref<!tpu.dma_semaphore, #tpu.memory_space<semaphore_mem>>
        %dma_start3A_199 = arith.constant 256 : i32
        %dma_start3A_200 = arith.constant 0 : i32
        %dma_start3A_201 = tpu.memref_slice %arg9[%dma_start3A_199, %dma_start3A_200] : memref<1024x16xf32, #tpu.memory_space<vmem>> -> memref<128x16xf32, #tpu.memory_space<vmem>>
        %dma_start3A_202 = arith.constant 0 : i32
        %dma_start3A_203 = tpu.memref_slice %arg8[%add3A_188, %dma_start3A_202] : memref<80x128xi32, #tpu.memory_space<vmem>> -> memref<1x128xi32, #tpu.memory_space<vmem>>
        %dma_start3A_204 = tpu.memref_squeeze %dma_start3A_203 : memref<1x128xi32, #tpu.memory_space<vmem>> -> memref<128xi32, #tpu.memory_space<vmem>>
        %dma_start3A_205 = arith.constant 0 : i32
        %dma_start3A_206 = arith.constant 0 : i32
        %dma_start3A_207 = tpu.memref_slice %arg10[%dma_start3A_205, %dma_start3A_206] : memref<10240x16xf32, #tpu.memory_space<vmem_shared>> -> memref<10240x16xf32, #tpu.memory_space<vmem_shared>>
        tpu.enqueue_indirect_dma source(%dma_start3A_201 : memref<128x16xf32, #tpu.memory_space<vmem>>) target(%dma_start3A_207 : memref<10240x16xf32, #tpu.memory_space<vmem_shared>>) offsets(%dma_start3A_204 : memref<128xi32, #tpu.memory_space<vmem>>) semaphore(%run_scoped3A : memref<!tpu.dma_semaphore, #tpu.memory_space<semaphore_mem>>) {add = true}
        %dma_wait3A_208 = arith.constant 256 : i32
        %dma_wait3A_209 = arith.constant 0 : i32
        %dma_wait3A_210 = tpu.memref_slice %arg9[%dma_wait3A_208, %dma_wait3A_209] : memref<1024x16xf32, #tpu.memory_space<vmem>> -> memref<128x16xf32, #tpu.memory_space<vmem>>
        %dma_wait3A_211 = arith.constant 0 : i32
        %dma_wait3A_212 = tpu.memref_slice %arg8[%add3A_188, %dma_wait3A_211] : memref<80x128xi32, #tpu.memory_space<vmem>> -> memref<1x128xi32, #tpu.memory_space<vmem>>
        %dma_wait3A_213 = tpu.memref_squeeze %dma_wait3A_212 : memref<1x128xi32, #tpu.memory_space<vmem>> -> memref<128xi32, #tpu.memory_space<vmem>>
        %dma_wait3A_214 = arith.constant 0 : i32
        %dma_wait3A_215 = arith.constant 0 : i32
        %dma_wait3A_216 = tpu.memref_slice %arg10[%dma_wait3A_214, %dma_wait3A_215] : memref<10240x16xf32, #tpu.memory_space<vmem_shared>> -> memref<10240x16xf32, #tpu.memory_space<vmem_shared>>
        tpu.wait_indirect_dma semaphore(%run_scoped3A : memref<!tpu.dma_semaphore, #tpu.memory_space<semaphore_mem>>) src(%dma_wait3A_210 : memref<128x16xf32, #tpu.memory_space<vmem>>) dst(%dma_wait3A_216 : memref<10240x16xf32, #tpu.memory_space<vmem_shared>>)
        tpu.yield
      }) : () -> ()
      %add3A_189 = arith.constant 3 : i32
      %add3A_190 = arith.addi %mul3A_24, %add3A_189 : i32
      "tpu.region"() ({
        %run_scoped3A = tpu.sem_alloc : memref<!tpu.dma_semaphore, #tpu.memory_space<semaphore_mem>>
        %dma_start3A_199 = arith.constant 384 : i32
        %dma_start3A_200 = arith.constant 0 : i32
        %dma_start3A_201 = tpu.memref_slice %arg9[%dma_start3A_199, %dma_start3A_200] : memref<1024x16xf32, #tpu.memory_space<vmem>> -> memref<128x16xf32, #tpu.memory_space<vmem>>
        %dma_start3A_202 = arith.constant 0 : i32
        %dma_start3A_203 = tpu.memref_slice %arg8[%add3A_190, %dma_start3A_202] : memref<80x128xi32, #tpu.memory_space<vmem>> -> memref<1x128xi32, #tpu.memory_space<vmem>>
        %dma_start3A_204 = tpu.memref_squeeze %dma_start3A_203 : memref<1x128xi32, #tpu.memory_space<vmem>> -> memref<128xi32, #tpu.memory_space<vmem>>
        %dma_start3A_205 = arith.constant 0 : i32
        %dma_start3A_206 = arith.constant 0 : i32
        %dma_start3A_207 = tpu.memref_slice %arg10[%dma_start3A_205, %dma_start3A_206] : memref<10240x16xf32, #tpu.memory_space<vmem_shared>> -> memref<10240x16xf32, #tpu.memory_space<vmem_shared>>
        tpu.enqueue_indirect_dma source(%dma_start3A_201 : memref<128x16xf32, #tpu.memory_space<vmem>>) target(%dma_start3A_207 : memref<10240x16xf32, #tpu.memory_space<vmem_shared>>) offsets(%dma_start3A_204 : memref<128xi32, #tpu.memory_space<vmem>>) semaphore(%run_scoped3A : memref<!tpu.dma_semaphore, #tpu.memory_space<semaphore_mem>>) {add = true}
        %dma_wait3A_208 = arith.constant 384 : i32
        %dma_wait3A_209 = arith.constant 0 : i32
        %dma_wait3A_210 = tpu.memref_slice %arg9[%dma_wait3A_208, %dma_wait3A_209] : memref<1024x16xf32, #tpu.memory_space<vmem>> -> memref<128x16xf32, #tpu.memory_space<vmem>>
        %dma_wait3A_211 = arith.constant 0 : i32
        %dma_wait3A_212 = tpu.memref_slice %arg8[%add3A_190, %dma_wait3A_211] : memref<80x128xi32, #tpu.memory_space<vmem>> -> memref<1x128xi32, #tpu.memory_space<vmem>>
        %dma_wait3A_213 = tpu.memref_squeeze %dma_wait3A_212 : memref<1x128xi32, #tpu.memory_space<vmem>> -> memref<128xi32, #tpu.memory_space<vmem>>
        %dma_wait3A_214 = arith.constant 0 : i32
        %dma_wait3A_215 = arith.constant 0 : i32
        %dma_wait3A_216 = tpu.memref_slice %arg10[%dma_wait3A_214, %dma_wait3A_215] : memref<10240x16xf32, #tpu.memory_space<vmem_shared>> -> memref<10240x16xf32, #tpu.memory_space<vmem_shared>>
        tpu.wait_indirect_dma semaphore(%run_scoped3A : memref<!tpu.dma_semaphore, #tpu.memory_space<semaphore_mem>>) src(%dma_wait3A_210 : memref<128x16xf32, #tpu.memory_space<vmem>>) dst(%dma_wait3A_216 : memref<10240x16xf32, #tpu.memory_space<vmem_shared>>)
        tpu.yield
      }) : () -> ()
      %add3A_191 = arith.constant 4 : i32
      %add3A_192 = arith.addi %mul3A_24, %add3A_191 : i32
      "tpu.region"() ({
        %run_scoped3A = tpu.sem_alloc : memref<!tpu.dma_semaphore, #tpu.memory_space<semaphore_mem>>
        %dma_start3A_199 = arith.constant 512 : i32
        %dma_start3A_200 = arith.constant 0 : i32
        %dma_start3A_201 = tpu.memref_slice %arg9[%dma_start3A_199, %dma_start3A_200] : memref<1024x16xf32, #tpu.memory_space<vmem>> -> memref<128x16xf32, #tpu.memory_space<vmem>>
        %dma_start3A_202 = arith.constant 0 : i32
        %dma_start3A_203 = tpu.memref_slice %arg8[%add3A_192, %dma_start3A_202] : memref<80x128xi32, #tpu.memory_space<vmem>> -> memref<1x128xi32, #tpu.memory_space<vmem>>
        %dma_start3A_204 = tpu.memref_squeeze %dma_start3A_203 : memref<1x128xi32, #tpu.memory_space<vmem>> -> memref<128xi32, #tpu.memory_space<vmem>>
        %dma_start3A_205 = arith.constant 0 : i32
        %dma_start3A_206 = arith.constant 0 : i32
        %dma_start3A_207 = tpu.memref_slice %arg10[%dma_start3A_205, %dma_start3A_206] : memref<10240x16xf32, #tpu.memory_space<vmem_shared>> -> memref<10240x16xf32, #tpu.memory_space<vmem_shared>>
        tpu.enqueue_indirect_dma source(%dma_start3A_201 : memref<128x16xf32, #tpu.memory_space<vmem>>) target(%dma_start3A_207 : memref<10240x16xf32, #tpu.memory_space<vmem_shared>>) offsets(%dma_start3A_204 : memref<128xi32, #tpu.memory_space<vmem>>) semaphore(%run_scoped3A : memref<!tpu.dma_semaphore, #tpu.memory_space<semaphore_mem>>) {add = true}
        %dma_wait3A_208 = arith.constant 512 : i32
        %dma_wait3A_209 = arith.constant 0 : i32
        %dma_wait3A_210 = tpu.memref_slice %arg9[%dma_wait3A_208, %dma_wait3A_209] : memref<1024x16xf32, #tpu.memory_space<vmem>> -> memref<128x16xf32, #tpu.memory_space<vmem>>
        %dma_wait3A_211 = arith.constant 0 : i32
        %dma_wait3A_212 = tpu.memref_slice %arg8[%add3A_192, %dma_wait3A_211] : memref<80x128xi32, #tpu.memory_space<vmem>> -> memref<1x128xi32, #tpu.memory_space<vmem>>
        %dma_wait3A_213 = tpu.memref_squeeze %dma_wait3A_212 : memref<1x128xi32, #tpu.memory_space<vmem>> -> memref<128xi32, #tpu.memory_space<vmem>>
        %dma_wait3A_214 = arith.constant 0 : i32
        %dma_wait3A_215 = arith.constant 0 : i32
        %dma_wait3A_216 = tpu.memref_slice %arg10[%dma_wait3A_214, %dma_wait3A_215] : memref<10240x16xf32, #tpu.memory_space<vmem_shared>> -> memref<10240x16xf32, #tpu.memory_space<vmem_shared>>
        tpu.wait_indirect_dma semaphore(%run_scoped3A : memref<!tpu.dma_semaphore, #tpu.memory_space<semaphore_mem>>) src(%dma_wait3A_210 : memref<128x16xf32, #tpu.memory_space<vmem>>) dst(%dma_wait3A_216 : memref<10240x16xf32, #tpu.memory_space<vmem_shared>>)
        tpu.yield
      }) : () -> ()
      %add3A_193 = arith.constant 5 : i32
      %add3A_194 = arith.addi %mul3A_24, %add3A_193 : i32
      "tpu.region"() ({
        %run_scoped3A = tpu.sem_alloc : memref<!tpu.dma_semaphore, #tpu.memory_space<semaphore_mem>>
        %dma_start3A_199 = arith.constant 640 : i32
        %dma_start3A_200 = arith.constant 0 : i32
        %dma_start3A_201 = tpu.memref_slice %arg9[%dma_start3A_199, %dma_start3A_200] : memref<1024x16xf32, #tpu.memory_space<vmem>> -> memref<128x16xf32, #tpu.memory_space<vmem>>
        %dma_start3A_202 = arith.constant 0 : i32
        %dma_start3A_203 = tpu.memref_slice %arg8[%add3A_194, %dma_start3A_202] : memref<80x128xi32, #tpu.memory_space<vmem>> -> memref<1x128xi32, #tpu.memory_space<vmem>>
        %dma_start3A_204 = tpu.memref_squeeze %dma_start3A_203 : memref<1x128xi32, #tpu.memory_space<vmem>> -> memref<128xi32, #tpu.memory_space<vmem>>
        %dma_start3A_205 = arith.constant 0 : i32
        %dma_start3A_206 = arith.constant 0 : i32
        %dma_start3A_207 = tpu.memref_slice %arg10[%dma_start3A_205, %dma_start3A_206] : memref<10240x16xf32, #tpu.memory_space<vmem_shared>> -> memref<10240x16xf32, #tpu.memory_space<vmem_shared>>
        tpu.enqueue_indirect_dma source(%dma_start3A_201 : memref<128x16xf32, #tpu.memory_space<vmem>>) target(%dma_start3A_207 : memref<10240x16xf32, #tpu.memory_space<vmem_shared>>) offsets(%dma_start3A_204 : memref<128xi32, #tpu.memory_space<vmem>>) semaphore(%run_scoped3A : memref<!tpu.dma_semaphore, #tpu.memory_space<semaphore_mem>>) {add = true}
        %dma_wait3A_208 = arith.constant 640 : i32
        %dma_wait3A_209 = arith.constant 0 : i32
        %dma_wait3A_210 = tpu.memref_slice %arg9[%dma_wait3A_208, %dma_wait3A_209] : memref<1024x16xf32, #tpu.memory_space<vmem>> -> memref<128x16xf32, #tpu.memory_space<vmem>>
        %dma_wait3A_211 = arith.constant 0 : i32
        %dma_wait3A_212 = tpu.memref_slice %arg8[%add3A_194, %dma_wait3A_211] : memref<80x128xi32, #tpu.memory_space<vmem>> -> memref<1x128xi32, #tpu.memory_space<vmem>>
        %dma_wait3A_213 = tpu.memref_squeeze %dma_wait3A_212 : memref<1x128xi32, #tpu.memory_space<vmem>> -> memref<128xi32, #tpu.memory_space<vmem>>
        %dma_wait3A_214 = arith.constant 0 : i32
        %dma_wait3A_215 = arith.constant 0 : i32
        %dma_wait3A_216 = tpu.memref_slice %arg10[%dma_wait3A_214, %dma_wait3A_215] : memref<10240x16xf32, #tpu.memory_space<vmem_shared>> -> memref<10240x16xf32, #tpu.memory_space<vmem_shared>>
        tpu.wait_indirect_dma semaphore(%run_scoped3A : memref<!tpu.dma_semaphore, #tpu.memory_space<semaphore_mem>>) src(%dma_wait3A_210 : memref<128x16xf32, #tpu.memory_space<vmem>>) dst(%dma_wait3A_216 : memref<10240x16xf32, #tpu.memory_space<vmem_shared>>)
        tpu.yield
      }) : () -> ()
      %add3A_195 = arith.constant 6 : i32
      %add3A_196 = arith.addi %mul3A_24, %add3A_195 : i32
      "tpu.region"() ({
        %run_scoped3A = tpu.sem_alloc : memref<!tpu.dma_semaphore, #tpu.memory_space<semaphore_mem>>
        %dma_start3A_199 = arith.constant 768 : i32
        %dma_start3A_200 = arith.constant 0 : i32
        %dma_start3A_201 = tpu.memref_slice %arg9[%dma_start3A_199, %dma_start3A_200] : memref<1024x16xf32, #tpu.memory_space<vmem>> -> memref<128x16xf32, #tpu.memory_space<vmem>>
        %dma_start3A_202 = arith.constant 0 : i32
        %dma_start3A_203 = tpu.memref_slice %arg8[%add3A_196, %dma_start3A_202] : memref<80x128xi32, #tpu.memory_space<vmem>> -> memref<1x128xi32, #tpu.memory_space<vmem>>
        %dma_start3A_204 = tpu.memref_squeeze %dma_start3A_203 : memref<1x128xi32, #tpu.memory_space<vmem>> -> memref<128xi32, #tpu.memory_space<vmem>>
        %dma_start3A_205 = arith.constant 0 : i32
        %dma_start3A_206 = arith.constant 0 : i32
        %dma_start3A_207 = tpu.memref_slice %arg10[%dma_start3A_205, %dma_start3A_206] : memref<10240x16xf32, #tpu.memory_space<vmem_shared>> -> memref<10240x16xf32, #tpu.memory_space<vmem_shared>>
        tpu.enqueue_indirect_dma source(%dma_start3A_201 : memref<128x16xf32, #tpu.memory_space<vmem>>) target(%dma_start3A_207 : memref<10240x16xf32, #tpu.memory_space<vmem_shared>>) offsets(%dma_start3A_204 : memref<128xi32, #tpu.memory_space<vmem>>) semaphore(%run_scoped3A : memref<!tpu.dma_semaphore, #tpu.memory_space<semaphore_mem>>) {add = true}
        %dma_wait3A_208 = arith.constant 768 : i32
        %dma_wait3A_209 = arith.constant 0 : i32
        %dma_wait3A_210 = tpu.memref_slice %arg9[%dma_wait3A_208, %dma_wait3A_209] : memref<1024x16xf32, #tpu.memory_space<vmem>> -> memref<128x16xf32, #tpu.memory_space<vmem>>
        %dma_wait3A_211 = arith.constant 0 : i32
        %dma_wait3A_212 = tpu.memref_slice %arg8[%add3A_196, %dma_wait3A_211] : memref<80x128xi32, #tpu.memory_space<vmem>> -> memref<1x128xi32, #tpu.memory_space<vmem>>
        %dma_wait3A_213 = tpu.memref_squeeze %dma_wait3A_212 : memref<1x128xi32, #tpu.memory_space<vmem>> -> memref<128xi32, #tpu.memory_space<vmem>>
        %dma_wait3A_214 = arith.constant 0 : i32
        %dma_wait3A_215 = arith.constant 0 : i32
        %dma_wait3A_216 = tpu.memref_slice %arg10[%dma_wait3A_214, %dma_wait3A_215] : memref<10240x16xf32, #tpu.memory_space<vmem_shared>> -> memref<10240x16xf32, #tpu.memory_space<vmem_shared>>
        tpu.wait_indirect_dma semaphore(%run_scoped3A : memref<!tpu.dma_semaphore, #tpu.memory_space<semaphore_mem>>) src(%dma_wait3A_210 : memref<128x16xf32, #tpu.memory_space<vmem>>) dst(%dma_wait3A_216 : memref<10240x16xf32, #tpu.memory_space<vmem_shared>>)
        tpu.yield
      }) : () -> ()
      %add3A_197 = arith.constant 7 : i32
      %add3A_198 = arith.addi %mul3A_24, %add3A_197 : i32
      "tpu.region"() ({
        %run_scoped3A = tpu.sem_alloc : memref<!tpu.dma_semaphore, #tpu.memory_space<semaphore_mem>>
        %dma_start3A_199 = arith.constant 896 : i32
        %dma_start3A_200 = arith.constant 0 : i32
        %dma_start3A_201 = tpu.memref_slice %arg9[%dma_start3A_199, %dma_start3A_200] : memref<1024x16xf32, #tpu.memory_space<vmem>> -> memref<128x16xf32, #tpu.memory_space<vmem>>
        %dma_start3A_202 = arith.constant 0 : i32
        %dma_start3A_203 = tpu.memref_slice %arg8[%add3A_198, %dma_start3A_202] : memref<80x128xi32, #tpu.memory_space<vmem>> -> memref<1x128xi32, #tpu.memory_space<vmem>>
        %dma_start3A_204 = tpu.memref_squeeze %dma_start3A_203 : memref<1x128xi32, #tpu.memory_space<vmem>> -> memref<128xi32, #tpu.memory_space<vmem>>
        %dma_start3A_205 = arith.constant 0 : i32
        %dma_start3A_206 = arith.constant 0 : i32
        %dma_start3A_207 = tpu.memref_slice %arg10[%dma_start3A_205, %dma_start3A_206] : memref<10240x16xf32, #tpu.memory_space<vmem_shared>> -> memref<10240x16xf32, #tpu.memory_space<vmem_shared>>
        tpu.enqueue_indirect_dma source(%dma_start3A_201 : memref<128x16xf32, #tpu.memory_space<vmem>>) target(%dma_start3A_207 : memref<10240x16xf32, #tpu.memory_space<vmem_shared>>) offsets(%dma_start3A_204 : memref<128xi32, #tpu.memory_space<vmem>>) semaphore(%run_scoped3A : memref<!tpu.dma_semaphore, #tpu.memory_space<semaphore_mem>>) {add = true}
        %dma_wait3A_208 = arith.constant 896 : i32
        %dma_wait3A_209 = arith.constant 0 : i32
        %dma_wait3A_210 = tpu.memref_slice %arg9[%dma_wait3A_208, %dma_wait3A_209] : memref<1024x16xf32, #tpu.memory_space<vmem>> -> memref<128x16xf32, #tpu.memory_space<vmem>>
        %dma_wait3A_211 = arith.constant 0 : i32
        %dma_wait3A_212 = tpu.memref_slice %arg8[%add3A_198, %dma_wait3A_211] : memref<80x128xi32, #tpu.memory_space<vmem>> -> memref<1x128xi32, #tpu.memory_space<vmem>>
        %dma_wait3A_213 = tpu.memref_squeeze %dma_wait3A_212 : memref<1x128xi32, #tpu.memory_space<vmem>> -> memref<128xi32, #tpu.memory_space<vmem>>
        %dma_wait3A_214 = arith.constant 0 : i32
        %dma_wait3A_215 = arith.constant 0 : i32
        %dma_wait3A_216 = tpu.memref_slice %arg10[%dma_wait3A_214, %dma_wait3A_215] : memref<10240x16xf32, #tpu.memory_space<vmem_shared>> -> memref<10240x16xf32, #tpu.memory_space<vmem_shared>>
        tpu.wait_indirect_dma semaphore(%run_scoped3A : memref<!tpu.dma_semaphore, #tpu.memory_space<semaphore_mem>>) src(%dma_wait3A_210 : memref<128x16xf32, #tpu.memory_space<vmem>>) dst(%dma_wait3A_216 : memref<10240x16xf32, #tpu.memory_space<vmem_shared>>)
        tpu.yield
      }) : () -> ()
    }
    %scan3A_13 = arith.constant 10 : i32
    %barrier3A_14 = arith.constant 0 : index
    tpu.barrier barrier_id(%barrier3A_14)
    %mul3A_15 = arith.constant 640 : i32
    %mul3A_16 = arith.muli %arg1, %mul3A_15 : i32
    %mul3A_17 = arith.constant 10240 : i32
    %mul3A_18 = arith.muli %arg0, %mul3A_17 : i32
    %mul3A_19 = arith.constant 640 : i32
    %mul3A_20 = arith.muli %arg1, %mul3A_19 : i32
    %add3A_21 = arith.addi %mul3A_18, %mul3A_20 : i32
    "tpu.region"() ({
      %run_scoped3A = tpu.sem_alloc : memref<!tpu.dma_semaphore, #tpu.memory_space<semaphore_mem>>
      %dma_start3A = arith.constant 0 : i32
      %dma_start3A_22 = tpu.memref_slice %arg6[%add3A_21, %dma_start3A] : memref<20480x16xf32, #tpu.memory_space<hbm>> -> memref<640x16xf32, #tpu.memory_space<hbm>>
      %dma_start3A_23 = arith.constant 0 : i32
      %dma_start3A_24 = tpu.memref_slice %arg10[%mul3A_16, %dma_start3A_23] : memref<10240x16xf32, #tpu.memory_space<vmem_shared>> -> memref<640x16xf32, #tpu.memory_space<vmem_shared>>
      tpu.enqueue_dma source(%dma_start3A_24 : memref<640x16xf32, #tpu.memory_space<vmem_shared>>) target(%dma_start3A_22 : memref<640x16xf32, #tpu.memory_space<hbm>>) target_semaphore(%run_scoped3A : memref<!tpu.dma_semaphore, #tpu.memory_space<semaphore_mem>>)
      %dma_wait3A = arith.constant 0 : i32
      %dma_wait3A_25 = tpu.memref_slice %arg6[%add3A_21, %dma_wait3A] : memref<20480x16xf32, #tpu.memory_space<hbm>> -> memref<640x16xf32, #tpu.memory_space<hbm>>
      %dma_wait3A_26 = arith.constant 0 : i32
      %dma_wait3A_27 = tpu.memref_slice %arg10[%mul3A_16, %dma_wait3A_26] : memref<10240x16xf32, #tpu.memory_space<vmem_shared>> -> memref<640x16xf32, #tpu.memory_space<vmem_shared>>
      tpu.wait_dma2 semaphore(%run_scoped3A : memref<!tpu.dma_semaphore, #tpu.memory_space<semaphore_mem>>) src(%dma_wait3A_27 : memref<640x16xf32, #tpu.memory_space<vmem_shared>>) dst(%dma_wait3A_25 : memref<640x16xf32, #tpu.memory_space<hbm>>)
      tpu.yield
    }) : () -> ()
    return
  }
}

module attributes {stable_mosaic.version = 14 : i64} {
  func.func @_tc1_body(%arg0: i32, %arg1: memref<512x2xf32, #tpu.memory_space<vmem>>, %arg2: memref<512x128xf32, #tpu.memory_space<vmem>>, %arg3: memref<128x16xf32, #tpu.memory_space<vmem>>, %arg4: memref<512x16xf32, #tpu.memory_space<vmem>>) attributes {dimension_semantics = [#tpu.dimension_semantics<arbitrary>], iteration_bounds = array<i64: 20>, scalar_prefetch = 0 : i64, scratch_operands = 0 : i64, tpu.core_type = #tpu.core_type<tc>, window_params = [{transform_indices = @transform_0, window_bounds = array<i64: 512, 2>}, {transform_indices = @transform_1, window_bounds = array<i64: 512, 128>}, {pipeline_mode = #tpu.pipeline_mode<synchronous>, transform_indices = @transform_2, window_bounds = array<i64: 128, 16>}, {transform_indices = @transform_3, window_bounds = array<i64: 512, 16>}]} {
    %get3A = arith.constant 0 : index
    %get3A_0 = arith.constant 0 : index
    %get3A_1 = vector.load %arg1[%get3A, %get3A_0] : memref<512x2xf32, #tpu.memory_space<vmem>>, vector<512x2xf32>
    %slice3A = vector.extract_strided_slice %get3A_1 {offsets = [0, 0], sizes = [512, 1], strides = [1, 1]} : vector<512x2xf32> to vector<512x1xf32>
    %add3A = arith.constant 1.000000e+00 : f32
    %add3A_2 = vector.broadcast %add3A : f32 to vector<512x1xf32>
    %add3A_3 = arith.addf %add3A_2, %slice3A : vector<512x1xf32>
    %slice3A_4 = vector.extract_strided_slice %get3A_1 {offsets = [0, 1], sizes = [512, 1], strides = [1, 1]} : vector<512x2xf32> to vector<512x1xf32>
    %add3A_5 = arith.addf %add3A_3, %slice3A_4 : vector<512x1xf32>
    %rsqrt3A = math.rsqrt %add3A_5 : vector<512x1xf32>
    %get3A_6 = arith.constant 0 : index
    %get3A_7 = arith.constant 0 : index
    %get3A_8 = vector.load %arg2[%get3A_6, %get3A_7] : memref<512x128xf32, #tpu.memory_space<vmem>>, vector<512x128xf32>
    %get3A_9 = arith.constant 0 : index
    %get3A_10 = arith.constant 0 : index
    %get3A_11 = vector.load %arg3[%get3A_9, %get3A_10] : memref<128x16xf32, #tpu.memory_space<vmem>>, vector<128x16xf32>
    %dot_general3A = arith.constant dense<0.000000e+00> : vector<512x16xf32>
    %dot_general3A_12 = tpu.matmul %get3A_8, %get3A_11, %dot_general3A {dimension_numbers = #tpu.dot_dimension_numbers<[1], [0], [0], [1], [0, 0, 1, 1], [], []>, transpose_lhs_hint = false} : vector<512x128xf32>, vector<128x16xf32>, vector<512x16xf32> -> vector<512x16xf32>
    %mul3A = vector.broadcast %rsqrt3A : vector<512x1xf32> to vector<512x16xf32>
    %mul3A_13 = arith.mulf %mul3A, %dot_general3A_12 : vector<512x16xf32>
    %swap3A = arith.constant 0 : index
    %swap3A_14 = arith.constant 0 : index
    %swap3A_15 = vector.load %arg4[%swap3A, %swap3A_14] : memref<512x16xf32, #tpu.memory_space<vmem>>, vector<512x16xf32>
    tpu.vector_store %arg4[%swap3A, %swap3A_14], %mul3A_13 {strides = array<i32>} : memref<512x16xf32, #tpu.memory_space<vmem>>, vector<512x16xf32>,
    return
  }
  func.func @transform_0(%arg0: i32) -> (i32, i32) {
    %c0_i32 = arith.constant 0 : i32
    %c0_i32_0 = arith.constant 0 : i32
    return %arg0, %c0_i32 : i32, i32
  }
  func.func @transform_1(%arg0: i32) -> (i32, i32) {
    %c0_i32 = arith.constant 0 : i32
    %c0_i32_0 = arith.constant 0 : i32
    return %arg0, %c0_i32 : i32, i32
  }
  func.func @transform_2(%arg0: i32) -> (i32, i32) {
    %c0_i32 = arith.constant 0 : i32
    %c0_i32_0 = arith.constant 0 : i32
    %c0_i32_1 = arith.constant 0 : i32
    return %c0_i32, %c0_i32_0 : i32, i32
  }
  func.func @transform_3(%arg0: i32) -> (i32, i32) {
    %c0_i32 = arith.constant 0 : i32
    %c0_i32_0 = arith.constant 0 : i32
    return %arg0, %c0_i32 : i32, i32
  }
}

module attributes {stable_mosaic.version = 14 : i64} {
  func.func @_tc2_body(%arg0: i32, %arg1: memref<2x512x16xf32, #tpu.memory_space<vmem>>, %arg2: memref<512x16xf32, #tpu.memory_space<vmem>>, %arg3: memref<512x2xf32, #tpu.memory_space<vmem>>, %arg4: memref<16xf32, #tpu.memory_space<vmem>>, %arg5: memref<512x16xf32, #tpu.memory_space<vmem>>) attributes {dimension_semantics = [#tpu.dimension_semantics<arbitrary>], iteration_bounds = array<i64: 20>, scalar_prefetch = 0 : i64, scratch_operands = 0 : i64, tpu.core_type = #tpu.core_type<tc>, window_params = [{transform_indices = @transform_0, window_bounds = array<i64: 2, 512, 16>}, {transform_indices = @transform_1, window_bounds = array<i64: 512, 16>}, {transform_indices = @transform_2, window_bounds = array<i64: 512, 2>}, {pipeline_mode = #tpu.pipeline_mode<synchronous>, transform_indices = @transform_3, window_bounds = array<i64: 16>}, {transform_indices = @transform_4, window_bounds = array<i64: 512, 16>}]} {
    %get3A = arith.constant 0 : index
    %get3A_0 = arith.constant 0 : index
    %get3A_1 = vector.load %arg3[%get3A, %get3A_0] : memref<512x2xf32, #tpu.memory_space<vmem>>, vector<512x2xf32>
    %slice3A = vector.extract_strided_slice %get3A_1 {offsets = [0, 0], sizes = [512, 1], strides = [1, 1]} : vector<512x2xf32> to vector<512x1xf32>
    %add3A = arith.constant 1.000000e+00 : f32
    %add3A_2 = vector.broadcast %add3A : f32 to vector<512x1xf32>
    %add3A_3 = arith.addf %add3A_2, %slice3A : vector<512x1xf32>
    %slice3A_4 = vector.extract_strided_slice %get3A_1 {offsets = [0, 1], sizes = [512, 1], strides = [1, 1]} : vector<512x2xf32> to vector<512x1xf32>
    %add3A_5 = arith.addf %add3A_3, %slice3A_4 : vector<512x1xf32>
    %rsqrt3A = math.rsqrt %add3A_5 : vector<512x1xf32>
    %get3A_6 = arith.constant 0 : index
    %get3A_7 = arith.constant 0 : index
    %get3A_8 = arith.constant 0 : index
    %get3A_9 = vector.load %arg1[%get3A_6, %get3A_7, %get3A_8] : memref<2x512x16xf32, #tpu.memory_space<vmem>>, vector<2x512x16xf32>
    %slice3A_10 = vector.extract_strided_slice %get3A_9 {offsets = [0, 0, 0], sizes = [1, 512, 16], strides = [1, 1, 1]} : vector<2x512x16xf32> to vector<1x512x16xf32>
    %squeeze3A = vector.shape_cast %slice3A_10 : vector<1x512x16xf32> to vector<512x16xf32>
    %slice3A_11 = vector.extract_strided_slice %get3A_9 {offsets = [1, 0, 0], sizes = [1, 512, 16], strides = [1, 1, 1]} : vector<2x512x16xf32> to vector<1x512x16xf32>
    %squeeze3A_12 = vector.shape_cast %slice3A_11 : vector<1x512x16xf32> to vector<512x16xf32>
    %add3A_13 = arith.addf %squeeze3A, %squeeze3A_12 : vector<512x16xf32>
    %get3A_14 = arith.constant 0 : index
    %get3A_15 = arith.constant 0 : index
    %get3A_16 = vector.load %arg2[%get3A_14, %get3A_15] : memref<512x16xf32, #tpu.memory_space<vmem>>, vector<512x16xf32>
    %add3A_17 = arith.addf %add3A_13, %get3A_16 : vector<512x16xf32>
    %mul3A = vector.broadcast %rsqrt3A : vector<512x1xf32> to vector<512x16xf32>
    %mul3A_18 = arith.mulf %mul3A, %add3A_17 : vector<512x16xf32>
    %get3A_19 = arith.constant 0 : index
    %get3A_20 = vector.load %arg4[%get3A_19] : memref<16xf32, #tpu.memory_space<vmem>>, vector<16xf32>
    %broadcast_in_dim3A = vector.shape_cast %get3A_20 : vector<16xf32> to vector<1x16xf32>
    %add3A_21 = vector.broadcast %broadcast_in_dim3A : vector<1x16xf32> to vector<512x16xf32>
    %add3A_22 = arith.addf %mul3A_18, %add3A_21 : vector<512x16xf32>
    %max3A = arith.constant 0.000000e+00 : f32
    %max3A_23 = vector.broadcast %max3A : f32 to vector<512x16xf32>
    %max3A_24 = arith.maximumf %add3A_22, %max3A_23 : vector<512x16xf32>
    %mul3A_25 = vector.broadcast %rsqrt3A : vector<512x1xf32> to vector<512x16xf32>
    %mul3A_26 = arith.mulf %mul3A_25, %max3A_24 : vector<512x16xf32>
    %swap3A = arith.constant 0 : index
    %swap3A_27 = arith.constant 0 : index
    %swap3A_28 = vector.load %arg5[%swap3A, %swap3A_27] : memref<512x16xf32, #tpu.memory_space<vmem>>, vector<512x16xf32>
    tpu.vector_store %arg5[%swap3A, %swap3A_27], %mul3A_26 {strides = array<i32>} : memref<512x16xf32, #tpu.memory_space<vmem>>, vector<512x16xf32>,
    return
  }
  func.func @transform_0(%arg0: i32) -> (i32, i32, i32) {
    %c0_i32 = arith.constant 0 : i32
    %c0_i32_0 = arith.constant 0 : i32
    %c0_i32_1 = arith.constant 0 : i32
    return %c0_i32, %arg0, %c0_i32_0 : i32, i32, i32
  }
  func.func @transform_1(%arg0: i32) -> (i32, i32) {
    %c0_i32 = arith.constant 0 : i32
    %c0_i32_0 = arith.constant 0 : i32
    return %arg0, %c0_i32 : i32, i32
  }
  func.func @transform_2(%arg0: i32) -> (i32, i32) {
    %c0_i32 = arith.constant 0 : i32
    %c0_i32_0 = arith.constant 0 : i32
    return %arg0, %c0_i32 : i32, i32
  }
  func.func @transform_3(%arg0: i32) -> i32 {
    %c0_i32 = arith.constant 0 : i32
    %c0_i32_0 = arith.constant 0 : i32
    return %c0_i32 : i32
  }
  func.func @transform_4(%arg0: i32) -> (i32, i32) {
    %c0_i32 = arith.constant 0 : i32
    %c0_i32_0 = arith.constant 0 : i32
    return %arg0, %c0_i32 : i32, i32
  }
}

module attributes {stable_mosaic.version = 14 : i64} {
  func.func @_tc3_body(%arg0: i32, %arg1: memref<2x512x16xf32, #tpu.memory_space<vmem>>, %arg2: memref<512x16xf32, #tpu.memory_space<vmem>>, %arg3: memref<512x2xf32, #tpu.memory_space<vmem>>, %arg4: memref<16x7xf32, #tpu.memory_space<vmem>>, %arg5: memref<7xf32, #tpu.memory_space<vmem>>, %arg6: memref<512x7xf32, #tpu.memory_space<vmem>>) attributes {dimension_semantics = [#tpu.dimension_semantics<arbitrary>], iteration_bounds = array<i64: 20>, scalar_prefetch = 0 : i64, scratch_operands = 0 : i64, tpu.core_type = #tpu.core_type<tc>, window_params = [{transform_indices = @transform_0, window_bounds = array<i64: 2, 512, 16>}, {transform_indices = @transform_1, window_bounds = array<i64: 512, 16>}, {transform_indices = @transform_2, window_bounds = array<i64: 512, 2>}, {pipeline_mode = #tpu.pipeline_mode<synchronous>, transform_indices = @transform_3, window_bounds = array<i64: 16, 7>}, {pipeline_mode = #tpu.pipeline_mode<synchronous>, transform_indices = @transform_4, window_bounds = array<i64: 7>}, {transform_indices = @transform_5, window_bounds = array<i64: 512, 7>}]} {
    %get3A = arith.constant 0 : index
    %get3A_0 = arith.constant 0 : index
    %get3A_1 = vector.load %arg3[%get3A, %get3A_0] : memref<512x2xf32, #tpu.memory_space<vmem>>, vector<512x2xf32>
    %slice3A = vector.extract_strided_slice %get3A_1 {offsets = [0, 0], sizes = [512, 1], strides = [1, 1]} : vector<512x2xf32> to vector<512x1xf32>
    %add3A = arith.constant 1.000000e+00 : f32
    %add3A_2 = vector.broadcast %add3A : f32 to vector<512x1xf32>
    %add3A_3 = arith.addf %add3A_2, %slice3A : vector<512x1xf32>
    %slice3A_4 = vector.extract_strided_slice %get3A_1 {offsets = [0, 1], sizes = [512, 1], strides = [1, 1]} : vector<512x2xf32> to vector<512x1xf32>
    %add3A_5 = arith.addf %add3A_3, %slice3A_4 : vector<512x1xf32>
    %rsqrt3A = math.rsqrt %add3A_5 : vector<512x1xf32>
    %get3A_6 = arith.constant 0 : index
    %get3A_7 = arith.constant 0 : index
    %get3A_8 = arith.constant 0 : index
    %get3A_9 = vector.load %arg1[%get3A_6, %get3A_7, %get3A_8] : memref<2x512x16xf32, #tpu.memory_space<vmem>>, vector<2x512x16xf32>
    %slice3A_10 = vector.extract_strided_slice %get3A_9 {offsets = [0, 0, 0], sizes = [1, 512, 16], strides = [1, 1, 1]} : vector<2x512x16xf32> to vector<1x512x16xf32>
    %squeeze3A = vector.shape_cast %slice3A_10 : vector<1x512x16xf32> to vector<512x16xf32>
    %slice3A_11 = vector.extract_strided_slice %get3A_9 {offsets = [1, 0, 0], sizes = [1, 512, 16], strides = [1, 1, 1]} : vector<2x512x16xf32> to vector<1x512x16xf32>
    %squeeze3A_12 = vector.shape_cast %slice3A_11 : vector<1x512x16xf32> to vector<512x16xf32>
    %add3A_13 = arith.addf %squeeze3A, %squeeze3A_12 : vector<512x16xf32>
    %get3A_14 = arith.constant 0 : index
    %get3A_15 = arith.constant 0 : index
    %get3A_16 = vector.load %arg2[%get3A_14, %get3A_15] : memref<512x16xf32, #tpu.memory_space<vmem>>, vector<512x16xf32>
    %add3A_17 = arith.addf %add3A_13, %get3A_16 : vector<512x16xf32>
    %mul3A = vector.broadcast %rsqrt3A : vector<512x1xf32> to vector<512x16xf32>
    %mul3A_18 = arith.mulf %mul3A, %add3A_17 : vector<512x16xf32>
    %get3A_19 = arith.constant 0 : index
    %get3A_20 = arith.constant 0 : index
    %get3A_21 = vector.load %arg4[%get3A_19, %get3A_20] : memref<16x7xf32, #tpu.memory_space<vmem>>, vector<16x7xf32>
    %dot_general3A = arith.constant dense<0.000000e+00> : vector<512x7xf32>
    %dot_general3A_22 = tpu.matmul %mul3A_18, %get3A_21, %dot_general3A {dimension_numbers = #tpu.dot_dimension_numbers<[1], [0], [0], [1], [0, 0, 1, 1], [], []>, transpose_lhs_hint = false} : vector<512x16xf32>, vector<16x7xf32>, vector<512x7xf32> -> vector<512x7xf32>
    %get3A_23 = arith.constant 0 : index
    %get3A_24 = vector.load %arg5[%get3A_23] : memref<7xf32, #tpu.memory_space<vmem>>, vector<7xf32>
    %broadcast_in_dim3A = vector.shape_cast %get3A_24 : vector<7xf32> to vector<1x7xf32>
    %add3A_25 = vector.broadcast %broadcast_in_dim3A : vector<1x7xf32> to vector<512x7xf32>
    %add3A_26 = arith.addf %dot_general3A_22, %add3A_25 : vector<512x7xf32>
    %swap3A = arith.constant 0 : index
    %swap3A_27 = arith.constant 0 : index
    %swap3A_28 = vector.load %arg6[%swap3A, %swap3A_27] : memref<512x7xf32, #tpu.memory_space<vmem>>, vector<512x7xf32>
    tpu.vector_store %arg6[%swap3A, %swap3A_27], %add3A_26 {strides = array<i32>} : memref<512x7xf32, #tpu.memory_space<vmem>>, vector<512x7xf32>,
    return
  }
  func.func @transform_0(%arg0: i32) -> (i32, i32, i32) {
    %c0_i32 = arith.constant 0 : i32
    %c0_i32_0 = arith.constant 0 : i32
    %c0_i32_1 = arith.constant 0 : i32
    return %c0_i32, %arg0, %c0_i32_0 : i32, i32, i32
  }
  func.func @transform_1(%arg0: i32) -> (i32, i32) {
    %c0_i32 = arith.constant 0 : i32
    %c0_i32_0 = arith.constant 0 : i32
    return %arg0, %c0_i32 : i32, i32
  }
  func.func @transform_2(%arg0: i32) -> (i32, i32) {
    %c0_i32 = arith.constant 0 : i32
    %c0_i32_0 = arith.constant 0 : i32
    return %arg0, %c0_i32 : i32, i32
  }
  func.func @transform_3(%arg0: i32) -> (i32, i32) {
    %c0_i32 = arith.constant 0 : i32
    %c0_i32_0 = arith.constant 0 : i32
    %c0_i32_1 = arith.constant 0 : i32
    return %c0_i32, %c0_i32_0 : i32, i32
  }
  func.func @transform_4(%arg0: i32) -> i32 {
    %c0_i32 = arith.constant 0 : i32
    %c0_i32_0 = arith.constant 0 : i32
    return %c0_i32 : i32
  }
  func.func @transform_5(%arg0: i32) -> (i32, i32) {
    %c0_i32 = arith.constant 0 : i32
    %c0_i32_0 = arith.constant 0 : i32
    return %arg0, %c0_i32 : i32, i32
  }
}

</mosaic_0001>

<sc_bundles>
// kernel: kernel.11.cloned.1.call-start
scs
__scs_entry_jumppad:
0x0: {  	(pc) =	sbr.rel $0x88, $3  }
0x1: {  	(tag) =	ssettag $0x0;
	lr =	simm.s32 $0x1  }
0x2: {  	[smem:$0x3F9B] =	sst lr;
	_ =	strace $0xD0000000  }
0x3: {  	_ = 	snop  }
0x4: {  	_ = 	snop  }
0x5: {  	_ = 	snop  }
0x6: {  	_ = 	snop  }
0x7: {  	_ = 	snop  }
__scs_overlays_trampoline_lowered:
0x8: {  	[smem:$0x3FAA] =	sst s0  }
0x9: {  	[smem:$0x3FAB] =	sst s1  }
0xa: {  	[smem:$0x3FAC] =	sst s2  }
0xb: {  	[smem:$0x3FAD] =	sst s3  }
0xc: {  	[smem:$0x3FAE] =	sst s4  }
0xd: {  	[smem:$0x3FAF] =	sst s5  }
0xe: {  	[smem:$0x3FB0] =	sst s6  }
0xf: {  	[smem:$0x3FB1] =	sst s7  }
0x10: {  	[smem:$0x3FB2] =	sst s8  }
0x11: {  	[smem:$0x3FB3] =	sst s9;
	s0 =	simm.s32 @!p0 $0x0  }
0x12: {  	s1 =	sld [smem:$0x3F99];
	s0 =	simm.s32 @p0 $0x1  }
0x13: {  	[smem:$0x3FB4] =	sst s0;
	s0 =	simm.s32 @!p1 $0x0  }
0x14: {  	s2 =	sld [smem:$0x3F98];
	s0 =	simm.s32 @p1 $0x1  }
0x15: {  	[smem:$0x3FB5] =	sst s0;
	s0 =	simm.s32 @!p2 $0x0  }
0x16: {  	s3 =	sld [smem:$0x3FDB];
	s0 =	simm.s32 @p2 $0x1  }
0x17: {  	s4 =	simm.s32 $0x1BF5;
	[smem:$0x3FB7] =	sst s0  }
0x18: {  	s0 =	sld [smem:$0x3F9A];
	_ =	swait.ge [sflag:s4], $0x0  }
0x19: {  	s7 =	sld [smem:$0x3F9B]  }
0x1a: {  	s8 =	sadd.s32 $0xFFFFE003, lr  }
0x1b: {  	s9 =	sadd.s32 $0xFFFFFEF7, lr;
	s5 =	simm.s32 $0xFFFFFFFF;
	p2 =	slt.u32 s8, $0xFFFFF086  }
0x1c: {  	p1 =	slt.u32 s9, $0xF7A;
	s5 =	simm.s32 @!p2 $0x0  }
0x1d: {  	s5 =	simm.s32 @p1 $0x1;
	p0 =	seq.s32 s7, s2  }
0x1e: {  	s7 =	smul.u32 @!p0 $0xF7A, s2;
	p2 =	seq.s32 @!p0 s5, $0x0  }
0x1f: {  	s9 =	smul.u32 $0xF7A, s1;
	s8 =	simm.s32 @!p0 $0x1BF5;
	p2 =	por !p2, p0  }
0x20: {  	[sflag:s8] =	ssyncset.s32 @!p0 $0xFFFFF086;
	s6 =	sadd.s32 @!p0 s3, s7;
	s7 =	simm.s32 @!p0 $0x108  }
0x21: {  	s3 =	sadd.s32 s3, s9;
	s6 =	sadd.s32 @!p0 $0x88, s6;
	s7 =	simm.s32 @p2 $0x1082  }
0x22: {  	[simem:s7], [sflag:s8] =	dma.local @!p0 [hbm:s6], $0xF7A  }
0x23: {  	s9 =	sor.u32 $0xD0000000, s2;
	s6 =	simm.s32 $0x108;
	_ =	swait.ge @!p0 [sflag:s8], $0x0  }
0x24: {  	s3 =	sadd.s32 $0x88, s3;
	s6 =	simm.s32 @!p1 $0x1082;
	[sflag:s4] =	ssyncset.s32 $0xFFFFF086  }
0x25: {  	[simem:s6], [sflag:s4] =	dma.local [hbm:s3], $0xF7A  }
0x26: {  	[smem:$0x3F9B] =	sst s1;
	(tag) =	ssettag s2;
	_ =	strace s9  }
0x27: {  	s1 =	sld [smem:$0x3FAB]  }
0x28: {  	s2 =	sld [smem:$0x3FAC]  }
0x29: {  	s4 =	sld [smem:$0x3FAE]  }
0x2a: {  	p0 =	seq.s32 s5, $0x0;
	s5 =	sld [smem:$0x3FAF]  }
0x2b: {  	s6 =	sld [smem:$0x3FB0]  }
0x2c: {  	s7 =	sld [smem:$0x3FB1]  }
0x2d: {  	s3 =	simm.s32 $0x108;
	s8 =	sld [smem:$0x3FB2]  }
0x2e: {  	s3 =	simm.s32 @!p0 $0x1082;
	s9 =	sld [smem:$0x3FB3]  }
0x2f: {  	lr =	sadd.s32 s0, s3;
	s0 =	sld [smem:$0x3FAA]  }
0x30: {  	s3 =	sld [smem:$0x3FAD]  }
0x31: {  	[smem:$0x3FB6] =	sst s10  }
0x32: {  	s10 =	sld [smem:$0x3FB4];
	_ =	sdelay $0x3  }
0x33: {  	p0 =	seq.s32 s10, $0x1;
	s10 =	sld [smem:$0x3FB6];
	_ =	sdelay $0x3  }
0x34: {  	[smem:$0x3FB6] =	sst s10  }
0x35: {  	s10 =	sld [smem:$0x3FB5];
	_ =	sdelay $0x3  }
0x36: {  	p1 =	seq.s32 s10, $0x1;
	s10 =	sld [smem:$0x3FB6];
	_ =	sdelay $0x3  }
0x37: {  	[smem:$0x3FB6] =	sst s10  }
0x38: {  	s10 =	sld [smem:$0x3FB7]  }
0x39: {  	_ = 	snop;
	(pc) =	sbr.ind lr, $3  }
0x3a: {  	_ = 	snop  }
0x3b: {  	_ = 	snop  }
0x3c: {  	p2 =	seq.s32 s10, $0x1;
	s10 =	sld [smem:$0x3FB6]  }
0x3d: {  	_ =	shalt  }
0x3e: {  	_ =	shalt  }
0x3f: {  	_ =	shalt  }
0x40: {  	_ =	shalt  }
0x41: {  	_ =	shalt  }
0x42: {  	_ =	shalt  }
0x43: {  	_ =	shalt  }
0x44: {  	_ =	shalt  }
0x45: {  	_ =	shalt  }
0x46: {  	_ =	shalt  }
0x47: {  	_ =	shalt  }
0x48: {  	_ =	shalt  }
0x49: {  	_ =	shalt  }
0x4a: {  	_ =	shalt  }
0x4b: {  	_ =	shalt  }
0x4c: {  	_ =	shalt  }
0x4d: {  	_ =	shalt  }
0x4e: {  	_ =	shalt  }
0x4f: {  	_ =	shalt  }
0x50: {  	_ =	shalt  }
0x51: {  	_ =	shalt  }
0x52: {  	_ =	shalt  }
0x53: {  	_ =	shalt  }
0x54: {  	_ =	shalt  }
0x55: {  	_ =	shalt  }
0x56: {  	_ =	shalt  }
0x57: {  	_ =	shalt  }
0x58: {  	_ =	shalt  }
0x59: {  	_ =	shalt  }
0x5a: {  	_ =	shalt  }
0x5b: {  	_ =	shalt  }
0x5c: {  	_ =	shalt  }
0x5d: {  	_ =	shalt  }
0x5e: {  	_ =	shalt  }
0x5f: {  	_ =	shalt  }
0x60: {  	_ =	shalt  }
0x61: {  	_ =	shalt  }
0x62: {  	_ =	shalt  }
0x63: {  	_ =	shalt  }
0x64: {  	_ =	shalt  }
0x65: {  	_ =	shalt  }
0x66: {  	_ =	shalt  }
0x67: {  	_ =	shalt  }
0x68: {  	_ =	shalt  }
0x69: {  	_ =	shalt  }
0x6a: {  	_ =	shalt  }
0x6b: {  	_ =	shalt  }
0x6c: {  	_ =	shalt  }
0x6d: {  	_ =	shalt  }
0x6e: {  	_ =	shalt  }
0x6f: {  	_ =	shalt  }
0x70: {  	_ =	shalt  }
0x71: {  	_ =	shalt  }
0x72: {  	_ =	shalt  }
0x73: {  	_ =	shalt  }
0x74: {  	_ =	shalt  }
0x75: {  	_ =	shalt  }
0x76: {  	_ =	shalt  }
0x77: {  	_ =	shalt  }
0x78: {  	_ =	shalt  }
0x79: {  	_ =	shalt  }
0x7a: {  	_ =	shalt  }
0x7b: {  	_ =	shalt  }
0x7c: {  	_ =	shalt  }
0x7d: {  	_ =	shalt  }
0x7e: {  	_ =	shalt  }
0x7f: {  	_ =	shalt  }
0x80: {  	_ =	shalt  }
0x81: {  	_ =	shalt  }
0x82: {  	_ =	shalt  }
0x83: {  	_ =	shalt  }
0x84: {  	_ =	shalt  }
0x85: {  	_ =	shalt  }
0x86: {  	_ =	shalt  }
0x87: {  	_ =	shalt  }
.Lfunc_end0:
.L_simem_size_0:
called_computation.1_lowered:
.L_overlay_start_0:
0x88: {  	s2 =	sld [smem:$0x3FD9]  }
0x89: {  	s3 =	sld [smem:$0x3FFE];
	_ =	sdelay $0x1  }
0x8a: {  	s1 =	srdreg.scid  }
0x8b: {  	s0 =	sand.u32 $0x1, s1  }
0x8c: {  	s16 =	sshll.u32 s0, $0xA;
	s2 =	sadd.s32 s3, s2  }
0x8d: {  	s2 =	sadd.s32 s2, s16  }
0x8e: {  	[smem:$0x3FC2] =	sst s2  }
0x8f: {  	_ = 	snop  }
0x90: {  	(tm) =	ssettm $0x1  }
0x91: {  	s17 =	sld [smem:$0x3FFB];
	_ =	sdelay $0x3  }
0x92: {  	_ =	strace s17  }
0x93: {  	s2 =	sld [smem:$0x3FFC];
	_ =	sdelay $0x3  }
0x94: {  	_ =	strace s2  }
0x95: {  	s2 =	sld [smem:$0x3FFD];
	_ =	sdelay $0x3  }
0x96: {  	_ =	strace s2  }
0x97: {  	_ =	strace $0x8FFFFFFF  }
0x98: {  	s18 =	sld [smem:$0x3FDB];
	_ =	sdelay $0x1  }
0x99: {  	s19 =	simm.s32 $_scs_section_size  }
0x9a: {  	s4 =	simm.s32 $_size__tile_overlayer_lowered;
	s5 =	simm.s32 $_tile_overlayer_lowered  }
0x9b: {  	s22 =	simm.s32 $0x1BFF;
	s21 =	sshll.u32 s5, $0x1;
	s2 =	sadd.s32 s19, s18  }
0x9c: {  	s6 =	simm.s32 $0x0;
	s20 =	sshll.u32 s4, $0x1;
	s4 =	sadd.s32 s21, s2  }
0x9d: {  	[timem:s6], [sflag:s22] =	dma.local [hbm:s4], s20  }
0x9e: {  	_ =	swait.ge [sflag:s22], s20  }
0x9f: {  	s3 =	ssub.s32 $0x0, s20;
	[sflag:s22] =	ssyncset.done $0x0  }
0xa0: {  	[sflag:s22] =	ssyncadd.s32 s3;
	_ =	sdelay $0x1  }
0xa1: {  	s23 =	simm.s32 $0x1B8B  }
0xa2: {  	_ =	swait.ge [sflag:s23], $0x1  }
0xa3: {  	[sflag:s23] =	ssyncset.done $0x0  }
0xa4: {  	s25 =	simm.s32 $0x1B8E;
	s24 =	sld [smem:$0x3FFE];
	[sflag:s23] =	ssyncadd.s32 $0xFFFFFFFF  }
0xa5: {  	s26 =	simm.s32 $execute0_lowered;
	[smem:$0x3FD2] =	sst s25  }
0xa6: {  	s4 =	sshll.u32 s26, $0x1;
	_ =	strace $0x80000049;
	[dreg:$0x1] =	wrdreg $0xFFFFFFFF  }
0xa7: {  	s28 =	simm.s32 $_size_execute0_lowered;
	s2 =	sadd.s32 s2, s4;
	[dreg:$0x0] =	wrdreg $0x0  }
0xa8: {  	s4 =	sshll.u32 s28, $0x1;
	[dreg:$0x2] =	wrdreg s2  }
0xa9: {  	[dreg:$0x3] =	wrdreg s4  }
0xaa: {  	[dreg:$0x4] =	wrdreg $0xC0  }
0xab: {  	_ =	task [dreg:s6], $0x5FFFF  }
0xac: {  	[dreg:$0x1] =	wrdreg $0xFFFFFFFF  }
0xad: {  	[dreg:$0x0] =	wrdreg $0x60  }
0xae: {  	[dreg:$0x2] =	wrdreg s24  }
0xaf: {  	[dreg:$0x3] =	wrdreg $0x90000  }
0xb0: {  	[dreg:$0x4] =	wrdreg $0x9  }
0xb1: {  	_ =	task.clear_ibuf [dreg:s6], $0x5FFFF;
	_ =	strace $0x90000049  }
0xb2: {  	s29 =	simm.s32 $0x9;
	_ =	strace $0x8000004B  }
0xb3: {  	_ =	swait.ge [sflag:s29], $0x1  }
0xb4: {  	[sflag:s29] =	ssyncadd.s32 $0xFFFFFFFF  }
0xb5: {  	_ =	strace $0x9000004B  }
0xb6: {  	_ =	sfence  }
0xb7: {  	s30 =	sld [smem:$0x0];
	_ =	sdelay $0x2  }
0xb8: {  	s31 =	sshll.u32 s1, $0xD;
	s1 =	sshrl.u32 s1, $0x2  }
0xb9: {  	s3 =	sand.u32 $0x4000, s31;
	s1 =	sadd.s32 s1, s30  }
0xba: {  	s0 =	sor.u32 s3, s0;
	s1 =	sshll.u32 s1, $0x11  }
0xbb: {  	s0 =	sor.u32 s1, s0  }
0xbc: {  	s0 =	sadd.s32 $0x8F2B, s0  }
0xbd: {  	[sflag:s0] =	ssyncadd.remote.s32 $0x1  }
0xbe: {  	_ =	sfence.sel $0xFFFF  }
0xbf: {  	[dreg:$0x0] =	wrdreg $0xFFFFFFFF;
	(pc) =	sbr.abs _section_cstart, $3  }
0xc0: {  	[dreg:$0x1] =	wrdreg $0xFFFFFFFF  }
0xc1: {  	_ =	task.clear_ibuf [dreg:s6], $0x2FFFF;
	_ =	strace $0x9FFFFFFF  }
0xc2: {  	(tm) =	ssettm $0x7FFFFFFF  }
0xc3: {  	_ =	shalt  }
tec
execute0_lowered:
.L_overlay_start_1:
0x0: {  	(tag) =	ssettag $0x1  }
0x1: {  	s6 =	rddreg [dreg:$0x0]  }
0x2: {  	s0 =	srdreg.scid;
	s2 =	rddreg [dreg:$0x1];
	s3 =	simm.s32 $0x0  }
0x3: {  	s13 =	simm.s32 $0x2800;
	s14 =	simm.s32 $0x80;
	s15 =	simm.s32 $0x5000  }
0x4: {  	s16 =	simm.s32 $0x5800;
	s17 =	simm.s32 $0x6000;
	s18 =	simm.s32 $0x6800  }
0x5: {  	s19 =	simm.s32 $0x7000;
	s20 =	simm.s32 $0x7800;
	s21 =	simm.s32 $0x8000  }
0x6: {  	s22 =	simm.s32 $0x8800;
	s5 =	sand.u32 $0x1, s0;
	s0 =	stileid.u32  }
0x7: {  	s23 =	simm.s32 $0x1;
	s24 =	simm.s32 $0x0;
	s8 =	smul.u32 $0x2800, s0  }
0x8: {  	[smem:$0x7FF] =	sst s3;
	s4 =	sadd.s32 $0x1600, s6;
	s9 =	smul.u32 $0x500, s0  }
0x9: {  	s1 =	sshll.u32 s5, $0x4;
	s10 =	smul.u32 $0x5000, s5;
	s5 =	ssub.s32 $0x2, s5  }
0xa: {  	s31 =	sshll.u32 s0, $0x6;
	s1 =	sor.u32 s0, s1;
	s30 =	sshrl.u32 s5, $0x1  }
0xb: {  	s7 =	smul.u32 $0x500, s1;
	s1 =	rddreg [dreg:$0x2];
	_ =	strace $0x8000004A  }
0xc: {  	s29 =	sshrl.u32 s8, $0x3;
	s9 =	sadd.s32 s9, s10;
	s10 =	ssub.s32 s5, s30  }
0xd: {  	s12 =	sadd.s32 s8, s2;
	s9 =	sadd.s32 s9, s6;
	s10 =	smax.u32 s10, $0x1  }
0xe: {  	s11 =	sadd.s32 s7, s6;
	s7 =	sadd.s32 s29, s6;
	s6 =	sor.u32 $0x1C02, s31  }
0xf: {  	s9 =	sadd.s32 $0x1FE00, s9;
	s5 =	sadd.s32 $0x6600, s7;
	s7 =	sadd.s32 $0x15E00, s11  }
0x10: {  	s8 =	sadd.s32 $0xB600, s11;
	s11 =	sshrl.u32 s12, $0x3;
	s12 =	simm.s32 $0x2  }
.LBB2_1:
0x11: {  	[spmem:s11], [sflag:s6] =	dma.local [hbm:s5], $0x500  }
0x12: {  	_ =	swait.ge [sflag:s12], $0x500  }
0x13: {  	[sflag:s12] =	ssyncset.done $0x0  }
0x14: {  	[sflag:s12] =	ssyncadd.s32 $0xFFFFFB00  }
0x15: {  	[tilespmem:s3], [sflag:$0x2] =	stream.linear.gather [hbm4b:s7+s3], $0x2800, $0x38;
	[tilespmem:$0xB800] =	vst v63  }
0x16: {  	_ =	swait.ge [sflag:s12], $0x2800  }
0x17: {  	[sflag:s12] =	ssyncset.done $0x0  }
0x18: {  	[sflag:s12] =	ssyncadd.s32 $0xFFFFD800  }
0x19: {  	[tilespmem:s13], [sflag:$0x2] =	stream.linear.gather [hbm4b:s8+s3], $0x2800, $0x38;
	[tilespmem:$0xB800] =	vst v63  }
0x1a: {  	_ =	swait.ge [sflag:s12], $0x2800  }
0x1b: {  	[sflag:s12] =	ssyncset.done $0x0  }
0x1c: {  	[sflag:s12] =	ssyncadd.s32 $0xFFFFD800  }
0x1d: {  	s25 =	simm.s32 $0x0;
	[bflag:$0x0] =	sbarrier.arrive $0xFFFF  }
0x1e: {  	[tilespmem:s15], [sflag:$0x1] =	stream.indirect.gather [hbm4b:s4+s14], $0x10, s25, s14, $0xb8;
	[tilespmem:$0xB800] =	vst v63  }
0x1f: {  	s28 =	simm.s32 $0x80  }
0x20: {  	[tilespmem:s16], [sflag:$0x1] =	stream.indirect.gather [hbm4b:s4+s14], $0x10, s28, s14, $0xb8;
	[tilespmem:$0xB800] =	vst v63  }
0x21: {  	s30 =	simm.s32 $0x100  }
0x22: {  	[tilespmem:s17], [sflag:$0x1] =	stream.indirect.gather [hbm4b:s4+s14], $0x10, s30, s14, $0xb8;
	[tilespmem:$0xB800] =	vst v63  }
0x23: {  	s31 =	simm.s32 $0x180  }
0x24: {  	[tilespmem:s18], [sflag:$0x1] =	stream.indirect.gather [hbm4b:s4+s14], $0x10, s31, s14, $0xb8;
	[tilespmem:$0xB800] =	vst v63  }
0x25: {  	s26 =	simm.s32 $0x200  }
0x26: {  	[tilespmem:s19], [sflag:$0x1] =	stream.indirect.gather [hbm4b:s4+s14], $0x10, s26, s14, $0xb8;
	[tilespmem:$0xB800] =	vst v63  }
0x27: {  	s28 =	simm.s32 $0x280  }
0x28: {  	[tilespmem:s20], [sflag:$0x1] =	stream.indirect.gather [hbm4b:s4+s14], $0x10, s28, s14, $0xb8;
	[tilespmem:$0xB800] =	vst v63  }
0x29: {  	s30 =	simm.s32 $0x300  }
0x2a: {  	[tilespmem:s21], [sflag:$0x1] =	stream.indirect.gather [hbm4b:s4+s14], $0x10, s30, s14, $0xb8;
	[tilespmem:$0xB800] =	vst v63  }
0x2b: {  	s31 =	simm.s32 $0x380  }
0x2c: {  	[tilespmem:s22], [sflag:$0x1] =	stream.indirect.gather [hbm4b:s4+s14], $0x10, s31, s14, $0xb8;
	[tilespmem:$0xB800] =	vst v63  }
0x2d: {  	_ =	swait.ge [sflag:s23], $0x800  }
0x2e: {  	[sflag:s23] =	ssyncset.done $0x0  }
0x2f: {  	[sflag:s23] =	ssyncadd.s32 $0xFFFFF800  }
0x30: {  	_ =	swait.ge [sflag:s23], $0x800  }
0x31: {  	[sflag:s23] =	ssyncset.done $0x0  }
0x32: {  	[sflag:s23] =	ssyncadd.s32 $0xFFFFF800  }
0x33: {  	_ =	swait.ge [sflag:s23], $0x800  }
0x34: {  	[sflag:s23] =	ssyncset.done $0x0  }
0x35: {  	[sflag:s23] =	ssyncadd.s32 $0xFFFFF800  }
0x36: {  	_ =	swait.ge [sflag:s23], $0x800  }
0x37: {  	[sflag:s23] =	ssyncset.done $0x0  }
0x38: {  	[sflag:s23] =	ssyncadd.s32 $0xFFFFF800  }
0x39: {  	_ =	swait.ge [sflag:s23], $0x800  }
0x3a: {  	[sflag:s23] =	ssyncset.done $0x0  }
0x3b: {  	[sflag:s23] =	ssyncadd.s32 $0xFFFFF800  }
0x3c: {  	_ =	swait.ge [sflag:s23], $0x800  }
0x3d: {  	[sflag:s23] =	ssyncset.done $0x0  }
0x3e: {  	[sflag:s23] =	ssyncadd.s32 $0xFFFFF800  }
0x3f: {  	_ =	swait.ge [sflag:s23], $0x800  }
0x40: {  	[sflag:s23] =	ssyncset.done $0x0  }
0x41: {  	[sflag:s23] =	ssyncadd.s32 $0xFFFFF800  }
0x42: {  	_ =	swait.ge [sflag:s23], $0x800  }
0x43: {  	[sflag:s23] =	ssyncset.done $0x0  }
0x44: {  	s26 =	simm.s32 $0x2800;
	[sflag:s23] =	ssyncadd.s32 $0xFFFFF800  }
0x45: {  	[spmem:s2] =	stream.indirect.scatter.add.f32 [tilespmem:s15], [sflag:$0x2], $0x10, s26, s14, $0xb8;
	[tilespmem:$0xB800] =	vst v63  }
0x46: {  	_ =	swait.ge [sflag:s12], $0x800  }
0x47: {  	[sflag:s12] =	ssyncset.done $0x0  }
0x48: {  	s28 =	simm.s32 $0x2880;
	[sflag:s12] =	ssyncadd.s32 $0xFFFFF800  }
0x49: {  	[spmem:s2] =	stream.indirect.scatter.add.f32 [tilespmem:s16], [sflag:$0x2], $0x10, s28, s14, $0xb8;
	[tilespmem:$0xB800] =	vst v63  }
0x4a: {  	_ =	swait.ge [sflag:s12], $0x800  }
0x4b: {  	[sflag:s12] =	ssyncset.done $0x0  }
0x4c: {  	s30 =	simm.s32 $0x2900;
	[sflag:s12] =	ssyncadd.s32 $0xFFFFF800  }
0x4d: {  	[spmem:s2] =	stream.indirect.scatter.add.f32 [tilespmem:s17], [sflag:$0x2], $0x10, s30, s14, $0xb8;
	[tilespmem:$0xB800] =	vst v63  }
0x4e: {  	_ =	swait.ge [sflag:s12], $0x800  }
0x4f: {  	[sflag:s12] =	ssyncset.done $0x0  }
0x50: {  	s31 =	simm.s32 $0x2980;
	[sflag:s12] =	ssyncadd.s32 $0xFFFFF800  }
0x51: {  	[spmem:s2] =	stream.indirect.scatter.add.f32 [tilespmem:s18], [sflag:$0x2], $0x10, s31, s14, $0xb8;
	[tilespmem:$0xB800] =	vst v63  }
0x52: {  	_ =	swait.ge [sflag:s12], $0x800  }
0x53: {  	[sflag:s12] =	ssyncset.done $0x0  }
0x54: {  	s26 =	simm.s32 $0x2A00;
	[sflag:s12] =	ssyncadd.s32 $0xFFFFF800  }
0x55: {  	[spmem:s2] =	stream.indirect.scatter.add.f32 [tilespmem:s19], [sflag:$0x2], $0x10, s26, s14, $0xb8;
	[tilespmem:$0xB800] =	vst v63  }
0x56: {  	_ =	swait.ge [sflag:s12], $0x800  }
0x57: {  	[sflag:s12] =	ssyncset.done $0x0  }
0x58: {  	s28 =	simm.s32 $0x2A80;
	[sflag:s12] =	ssyncadd.s32 $0xFFFFF800  }
0x59: {  	[spmem:s2] =	stream.indirect.scatter.add.f32 [tilespmem:s20], [sflag:$0x2], $0x10, s28, s14, $0xb8;
	[tilespmem:$0xB800] =	vst v63  }
0x5a: {  	_ =	swait.ge [sflag:s12], $0x800  }
0x5b: {  	[sflag:s12] =	ssyncset.done $0x0  }
0x5c: {  	s30 =	simm.s32 $0x2B00;
	[sflag:s12] =	ssyncadd.s32 $0xFFFFF800  }
0x5d: {  	[spmem:s2] =	stream.indirect.scatter.add.f32 [tilespmem:s21], [sflag:$0x2], $0x10, s30, s14, $0xb8;
	[tilespmem:$0xB800] =	vst v63  }
0x5e: {  	_ =	swait.ge [sflag:s12], $0x800  }
0x5f: {  	[sflag:s12] =	ssyncset.done $0x0  }
0x60: {  	s31 =	simm.s32 $0x2B80;
	[sflag:s12] =	ssyncadd.s32 $0xFFFFF800  }
0x61: {  	[spmem:s2] =	stream.indirect.scatter.add.f32 [tilespmem:s22], [sflag:$0x2], $0x10, s31, s14, $0xb8;
	[tilespmem:$0xB800] =	vst v63  }
0x62: {  	_ =	swait.ge [sflag:s12], $0x800  }
0x63: {  	s29 =	simm.s32 $0x2000;
	s25 =	simm.s32 $0x1000;
	[sflag:s12] =	ssyncset.done $0x0  }
.LBB2_2:
0x64: {  	s28 =	sshra.s32 s25, $0x2  }
0x65: {  	[sflag:s12] =	ssyncadd.s32 $0xFFFFF800;
	s25 =	smov.u32 s29;
	s26 =	sadd.s32 $0x1000, s29  }
0x66: {  	[tilespmem:s15], [sflag:$0x1] =	stream.indirect.gather [hbm4b:s4+s14], $0x10, s28, s14, $0xb8;
	[tilespmem:$0xB800] =	vst v63  }
0x67: {  	p0 =	sne.s32 s29, $0x9000;
	s29 =	sadd.s32 $0x80, s28  }
0x68: {  	[tilespmem:s16], [sflag:$0x1] =	stream.indirect.gather [hbm4b:s4+s14], $0x10, s29, s14, $0xb8;
	[tilespmem:$0xB800] =	vst v63  }
0x69: {  	s29 =	sadd.s32 $0x100, s28  }
0x6a: {  	[tilespmem:s17], [sflag:$0x1] =	stream.indirect.gather [hbm4b:s4+s14], $0x10, s29, s14, $0xb8;
	[tilespmem:$0xB800] =	vst v63  }
0x6b: {  	s29 =	sadd.s32 $0x180, s28  }
0x6c: {  	[tilespmem:s18], [sflag:$0x1] =	stream.indirect.gather [hbm4b:s4+s14], $0x10, s29, s14, $0xb8;
	[tilespmem:$0xB800] =	vst v63  }
0x6d: {  	s29 =	sadd.s32 $0x200, s28  }
0x6e: {  	[tilespmem:s19], [sflag:$0x1] =	stream.indirect.gather [hbm4b:s4+s14], $0x10, s29, s14, $0xb8;
	[tilespmem:$0xB800] =	vst v63  }
0x6f: {  	s29 =	sadd.s32 $0x280, s28  }
0x70: {  	[tilespmem:s20], [sflag:$0x1] =	stream.indirect.gather [hbm4b:s4+s14], $0x10, s29, s14, $0xb8;
	[tilespmem:$0xB800] =	vst v63  }
0x71: {  	s29 =	sadd.s32 $0x300, s28  }
0x72: {  	[tilespmem:s21], [sflag:$0x1] =	stream.indirect.gather [hbm4b:s4+s14], $0x10, s29, s14, $0xb8;
	[tilespmem:$0xB800] =	vst v63  }
0x73: {  	s29 =	sadd.s32 $0x380, s28  }
0x74: {  	[tilespmem:s22], [sflag:$0x1] =	stream.indirect.gather [hbm4b:s4+s14], $0x10, s29, s14, $0xb8;
	[tilespmem:$0xB800] =	vst v63  }
0x75: {  	_ =	swait.ge [sflag:s23], $0x800  }
0x76: {  	[sflag:s23] =	ssyncset.done $0x0  }
0x77: {  	[sflag:s23] =	ssyncadd.s32 $0xFFFFF800  }
0x78: {  	_ =	swait.ge [sflag:s23], $0x800  }
0x79: {  	[sflag:s23] =	ssyncset.done $0x0  }
0x7a: {  	[sflag:s23] =	ssyncadd.s32 $0xFFFFF800  }
0x7b: {  	_ =	swait.ge [sflag:s23], $0x800  }
0x7c: {  	[sflag:s23] =	ssyncset.done $0x0  }
0x7d: {  	[sflag:s23] =	ssyncadd.s32 $0xFFFFF800  }
0x7e: {  	_ =	swait.ge [sflag:s23], $0x800  }
0x7f: {  	[sflag:s23] =	ssyncset.done $0x0  }
0x80: {  	[sflag:s23] =	ssyncadd.s32 $0xFFFFF800  }
0x81: {  	_ =	swait.ge [sflag:s23], $0x800  }
0x82: {  	[sflag:s23] =	ssyncset.done $0x0  }
0x83: {  	[sflag:s23] =	ssyncadd.s32 $0xFFFFF800  }
0x84: {  	_ =	swait.ge [sflag:s23], $0x800  }
0x85: {  	[sflag:s23] =	ssyncset.done $0x0  }
0x86: {  	[sflag:s23] =	ssyncadd.s32 $0xFFFFF800  }
0x87: {  	_ =	swait.ge [sflag:s23], $0x800  }
0x88: {  	[sflag:s23] =	ssyncset.done $0x0  }
0x89: {  	[sflag:s23] =	ssyncadd.s32 $0xFFFFF800  }
0x8a: {  	_ =	swait.ge [sflag:s23], $0x800  }
0x8b: {  	[sflag:s23] =	ssyncset.done $0x0  }
0x8c: {  	s29 =	sadd.s32 $0x2800, s28;
	[sflag:s23] =	ssyncadd.s32 $0xFFFFF800  }
0x8d: {  	[spmem:s2] =	stream.indirect.scatter.add.f32 [tilespmem:s15], [sflag:$0x2], $0x10, s29, s14, $0xb8;
	[tilespmem:$0xB800] =	vst v63  }
0x8e: {  	_ =	swait.ge [sflag:s12], $0x800  }
0x8f: {  	[sflag:s12] =	ssyncset.done $0x0  }
0x90: {  	s29 =	sadd.s32 $0x2880, s28;
	[sflag:s12] =	ssyncadd.s32 $0xFFFFF800  }
0x91: {  	[spmem:s2] =	stream.indirect.scatter.add.f32 [tilespmem:s16], [sflag:$0x2], $0x10, s29, s14, $0xb8;
	[tilespmem:$0xB800] =	vst v63  }
0x92: {  	_ =	swait.ge [sflag:s12], $0x800  }
0x93: {  	[sflag:s12] =	ssyncset.done $0x0  }
0x94: {  	s29 =	sadd.s32 $0x2900, s28;
	[sflag:s12] =	ssyncadd.s32 $0xFFFFF800  }
0x95: {  	[spmem:s2] =	stream.indirect.scatter.add.f32 [tilespmem:s17], [sflag:$0x2], $0x10, s29, s14, $0xb8;
	[tilespmem:$0xB800] =	vst v63  }
0x96: {  	_ =	swait.ge [sflag:s12], $0x800  }
0x97: {  	[sflag:s12] =	ssyncset.done $0x0  }
0x98: {  	s29 =	sadd.s32 $0x2980, s28;
	[sflag:s12] =	ssyncadd.s32 $0xFFFFF800  }
0x99: {  	[spmem:s2] =	stream.indirect.scatter.add.f32 [tilespmem:s18], [sflag:$0x2], $0x10, s29, s14, $0xb8;
	[tilespmem:$0xB800] =	vst v63  }
0x9a: {  	_ =	swait.ge [sflag:s12], $0x800  }
0x9b: {  	[sflag:s12] =	ssyncset.done $0x0  }
0x9c: {  	s29 =	sadd.s32 $0x2A00, s28;
	[sflag:s12] =	ssyncadd.s32 $0xFFFFF800  }
0x9d: {  	[spmem:s2] =	stream.indirect.scatter.add.f32 [tilespmem:s19], [sflag:$0x2], $0x10, s29, s14, $0xb8;
	[tilespmem:$0xB800] =	vst v63  }
0x9e: {  	_ =	swait.ge [sflag:s12], $0x800  }
0x9f: {  	[sflag:s12] =	ssyncset.done $0x0  }
0xa0: {  	s29 =	sadd.s32 $0x2A80, s28;
	[sflag:s12] =	ssyncadd.s32 $0xFFFFF800  }
0xa1: {  	[spmem:s2] =	stream.indirect.scatter.add.f32 [tilespmem:s20], [sflag:$0x2], $0x10, s29, s14, $0xb8;
	[tilespmem:$0xB800] =	vst v63  }
0xa2: {  	_ =	swait.ge [sflag:s12], $0x800  }
0xa3: {  	[sflag:s12] =	ssyncset.done $0x0  }
0xa4: {  	s29 =	sadd.s32 $0x2B00, s28;
	[sflag:s12] =	ssyncadd.s32 $0xFFFFF800  }
0xa5: {  	[spmem:s2] =	stream.indirect.scatter.add.f32 [tilespmem:s21], [sflag:$0x2], $0x10, s29, s14, $0xb8;
	[tilespmem:$0xB800] =	vst v63  }
0xa6: {  	_ =	swait.ge [sflag:s12], $0x800  }
.Ltmp0:
0xa7: {  	[sflag:s12] =	ssyncset.done $0x0;
	(pc) =	sbr.rel @p0 .LBB2_2-.Ltmp0, $4  }
0xa8: {  	s28 =	sadd.s32 $0x2B80, s28;
	[sflag:s12] =	ssyncadd.s32 $0xFFFFF800  }
0xa9: {  	[spmem:s2] =	stream.indirect.scatter.add.f32 [tilespmem:s22], [sflag:$0x2], $0x10, s28, s14, $0xb8;
	[tilespmem:$0xB800] =	vst v63  }
0xaa: {  	_ =	swait.ge [sflag:s12], $0x800  }
0xab: {  	s29 =	smov.u32 s26;
	[sflag:s12] =	ssyncset.done $0x0  }
0xac: {  	s25 =	sshra.s32 s25, $0x2;
	[sflag:s12] =	ssyncadd.s32 $0xFFFFF800  }
0xad: {  	[tilespmem:s15], [sflag:$0x1] =	stream.indirect.gather [hbm4b:s4+s14], $0x10, s25, s14, $0xb8;
	[tilespmem:$0xB800] =	vst v63  }
0xae: {  	s26 =	sadd.s32 $0x80, s25  }
0xaf: {  	[tilespmem:s16], [sflag:$0x1] =	stream.indirect.gather [hbm4b:s4+s14], $0x10, s26, s14, $0xb8;
	[tilespmem:$0xB800] =	vst v63  }
0xb0: {  	s31 =	sadd.s32 $0x100, s25  }
0xb1: {  	[tilespmem:s17], [sflag:$0x1] =	stream.indirect.gather [hbm4b:s4+s14], $0x10, s31, s14, $0xb8;
	[tilespmem:$0xB800] =	vst v63  }
0xb2: {  	s28 =	sadd.s32 $0x180, s25  }
0xb3: {  	[tilespmem:s18], [sflag:$0x1] =	stream.indirect.gather [hbm4b:s4+s14], $0x10, s28, s14, $0xb8;
	[tilespmem:$0xB800] =	vst v63  }
0xb4: {  	s29 =	sadd.s32 $0x200, s25  }
0xb5: {  	[tilespmem:s19], [sflag:$0x1] =	stream.indirect.gather [hbm4b:s4+s14], $0x10, s29, s14, $0xb8;
	[tilespmem:$0xB800] =	vst v63  }
0xb6: {  	s30 =	sadd.s32 $0x280, s25  }
0xb7: {  	[tilespmem:s20], [sflag:$0x1] =	stream.indirect.gather [hbm4b:s4+s14], $0x10, s30, s14, $0xb8;
	[tilespmem:$0xB800] =	vst v63  }
0xb8: {  	s31 =	sadd.s32 $0x300, s25  }
0xb9: {  	[tilespmem:s21], [sflag:$0x1] =	stream.indirect.gather [hbm4b:s4+s14], $0x10, s31, s14, $0xb8;
	[tilespmem:$0xB800] =	vst v63  }
0xba: {  	s28 =	sadd.s32 $0x380, s25  }
0xbb: {  	[tilespmem:s22], [sflag:$0x1] =	stream.indirect.gather [hbm4b:s4+s14], $0x10, s28, s14, $0xb8;
	[tilespmem:$0xB800] =	vst v63  }
0xbc: {  	_ =	swait.ge [sflag:s23], $0x800  }
0xbd: {  	[sflag:s23] =	ssyncset.done $0x0  }
0xbe: {  	[sflag:s23] =	ssyncadd.s32 $0xFFFFF800  }
0xbf: {  	_ =	swait.ge [sflag:s23], $0x800  }
0xc0: {  	[sflag:s23] =	ssyncset.done $0x0  }
0xc1: {  	[sflag:s23] =	ssyncadd.s32 $0xFFFFF800  }
0xc2: {  	_ =	swait.ge [sflag:s23], $0x800  }
0xc3: {  	[sflag:s23] =	ssyncset.done $0x0  }
0xc4: {  	[sflag:s23] =	ssyncadd.s32 $0xFFFFF800  }
0xc5: {  	_ =	swait.ge [sflag:s23], $0x800  }
0xc6: {  	[sflag:s23] =	ssyncset.done $0x0  }
0xc7: {  	[sflag:s23] =	ssyncadd.s32 $0xFFFFF800  }
0xc8: {  	_ =	swait.ge [sflag:s23], $0x800  }
0xc9: {  	[sflag:s23] =	ssyncset.done $0x0  }
0xca: {  	[sflag:s23] =	ssyncadd.s32 $0xFFFFF800  }
0xcb: {  	_ =	swait.ge [sflag:s23], $0x800  }
0xcc: {  	[sflag:s23] =	ssyncset.done $0x0  }
0xcd: {  	[sflag:s23] =	ssyncadd.s32 $0xFFFFF800  }
0xce: {  	_ =	swait.ge [sflag:s23], $0x800  }
0xcf: {  	[sflag:s23] =	ssyncset.done $0x0  }
0xd0: {  	[sflag:s23] =	ssyncadd.s32 $0xFFFFF800  }
0xd1: {  	_ =	swait.ge [sflag:s23], $0x800  }
0xd2: {  	[sflag:s23] =	ssyncset.done $0x0  }
0xd3: {  	s29 =	sadd.s32 $0x2800, s25;
	[sflag:s23] =	ssyncadd.s32 $0xFFFFF800  }
0xd4: {  	[spmem:s2] =	stream.indirect.scatter.add.f32 [tilespmem:s15], [sflag:$0x2], $0x10, s29, s14, $0xb8;
	[tilespmem:$0xB800] =	vst v63  }
0xd5: {  	_ =	swait.ge [sflag:s12], $0x800  }
0xd6: {  	[sflag:s12] =	ssyncset.done $0x0  }
0xd7: {  	s30 =	sadd.s32 $0x2880, s25;
	[sflag:s12] =	ssyncadd.s32 $0xFFFFF800  }
0xd8: {  	[spmem:s2] =	stream.indirect.scatter.add.f32 [tilespmem:s16], [sflag:$0x2], $0x10, s30, s14, $0xb8;
	[tilespmem:$0xB800] =	vst v63  }
0xd9: {  	_ =	swait.ge [sflag:s12], $0x800  }
0xda: {  	[sflag:s12] =	ssyncset.done $0x0  }
0xdb: {  	s31 =	sadd.s32 $0x2900, s25;
	[sflag:s12] =	ssyncadd.s32 $0xFFFFF800  }
0xdc: {  	[spmem:s2] =	stream.indirect.scatter.add.f32 [tilespmem:s17], [sflag:$0x2], $0x10, s31, s14, $0xb8;
	[tilespmem:$0xB800] =	vst v63  }
0xdd: {  	_ =	swait.ge [sflag:s12], $0x800  }
0xde: {  	[sflag:s12] =	ssyncset.done $0x0  }
0xdf: {  	s28 =	sadd.s32 $0x2980, s25;
	[sflag:s12] =	ssyncadd.s32 $0xFFFFF800  }
0xe0: {  	[spmem:s2] =	stream.indirect.scatter.add.f32 [tilespmem:s18], [sflag:$0x2], $0x10, s28, s14, $0xb8;
	[tilespmem:$0xB800] =	vst v63  }
0xe1: {  	_ =	swait.ge [sflag:s12], $0x800  }
0xe2: {  	[sflag:s12] =	ssyncset.done $0x0  }
0xe3: {  	s29 =	sadd.s32 $0x2A00, s25;
	[sflag:s12] =	ssyncadd.s32 $0xFFFFF800  }
0xe4: {  	[spmem:s2] =	stream.indirect.scatter.add.f32 [tilespmem:s19], [sflag:$0x2], $0x10, s29, s14, $0xb8;
	[tilespmem:$0xB800] =	vst v63  }
0xe5: {  	_ =	swait.ge [sflag:s12], $0x800  }
0xe6: {  	[sflag:s12] =	ssyncset.done $0x0  }
0xe7: {  	s30 =	sadd.s32 $0x2A80, s25;
	[sflag:s12] =	ssyncadd.s32 $0xFFFFF800  }
0xe8: {  	[spmem:s2] =	stream.indirect.scatter.add.f32 [tilespmem:s20], [sflag:$0x2], $0x10, s30, s14, $0xb8;
	[tilespmem:$0xB800] =	vst v63  }
0xe9: {  	_ =	swait.ge [sflag:s12], $0x800  }
0xea: {  	[sflag:s12] =	ssyncset.done $0x0  }
0xeb: {  	s31 =	sadd.s32 $0x2B00, s25;
	[sflag:s12] =	ssyncadd.s32 $0xFFFFF800  }
0xec: {  	[spmem:s2] =	stream.indirect.scatter.add.f32 [tilespmem:s21], [sflag:$0x2], $0x10, s31, s14, $0xb8;
	[tilespmem:$0xB800] =	vst v63  }
0xed: {  	_ =	swait.ge [sflag:s12], $0x800  }
0xee: {  	[sflag:s12] =	ssyncset.done $0x0  }
0xef: {  	s25 =	sadd.s32 $0x2B80, s25;
	[sflag:s12] =	ssyncadd.s32 $0xFFFFF800  }
0xf0: {  	[spmem:s2] =	stream.indirect.scatter.add.f32 [tilespmem:s22], [sflag:$0x2], $0x10, s25, s14, $0xb8;
	[tilespmem:$0xB800] =	vst v63  }
0xf1: {  	_ =	swait.ge [sflag:s12], $0x800  }
0xf2: {  	s24 =	sadd.s32 $0x1, s24;
	[sflag:s12] =	ssyncset.done $0x0  }
0xf3: {  	p0 =	sne.s32 s24, s10;
	[sflag:s12] =	ssyncadd.s32 $0xFFFFF800  }
.Ltmp1:
0xf4: {  	[bflag:$0x0] =	sbarrier.arrive $0xFFFF;
	(pc) =	sbr.rel @p0 .LBB2_1-.Ltmp1, $4  }
0xf5: {  	[hbm:s9], [sflag:s6] =	dma.local [spmem:s11], $0x500  }
0xf6: {  	_ =	swait.ge [sflag:s12], $0x500  }
0xf7: {  	[sflag:s12] =	ssyncset.done $0x0  }
0xf8: {  	[sflag:s12] =	ssyncadd.s32 $0xFFFFFB00  }
0xf9: {  	_ =	sfence.sel $0x180000  }
0xfa: {  	[bflag:$0x0] =	sbarrier.arrive $0xFFFF  }
0xfb: {  	p0 =	sne.s32 s0, $0x0;
	_ =	strace $0x9000004A  }
0xfc: {  	s0 =	sadd.s32 @!p0 $0x100000, s1;
	[bflag:$0x2] =	sbarrier.arrive $0xFFFF  }
0xfd: {  	[sflag:s0] =	ssyncadd.tile.s32 @!p0 $0x1;
	_ =	shalt  }
.Lfunc_end2:
_tile_overlayer_lowered:
.L_overlay_start_2:
0xfe: {  	(tag) =	ssettag $0x2  }
0xff: {  	s0 =	rddreg [dreg:$0x0];
	s2 =	stileid.u32  }
0x100: {  	s1 =	rddreg [dreg:$0x1];
	p0 =	sne.s32 s2, $0x0  }
0x101: {  	s3 =	rddreg [dreg:$0x2];
	[bflag:$0x3] =	sbarrier.arrive $0xFFFF;
	s2 =	simm.s32 @!p0 $0x1C02  }
0x102: {  	[timem:s3], [sflag:s2] =	dma.local @!p0 [hbm:s0], s1  }
0x103: {  	s0 =	simm.s32 @!p0 $0x2  }
0x104: {  	_ =	swait.ge @!p0 [sflag:s0], s1  }
0x105: {  	s1 =	ssub.s32 @!p0 $0x0, s1;
	[sflag:s0] =	ssyncset.done @!p0 $0x0  }
0x106: {  	[sflag:s0] =	ssyncadd.s32 @!p0 s1  }
0x107: {  	[bflag:$0x3] =	sbarrier.arrive $0xFFFF  }
0x108: {  	_ =	shalt  }

// kernel: kernel.14.cloned.1.call-start
scs
__scs_entry_jumppad:
0x0: {  	(pc) =	sbr.rel $0x88, $3  }
0x1: {  	(tag) =	ssettag $0x0;
	lr =	simm.s32 $0x1  }
0x2: {  	[smem:$0x3F9B] =	sst lr;
	_ =	strace $0xD0000000  }
0x3: {  	_ = 	snop  }
0x4: {  	_ = 	snop  }
0x5: {  	_ = 	snop  }
0x6: {  	_ = 	snop  }
0x7: {  	_ = 	snop  }
__scs_overlays_trampoline_lowered:
0x8: {  	[smem:$0x3FAA] =	sst s0  }
0x9: {  	[smem:$0x3FAB] =	sst s1  }
0xa: {  	[smem:$0x3FAC] =	sst s2  }
0xb: {  	[smem:$0x3FAD] =	sst s3  }
0xc: {  	[smem:$0x3FAE] =	sst s4  }
0xd: {  	[smem:$0x3FAF] =	sst s5  }
0xe: {  	[smem:$0x3FB0] =	sst s6  }
0xf: {  	[smem:$0x3FB1] =	sst s7  }
0x10: {  	[smem:$0x3FB2] =	sst s8  }
0x11: {  	[smem:$0x3FB3] =	sst s9;
	s0 =	simm.s32 @!p0 $0x0  }
0x12: {  	s1 =	sld [smem:$0x3F99];
	s0 =	simm.s32 @p0 $0x1  }
0x13: {  	[smem:$0x3FB4] =	sst s0;
	s0 =	simm.s32 @!p1 $0x0  }
0x14: {  	s2 =	sld [smem:$0x3F98];
	s0 =	simm.s32 @p1 $0x1  }
0x15: {  	[smem:$0x3FB5] =	sst s0;
	s0 =	simm.s32 @!p2 $0x0  }
0x16: {  	s3 =	sld [smem:$0x3FDB];
	s0 =	simm.s32 @p2 $0x1  }
0x17: {  	s4 =	simm.s32 $0x1BF5;
	[smem:$0x3FB7] =	sst s0  }
0x18: {  	s0 =	sld [smem:$0x3F9A];
	_ =	swait.ge [sflag:s4], $0x0  }
0x19: {  	s7 =	sld [smem:$0x3F9B]  }
0x1a: {  	s8 =	sadd.s32 $0xFFFFE003, lr  }
0x1b: {  	s9 =	sadd.s32 $0xFFFFFEF7, lr;
	s5 =	simm.s32 $0xFFFFFFFF;
	p2 =	slt.u32 s8, $0xFFFFF086  }
0x1c: {  	p1 =	slt.u32 s9, $0xF7A;
	s5 =	simm.s32 @!p2 $0x0  }
0x1d: {  	s5 =	simm.s32 @p1 $0x1;
	p0 =	seq.s32 s7, s2  }
0x1e: {  	s7 =	smul.u32 @!p0 $0xF7A, s2;
	p2 =	seq.s32 @!p0 s5, $0x0  }
0x1f: {  	s9 =	smul.u32 $0xF7A, s1;
	s8 =	simm.s32 @!p0 $0x1BF5;
	p2 =	por !p2, p0  }
0x20: {  	[sflag:s8] =	ssyncset.s32 @!p0 $0xFFFFF086;
	s6 =	sadd.s32 @!p0 s3, s7;
	s7 =	simm.s32 @!p0 $0x108  }
0x21: {  	s3 =	sadd.s32 s3, s9;
	s6 =	sadd.s32 @!p0 $0x88, s6;
	s7 =	simm.s32 @p2 $0x1082  }
0x22: {  	[simem:s7], [sflag:s8] =	dma.local @!p0 [hbm:s6], $0xF7A  }
0x23: {  	s9 =	sor.u32 $0xD0000000, s2;
	s6 =	simm.s32 $0x108;
	_ =	swait.ge @!p0 [sflag:s8], $0x0  }
0x24: {  	s3 =	sadd.s32 $0x88, s3;
	s6 =	simm.s32 @!p1 $0x1082;
	[sflag:s4] =	ssyncset.s32 $0xFFFFF086  }
0x25: {  	[simem:s6], [sflag:s4] =	dma.local [hbm:s3], $0xF7A  }
0x26: {  	[smem:$0x3F9B] =	sst s1;
	(tag) =	ssettag s2;
	_ =	strace s9  }
0x27: {  	s1 =	sld [smem:$0x3FAB]  }
0x28: {  	s2 =	sld [smem:$0x3FAC]  }
0x29: {  	s4 =	sld [smem:$0x3FAE]  }
0x2a: {  	p0 =	seq.s32 s5, $0x0;
	s5 =	sld [smem:$0x3FAF]  }
0x2b: {  	s6 =	sld [smem:$0x3FB0]  }
0x2c: {  	s7 =	sld [smem:$0x3FB1]  }
0x2d: {  	s3 =	simm.s32 $0x108;
	s8 =	sld [smem:$0x3FB2]  }
0x2e: {  	s3 =	simm.s32 @!p0 $0x1082;
	s9 =	sld [smem:$0x3FB3]  }
0x2f: {  	lr =	sadd.s32 s0, s3;
	s0 =	sld [smem:$0x3FAA]  }
0x30: {  	s3 =	sld [smem:$0x3FAD]  }
0x31: {  	[smem:$0x3FB6] =	sst s10  }
0x32: {  	s10 =	sld [smem:$0x3FB4];
	_ =	sdelay $0x3  }
0x33: {  	p0 =	seq.s32 s10, $0x1;
	s10 =	sld [smem:$0x3FB6];
	_ =	sdelay $0x3  }
0x34: {  	[smem:$0x3FB6] =	sst s10  }
0x35: {  	s10 =	sld [smem:$0x3FB5];
	_ =	sdelay $0x3  }
0x36: {  	p1 =	seq.s32 s10, $0x1;
	s10 =	sld [smem:$0x3FB6];
	_ =	sdelay $0x3  }
0x37: {  	[smem:$0x3FB6] =	sst s10  }
0x38: {  	s10 =	sld [smem:$0x3FB7]  }
0x39: {  	_ = 	snop;
	(pc) =	sbr.ind lr, $3  }
0x3a: {  	_ = 	snop  }
0x3b: {  	_ = 	snop  }
0x3c: {  	p2 =	seq.s32 s10, $0x1;
	s10 =	sld [smem:$0x3FB6]  }
0x3d: {  	_ =	shalt  }
0x3e: {  	_ =	shalt  }
0x3f: {  	_ =	shalt  }
0x40: {  	_ =	shalt  }
0x41: {  	_ =	shalt  }
0x42: {  	_ =	shalt  }
0x43: {  	_ =	shalt  }
0x44: {  	_ =	shalt  }
0x45: {  	_ =	shalt  }
0x46: {  	_ =	shalt  }
0x47: {  	_ =	shalt  }
0x48: {  	_ =	shalt  }
0x49: {  	_ =	shalt  }
0x4a: {  	_ =	shalt  }
0x4b: {  	_ =	shalt  }
0x4c: {  	_ =	shalt  }
0x4d: {  	_ =	shalt  }
0x4e: {  	_ =	shalt  }
0x4f: {  	_ =	shalt  }
0x50: {  	_ =	shalt  }
0x51: {  	_ =	shalt  }
0x52: {  	_ =	shalt  }
0x53: {  	_ =	shalt  }
0x54: {  	_ =	shalt  }
0x55: {  	_ =	shalt  }
0x56: {  	_ =	shalt  }
0x57: {  	_ =	shalt  }
0x58: {  	_ =	shalt  }
0x59: {  	_ =	shalt  }
0x5a: {  	_ =	shalt  }
0x5b: {  	_ =	shalt  }
0x5c: {  	_ =	shalt  }
0x5d: {  	_ =	shalt  }
0x5e: {  	_ =	shalt  }
0x5f: {  	_ =	shalt  }
0x60: {  	_ =	shalt  }
0x61: {  	_ =	shalt  }
0x62: {  	_ =	shalt  }
0x63: {  	_ =	shalt  }
0x64: {  	_ =	shalt  }
0x65: {  	_ =	shalt  }
0x66: {  	_ =	shalt  }
0x67: {  	_ =	shalt  }
0x68: {  	_ =	shalt  }
0x69: {  	_ =	shalt  }
0x6a: {  	_ =	shalt  }
0x6b: {  	_ =	shalt  }
0x6c: {  	_ =	shalt  }
0x6d: {  	_ =	shalt  }
0x6e: {  	_ =	shalt  }
0x6f: {  	_ =	shalt  }
0x70: {  	_ =	shalt  }
0x71: {  	_ =	shalt  }
0x72: {  	_ =	shalt  }
0x73: {  	_ =	shalt  }
0x74: {  	_ =	shalt  }
0x75: {  	_ =	shalt  }
0x76: {  	_ =	shalt  }
0x77: {  	_ =	shalt  }
0x78: {  	_ =	shalt  }
0x79: {  	_ =	shalt  }
0x7a: {  	_ =	shalt  }
0x7b: {  	_ =	shalt  }
0x7c: {  	_ =	shalt  }
0x7d: {  	_ =	shalt  }
0x7e: {  	_ =	shalt  }
0x7f: {  	_ =	shalt  }
0x80: {  	_ =	shalt  }
0x81: {  	_ =	shalt  }
0x82: {  	_ =	shalt  }
0x83: {  	_ =	shalt  }
0x84: {  	_ =	shalt  }
0x85: {  	_ =	shalt  }
0x86: {  	_ =	shalt  }
0x87: {  	_ =	shalt  }
.Lfunc_end0:
.L_simem_size_0:
called_computation.2_lowered:
.L_overlay_start_0:
0x88: {  	s2 =	sld [smem:$0x3FD9]  }
0x89: {  	s3 =	sld [smem:$0x3FFE];
	_ =	sdelay $0x1  }
0x8a: {  	s1 =	srdreg.scid  }
0x8b: {  	s0 =	sand.u32 $0x1, s1  }
0x8c: {  	s16 =	sshll.u32 s0, $0xA;
	s2 =	sadd.s32 s3, s2  }
0x8d: {  	s2 =	sadd.s32 s2, s16  }
0x8e: {  	[smem:$0x3FC2] =	sst s2  }
0x8f: {  	_ = 	snop  }
0x90: {  	(tm) =	ssettm $0x1  }
0x91: {  	s17 =	sld [smem:$0x3FFB];
	_ =	sdelay $0x3  }
0x92: {  	_ =	strace s17  }
0x93: {  	s2 =	sld [smem:$0x3FFC];
	_ =	sdelay $0x3  }
0x94: {  	_ =	strace s2  }
0x95: {  	s2 =	sld [smem:$0x3FFD];
	_ =	sdelay $0x3  }
0x96: {  	_ =	strace s2  }
0x97: {  	_ =	strace $0x8FFFFFFF  }
0x98: {  	s18 =	sld [smem:$0x3FDB];
	_ =	sdelay $0x1  }
0x99: {  	s19 =	simm.s32 $_scs_section_size  }
0x9a: {  	s4 =	simm.s32 $_size__tile_overlayer_lowered;
	s5 =	simm.s32 $_tile_overlayer_lowered  }
0x9b: {  	s22 =	simm.s32 $0x1BFF;
	s21 =	sshll.u32 s5, $0x1;
	s2 =	sadd.s32 s19, s18  }
0x9c: {  	s6 =	simm.s32 $0x0;
	s20 =	sshll.u32 s4, $0x1;
	s4 =	sadd.s32 s21, s2  }
0x9d: {  	[timem:s6], [sflag:s22] =	dma.local [hbm:s4], s20  }
0x9e: {  	_ =	swait.ge [sflag:s22], s20  }
0x9f: {  	s3 =	ssub.s32 $0x0, s20;
	[sflag:s22] =	ssyncset.done $0x0  }
0xa0: {  	[sflag:s22] =	ssyncadd.s32 s3;
	_ =	sdelay $0x1  }
0xa1: {  	s23 =	simm.s32 $0x1B8B  }
0xa2: {  	_ =	swait.ge [sflag:s23], $0x1  }
0xa3: {  	[sflag:s23] =	ssyncset.done $0x0  }
0xa4: {  	s25 =	simm.s32 $0x1B8E;
	s24 =	sld [smem:$0x3FFE];
	[sflag:s23] =	ssyncadd.s32 $0xFFFFFFFF  }
0xa5: {  	s26 =	simm.s32 $execute0_lowered;
	[smem:$0x3FD2] =	sst s25  }
0xa6: {  	s4 =	sshll.u32 s26, $0x1;
	_ =	strace $0x8000004C;
	[dreg:$0x1] =	wrdreg $0xFFFFFFFF  }
0xa7: {  	s28 =	simm.s32 $_size_execute0_lowered;
	s2 =	sadd.s32 s2, s4;
	[dreg:$0x0] =	wrdreg $0x0  }
0xa8: {  	s4 =	sshll.u32 s28, $0x1;
	[dreg:$0x2] =	wrdreg s2  }
0xa9: {  	[dreg:$0x3] =	wrdreg s4  }
0xaa: {  	[dreg:$0x4] =	wrdreg $0xC0  }
0xab: {  	_ =	task [dreg:s6], $0x5FFFF  }
0xac: {  	[dreg:$0x1] =	wrdreg $0xFFFFFFFF  }
0xad: {  	[dreg:$0x0] =	wrdreg $0x60  }
0xae: {  	[dreg:$0x2] =	wrdreg s24  }
0xaf: {  	[dreg:$0x3] =	wrdreg $0x90000  }
0xb0: {  	[dreg:$0x4] =	wrdreg $0x9  }
0xb1: {  	_ =	task.clear_ibuf [dreg:s6], $0x5FFFF;
	_ =	strace $0x9000004C  }
0xb2: {  	s29 =	simm.s32 $0x9;
	_ =	strace $0x8000004E  }
0xb3: {  	_ =	swait.ge [sflag:s29], $0x1  }
0xb4: {  	[sflag:s29] =	ssyncadd.s32 $0xFFFFFFFF  }
0xb5: {  	_ =	strace $0x9000004E  }
0xb6: {  	_ =	sfence  }
0xb7: {  	s30 =	sld [smem:$0x0];
	_ =	sdelay $0x2  }
0xb8: {  	s31 =	sshll.u32 s1, $0xD;
	s1 =	sshrl.u32 s1, $0x2  }
0xb9: {  	s3 =	sand.u32 $0x4000, s31;
	s1 =	sadd.s32 s1, s30  }
0xba: {  	s0 =	sor.u32 s3, s0;
	s1 =	sshll.u32 s1, $0x11  }
0xbb: {  	s0 =	sor.u32 s1, s0  }
0xbc: {  	s0 =	sadd.s32 $0x8F2B, s0  }
0xbd: {  	[sflag:s0] =	ssyncadd.remote.s32 $0x1  }
0xbe: {  	_ =	sfence.sel $0xFFFF  }
0xbf: {  	[dreg:$0x0] =	wrdreg $0xFFFFFFFF;
	(pc) =	sbr.abs _section_cstart, $3  }
0xc0: {  	[dreg:$0x1] =	wrdreg $0xFFFFFFFF  }
0xc1: {  	_ =	task.clear_ibuf [dreg:s6], $0x2FFFF;
	_ =	strace $0x9FFFFFFF  }
0xc2: {  	(tm) =	ssettm $0x7FFFFFFF  }
0xc3: {  	_ =	shalt  }
tec
execute0_lowered:
.L_overlay_start_1:
0x0: {  	(tag) =	ssettag $0x1  }
0x1: {  	s6 =	rddreg [dreg:$0x0]  }
0x2: {  	s0 =	srdreg.scid;
	s2 =	rddreg [dreg:$0x1];
	s3 =	simm.s32 $0x0  }
0x3: {  	s13 =	simm.s32 $0x2800;
	s14 =	simm.s32 $0x80;
	s15 =	simm.s32 $0x5000  }
0x4: {  	s16 =	simm.s32 $0x5800;
	s17 =	simm.s32 $0x6000;
	s18 =	simm.s32 $0x6800  }
0x5: {  	s19 =	simm.s32 $0x7000;
	s20 =	simm.s32 $0x7800;
	s21 =	simm.s32 $0x8000  }
0x6: {  	s22 =	simm.s32 $0x8800;
	s5 =	sand.u32 $0x1, s0;
	s0 =	stileid.u32  }
0x7: {  	s23 =	simm.s32 $0x1;
	s24 =	simm.s32 $0x0;
	s8 =	smul.u32 $0x2800, s0  }
0x8: {  	[smem:$0x7FF] =	sst s3;
	s4 =	sadd.s32 $0x1600, s6;
	s9 =	smul.u32 $0x500, s0  }
0x9: {  	s1 =	sshll.u32 s5, $0x4;
	s10 =	smul.u32 $0x5000, s5;
	s5 =	ssub.s32 $0x2, s5  }
0xa: {  	s31 =	sshll.u32 s0, $0x6;
	s1 =	sor.u32 s0, s1;
	s30 =	sshrl.u32 s5, $0x1  }
0xb: {  	s7 =	smul.u32 $0x500, s1;
	s1 =	rddreg [dreg:$0x2];
	_ =	strace $0x8000004D  }
0xc: {  	s29 =	sshrl.u32 s8, $0x3;
	s9 =	sadd.s32 s9, s10;
	s10 =	ssub.s32 s5, s30  }
0xd: {  	s12 =	sadd.s32 s8, s2;
	s9 =	sadd.s32 s9, s6;
	s10 =	smax.u32 s10, $0x1  }
0xe: {  	s11 =	sadd.s32 s7, s6;
	s7 =	sadd.s32 s29, s6;
	s6 =	sor.u32 $0x1C02, s31  }
0xf: {  	s9 =	sadd.s32 $0x1FE00, s9;
	s5 =	sadd.s32 $0x6600, s7;
	s7 =	sadd.s32 $0x15E00, s11  }
0x10: {  	s8 =	sadd.s32 $0xB600, s11;
	s11 =	sshrl.u32 s12, $0x3;
	s12 =	simm.s32 $0x2  }
.LBB2_1:
0x11: {  	[spmem:s11], [sflag:s6] =	dma.local [hbm:s5], $0x500  }
0x12: {  	_ =	swait.ge [sflag:s12], $0x500  }
0x13: {  	[sflag:s12] =	ssyncset.done $0x0  }
0x14: {  	[sflag:s12] =	ssyncadd.s32 $0xFFFFFB00  }
0x15: {  	[tilespmem:s3], [sflag:$0x2] =	stream.linear.gather [hbm4b:s7+s3], $0x2800, $0x38;
	[tilespmem:$0xB800] =	vst v63  }
0x16: {  	_ =	swait.ge [sflag:s12], $0x2800  }
0x17: {  	[sflag:s12] =	ssyncset.done $0x0  }
0x18: {  	[sflag:s12] =	ssyncadd.s32 $0xFFFFD800  }
0x19: {  	[tilespmem:s13], [sflag:$0x2] =	stream.linear.gather [hbm4b:s8+s3], $0x2800, $0x38;
	[tilespmem:$0xB800] =	vst v63  }
0x1a: {  	_ =	swait.ge [sflag:s12], $0x2800  }
0x1b: {  	[sflag:s12] =	ssyncset.done $0x0  }
0x1c: {  	[sflag:s12] =	ssyncadd.s32 $0xFFFFD800  }
0x1d: {  	s25 =	simm.s32 $0x0;
	[bflag:$0x0] =	sbarrier.arrive $0xFFFF  }
0x1e: {  	[tilespmem:s15], [sflag:$0x1] =	stream.indirect.gather [hbm4b:s4+s14], $0x10, s25, s14, $0xb8;
	[tilespmem:$0xB800] =	vst v63  }
0x1f: {  	s28 =	simm.s32 $0x80  }
0x20: {  	[tilespmem:s16], [sflag:$0x1] =	stream.indirect.gather [hbm4b:s4+s14], $0x10, s28, s14, $0xb8;
	[tilespmem:$0xB800] =	vst v63  }
0x21: {  	s30 =	simm.s32 $0x100  }
0x22: {  	[tilespmem:s17], [sflag:$0x1] =	stream.indirect.gather [hbm4b:s4+s14], $0x10, s30, s14, $0xb8;
	[tilespmem:$0xB800] =	vst v63  }
0x23: {  	s31 =	simm.s32 $0x180  }
0x24: {  	[tilespmem:s18], [sflag:$0x1] =	stream.indirect.gather [hbm4b:s4+s14], $0x10, s31, s14, $0xb8;
	[tilespmem:$0xB800] =	vst v63  }
0x25: {  	s26 =	simm.s32 $0x200  }
0x26: {  	[tilespmem:s19], [sflag:$0x1] =	stream.indirect.gather [hbm4b:s4+s14], $0x10, s26, s14, $0xb8;
	[tilespmem:$0xB800] =	vst v63  }
0x27: {  	s28 =	simm.s32 $0x280  }
0x28: {  	[tilespmem:s20], [sflag:$0x1] =	stream.indirect.gather [hbm4b:s4+s14], $0x10, s28, s14, $0xb8;
	[tilespmem:$0xB800] =	vst v63  }
0x29: {  	s30 =	simm.s32 $0x300  }
0x2a: {  	[tilespmem:s21], [sflag:$0x1] =	stream.indirect.gather [hbm4b:s4+s14], $0x10, s30, s14, $0xb8;
	[tilespmem:$0xB800] =	vst v63  }
0x2b: {  	s31 =	simm.s32 $0x380  }
0x2c: {  	[tilespmem:s22], [sflag:$0x1] =	stream.indirect.gather [hbm4b:s4+s14], $0x10, s31, s14, $0xb8;
	[tilespmem:$0xB800] =	vst v63  }
0x2d: {  	_ =	swait.ge [sflag:s23], $0x800  }
0x2e: {  	[sflag:s23] =	ssyncset.done $0x0  }
0x2f: {  	[sflag:s23] =	ssyncadd.s32 $0xFFFFF800  }
0x30: {  	_ =	swait.ge [sflag:s23], $0x800  }
0x31: {  	[sflag:s23] =	ssyncset.done $0x0  }
0x32: {  	[sflag:s23] =	ssyncadd.s32 $0xFFFFF800  }
0x33: {  	_ =	swait.ge [sflag:s23], $0x800  }
0x34: {  	[sflag:s23] =	ssyncset.done $0x0  }
0x35: {  	[sflag:s23] =	ssyncadd.s32 $0xFFFFF800  }
0x36: {  	_ =	swait.ge [sflag:s23], $0x800  }
0x37: {  	[sflag:s23] =	ssyncset.done $0x0  }
0x38: {  	[sflag:s23] =	ssyncadd.s32 $0xFFFFF800  }
0x39: {  	_ =	swait.ge [sflag:s23], $0x800  }
0x3a: {  	[sflag:s23] =	ssyncset.done $0x0  }
0x3b: {  	[sflag:s23] =	ssyncadd.s32 $0xFFFFF800  }
0x3c: {  	_ =	swait.ge [sflag:s23], $0x800  }
0x3d: {  	[sflag:s23] =	ssyncset.done $0x0  }
0x3e: {  	[sflag:s23] =	ssyncadd.s32 $0xFFFFF800  }
0x3f: {  	_ =	swait.ge [sflag:s23], $0x800  }
0x40: {  	[sflag:s23] =	ssyncset.done $0x0  }
0x41: {  	[sflag:s23] =	ssyncadd.s32 $0xFFFFF800  }
0x42: {  	_ =	swait.ge [sflag:s23], $0x800  }
0x43: {  	[sflag:s23] =	ssyncset.done $0x0  }
0x44: {  	s26 =	simm.s32 $0x2800;
	[sflag:s23] =	ssyncadd.s32 $0xFFFFF800  }
0x45: {  	[spmem:s2] =	stream.indirect.scatter.add.f32 [tilespmem:s15], [sflag:$0x2], $0x10, s26, s14, $0xb8;
	[tilespmem:$0xB800] =	vst v63  }
0x46: {  	_ =	swait.ge [sflag:s12], $0x800  }
0x47: {  	[sflag:s12] =	ssyncset.done $0x0  }
0x48: {  	s28 =	simm.s32 $0x2880;
	[sflag:s12] =	ssyncadd.s32 $0xFFFFF800  }
0x49: {  	[spmem:s2] =	stream.indirect.scatter.add.f32 [tilespmem:s16], [sflag:$0x2], $0x10, s28, s14, $0xb8;
	[tilespmem:$0xB800] =	vst v63  }
0x4a: {  	_ =	swait.ge [sflag:s12], $0x800  }
0x4b: {  	[sflag:s12] =	ssyncset.done $0x0  }
0x4c: {  	s30 =	simm.s32 $0x2900;
	[sflag:s12] =	ssyncadd.s32 $0xFFFFF800  }
0x4d: {  	[spmem:s2] =	stream.indirect.scatter.add.f32 [tilespmem:s17], [sflag:$0x2], $0x10, s30, s14, $0xb8;
	[tilespmem:$0xB800] =	vst v63  }
0x4e: {  	_ =	swait.ge [sflag:s12], $0x800  }
0x4f: {  	[sflag:s12] =	ssyncset.done $0x0  }
0x50: {  	s31 =	simm.s32 $0x2980;
	[sflag:s12] =	ssyncadd.s32 $0xFFFFF800  }
0x51: {  	[spmem:s2] =	stream.indirect.scatter.add.f32 [tilespmem:s18], [sflag:$0x2], $0x10, s31, s14, $0xb8;
	[tilespmem:$0xB800] =	vst v63  }
0x52: {  	_ =	swait.ge [sflag:s12], $0x800  }
0x53: {  	[sflag:s12] =	ssyncset.done $0x0  }
0x54: {  	s26 =	simm.s32 $0x2A00;
	[sflag:s12] =	ssyncadd.s32 $0xFFFFF800  }
0x55: {  	[spmem:s2] =	stream.indirect.scatter.add.f32 [tilespmem:s19], [sflag:$0x2], $0x10, s26, s14, $0xb8;
	[tilespmem:$0xB800] =	vst v63  }
0x56: {  	_ =	swait.ge [sflag:s12], $0x800  }
0x57: {  	[sflag:s12] =	ssyncset.done $0x0  }
0x58: {  	s28 =	simm.s32 $0x2A80;
	[sflag:s12] =	ssyncadd.s32 $0xFFFFF800  }
0x59: {  	[spmem:s2] =	stream.indirect.scatter.add.f32 [tilespmem:s20], [sflag:$0x2], $0x10, s28, s14, $0xb8;
	[tilespmem:$0xB800] =	vst v63  }
0x5a: {  	_ =	swait.ge [sflag:s12], $0x800  }
0x5b: {  	[sflag:s12] =	ssyncset.done $0x0  }
0x5c: {  	s30 =	simm.s32 $0x2B00;
	[sflag:s12] =	ssyncadd.s32 $0xFFFFF800  }
0x5d: {  	[spmem:s2] =	stream.indirect.scatter.add.f32 [tilespmem:s21], [sflag:$0x2], $0x10, s30, s14, $0xb8;
	[tilespmem:$0xB800] =	vst v63  }
0x5e: {  	_ =	swait.ge [sflag:s12], $0x800  }
0x5f: {  	[sflag:s12] =	ssyncset.done $0x0  }
0x60: {  	s31 =	simm.s32 $0x2B80;
	[sflag:s12] =	ssyncadd.s32 $0xFFFFF800  }
0x61: {  	[spmem:s2] =	stream.indirect.scatter.add.f32 [tilespmem:s22], [sflag:$0x2], $0x10, s31, s14, $0xb8;
	[tilespmem:$0xB800] =	vst v63  }
0x62: {  	_ =	swait.ge [sflag:s12], $0x800  }
0x63: {  	s29 =	simm.s32 $0x2000;
	s25 =	simm.s32 $0x1000;
	[sflag:s12] =	ssyncset.done $0x0  }
.LBB2_2:
0x64: {  	s28 =	sshra.s32 s25, $0x2  }
0x65: {  	[sflag:s12] =	ssyncadd.s32 $0xFFFFF800;
	s25 =	smov.u32 s29;
	s26 =	sadd.s32 $0x1000, s29  }
0x66: {  	[tilespmem:s15], [sflag:$0x1] =	stream.indirect.gather [hbm4b:s4+s14], $0x10, s28, s14, $0xb8;
	[tilespmem:$0xB800] =	vst v63  }
0x67: {  	p0 =	sne.s32 s29, $0x9000;
	s29 =	sadd.s32 $0x80, s28  }
0x68: {  	[tilespmem:s16], [sflag:$0x1] =	stream.indirect.gather [hbm4b:s4+s14], $0x10, s29, s14, $0xb8;
	[tilespmem:$0xB800] =	vst v63  }
0x69: {  	s29 =	sadd.s32 $0x100, s28  }
0x6a: {  	[tilespmem:s17], [sflag:$0x1] =	stream.indirect.gather [hbm4b:s4+s14], $0x10, s29, s14, $0xb8;
	[tilespmem:$0xB800] =	vst v63  }
0x6b: {  	s29 =	sadd.s32 $0x180, s28  }
0x6c: {  	[tilespmem:s18], [sflag:$0x1] =	stream.indirect.gather [hbm4b:s4+s14], $0x10, s29, s14, $0xb8;
	[tilespmem:$0xB800] =	vst v63  }
0x6d: {  	s29 =	sadd.s32 $0x200, s28  }
0x6e: {  	[tilespmem:s19], [sflag:$0x1] =	stream.indirect.gather [hbm4b:s4+s14], $0x10, s29, s14, $0xb8;
	[tilespmem:$0xB800] =	vst v63  }
0x6f: {  	s29 =	sadd.s32 $0x280, s28  }
0x70: {  	[tilespmem:s20], [sflag:$0x1] =	stream.indirect.gather [hbm4b:s4+s14], $0x10, s29, s14, $0xb8;
	[tilespmem:$0xB800] =	vst v63  }
0x71: {  	s29 =	sadd.s32 $0x300, s28  }
0x72: {  	[tilespmem:s21], [sflag:$0x1] =	stream.indirect.gather [hbm4b:s4+s14], $0x10, s29, s14, $0xb8;
	[tilespmem:$0xB800] =	vst v63  }
0x73: {  	s29 =	sadd.s32 $0x380, s28  }
0x74: {  	[tilespmem:s22], [sflag:$0x1] =	stream.indirect.gather [hbm4b:s4+s14], $0x10, s29, s14, $0xb8;
	[tilespmem:$0xB800] =	vst v63  }
0x75: {  	_ =	swait.ge [sflag:s23], $0x800  }
0x76: {  	[sflag:s23] =	ssyncset.done $0x0  }
0x77: {  	[sflag:s23] =	ssyncadd.s32 $0xFFFFF800  }
0x78: {  	_ =	swait.ge [sflag:s23], $0x800  }
0x79: {  	[sflag:s23] =	ssyncset.done $0x0  }
0x7a: {  	[sflag:s23] =	ssyncadd.s32 $0xFFFFF800  }
0x7b: {  	_ =	swait.ge [sflag:s23], $0x800  }
0x7c: {  	[sflag:s23] =	ssyncset.done $0x0  }
0x7d: {  	[sflag:s23] =	ssyncadd.s32 $0xFFFFF800  }
0x7e: {  	_ =	swait.ge [sflag:s23], $0x800  }
0x7f: {  	[sflag:s23] =	ssyncset.done $0x0  }
0x80: {  	[sflag:s23] =	ssyncadd.s32 $0xFFFFF800  }
0x81: {  	_ =	swait.ge [sflag:s23], $0x800  }
0x82: {  	[sflag:s23] =	ssyncset.done $0x0  }
0x83: {  	[sflag:s23] =	ssyncadd.s32 $0xFFFFF800  }
0x84: {  	_ =	swait.ge [sflag:s23], $0x800  }
0x85: {  	[sflag:s23] =	ssyncset.done $0x0  }
0x86: {  	[sflag:s23] =	ssyncadd.s32 $0xFFFFF800  }
0x87: {  	_ =	swait.ge [sflag:s23], $0x800  }
0x88: {  	[sflag:s23] =	ssyncset.done $0x0  }
0x89: {  	[sflag:s23] =	ssyncadd.s32 $0xFFFFF800  }
0x8a: {  	_ =	swait.ge [sflag:s23], $0x800  }
0x8b: {  	[sflag:s23] =	ssyncset.done $0x0  }
0x8c: {  	s29 =	sadd.s32 $0x2800, s28;
	[sflag:s23] =	ssyncadd.s32 $0xFFFFF800  }
0x8d: {  	[spmem:s2] =	stream.indirect.scatter.add.f32 [tilespmem:s15], [sflag:$0x2], $0x10, s29, s14, $0xb8;
	[tilespmem:$0xB800] =	vst v63  }
0x8e: {  	_ =	swait.ge [sflag:s12], $0x800  }
0x8f: {  	[sflag:s12] =	ssyncset.done $0x0  }
0x90: {  	s29 =	sadd.s32 $0x2880, s28;
	[sflag:s12] =	ssyncadd.s32 $0xFFFFF800  }
0x91: {  	[spmem:s2] =	stream.indirect.scatter.add.f32 [tilespmem:s16], [sflag:$0x2], $0x10, s29, s14, $0xb8;
	[tilespmem:$0xB800] =	vst v63  }
0x92: {  	_ =	swait.ge [sflag:s12], $0x800  }
0x93: {  	[sflag:s12] =	ssyncset.done $0x0  }
0x94: {  	s29 =	sadd.s32 $0x2900, s28;
	[sflag:s12] =	ssyncadd.s32 $0xFFFFF800  }
0x95: {  	[spmem:s2] =	stream.indirect.scatter.add.f32 [tilespmem:s17], [sflag:$0x2], $0x10, s29, s14, $0xb8;
	[tilespmem:$0xB800] =	vst v63  }
0x96: {  	_ =	swait.ge [sflag:s12], $0x800  }
0x97: {  	[sflag:s12] =	ssyncset.done $0x0  }
0x98: {  	s29 =	sadd.s32 $0x2980, s28;
	[sflag:s12] =	ssyncadd.s32 $0xFFFFF800  }
0x99: {  	[spmem:s2] =	stream.indirect.scatter.add.f32 [tilespmem:s18], [sflag:$0x2], $0x10, s29, s14, $0xb8;
	[tilespmem:$0xB800] =	vst v63  }
0x9a: {  	_ =	swait.ge [sflag:s12], $0x800  }
0x9b: {  	[sflag:s12] =	ssyncset.done $0x0  }
0x9c: {  	s29 =	sadd.s32 $0x2A00, s28;
	[sflag:s12] =	ssyncadd.s32 $0xFFFFF800  }
0x9d: {  	[spmem:s2] =	stream.indirect.scatter.add.f32 [tilespmem:s19], [sflag:$0x2], $0x10, s29, s14, $0xb8;
	[tilespmem:$0xB800] =	vst v63  }
0x9e: {  	_ =	swait.ge [sflag:s12], $0x800  }
0x9f: {  	[sflag:s12] =	ssyncset.done $0x0  }
0xa0: {  	s29 =	sadd.s32 $0x2A80, s28;
	[sflag:s12] =	ssyncadd.s32 $0xFFFFF800  }
0xa1: {  	[spmem:s2] =	stream.indirect.scatter.add.f32 [tilespmem:s20], [sflag:$0x2], $0x10, s29, s14, $0xb8;
	[tilespmem:$0xB800] =	vst v63  }
0xa2: {  	_ =	swait.ge [sflag:s12], $0x800  }
0xa3: {  	[sflag:s12] =	ssyncset.done $0x0  }
0xa4: {  	s29 =	sadd.s32 $0x2B00, s28;
	[sflag:s12] =	ssyncadd.s32 $0xFFFFF800  }
0xa5: {  	[spmem:s2] =	stream.indirect.scatter.add.f32 [tilespmem:s21], [sflag:$0x2], $0x10, s29, s14, $0xb8;
	[tilespmem:$0xB800] =	vst v63  }
0xa6: {  	_ =	swait.ge [sflag:s12], $0x800  }
.Ltmp0:
0xa7: {  	[sflag:s12] =	ssyncset.done $0x0;
	(pc) =	sbr.rel @p0 .LBB2_2-.Ltmp0, $4  }
0xa8: {  	s28 =	sadd.s32 $0x2B80, s28;
	[sflag:s12] =	ssyncadd.s32 $0xFFFFF800  }
0xa9: {  	[spmem:s2] =	stream.indirect.scatter.add.f32 [tilespmem:s22], [sflag:$0x2], $0x10, s28, s14, $0xb8;
	[tilespmem:$0xB800] =	vst v63  }
0xaa: {  	_ =	swait.ge [sflag:s12], $0x800  }
0xab: {  	s29 =	smov.u32 s26;
	[sflag:s12] =	ssyncset.done $0x0  }
0xac: {  	s25 =	sshra.s32 s25, $0x2;
	[sflag:s12] =	ssyncadd.s32 $0xFFFFF800  }
0xad: {  	[tilespmem:s15], [sflag:$0x1] =	stream.indirect.gather [hbm4b:s4+s14], $0x10, s25, s14, $0xb8;
	[tilespmem:$0xB800] =	vst v63  }
0xae: {  	s26 =	sadd.s32 $0x80, s25  }
0xaf: {  	[tilespmem:s16], [sflag:$0x1] =	stream.indirect.gather [hbm4b:s4+s14], $0x10, s26, s14, $0xb8;
	[tilespmem:$0xB800] =	vst v63  }
0xb0: {  	s31 =	sadd.s32 $0x100, s25  }
0xb1: {  	[tilespmem:s17], [sflag:$0x1] =	stream.indirect.gather [hbm4b:s4+s14], $0x10, s31, s14, $0xb8;
	[tilespmem:$0xB800] =	vst v63  }
0xb2: {  	s28 =	sadd.s32 $0x180, s25  }
0xb3: {  	[tilespmem:s18], [sflag:$0x1] =	stream.indirect.gather [hbm4b:s4+s14], $0x10, s28, s14, $0xb8;
	[tilespmem:$0xB800] =	vst v63  }
0xb4: {  	s29 =	sadd.s32 $0x200, s25  }
0xb5: {  	[tilespmem:s19], [sflag:$0x1] =	stream.indirect.gather [hbm4b:s4+s14], $0x10, s29, s14, $0xb8;
	[tilespmem:$0xB800] =	vst v63  }
0xb6: {  	s30 =	sadd.s32 $0x280, s25  }
0xb7: {  	[tilespmem:s20], [sflag:$0x1] =	stream.indirect.gather [hbm4b:s4+s14], $0x10, s30, s14, $0xb8;
	[tilespmem:$0xB800] =	vst v63  }
0xb8: {  	s31 =	sadd.s32 $0x300, s25  }
0xb9: {  	[tilespmem:s21], [sflag:$0x1] =	stream.indirect.gather [hbm4b:s4+s14], $0x10, s31, s14, $0xb8;
	[tilespmem:$0xB800] =	vst v63  }
0xba: {  	s28 =	sadd.s32 $0x380, s25  }
0xbb: {  	[tilespmem:s22], [sflag:$0x1] =	stream.indirect.gather [hbm4b:s4+s14], $0x10, s28, s14, $0xb8;
	[tilespmem:$0xB800] =	vst v63  }
0xbc: {  	_ =	swait.ge [sflag:s23], $0x800  }
0xbd: {  	[sflag:s23] =	ssyncset.done $0x0  }
0xbe: {  	[sflag:s23] =	ssyncadd.s32 $0xFFFFF800  }
0xbf: {  	_ =	swait.ge [sflag:s23], $0x800  }
0xc0: {  	[sflag:s23] =	ssyncset.done $0x0  }
0xc1: {  	[sflag:s23] =	ssyncadd.s32 $0xFFFFF800  }
0xc2: {  	_ =	swait.ge [sflag:s23], $0x800  }
0xc3: {  	[sflag:s23] =	ssyncset.done $0x0  }
0xc4: {  	[sflag:s23] =	ssyncadd.s32 $0xFFFFF800  }
0xc5: {  	_ =	swait.ge [sflag:s23], $0x800  }
0xc6: {  	[sflag:s23] =	ssyncset.done $0x0  }
0xc7: {  	[sflag:s23] =	ssyncadd.s32 $0xFFFFF800  }
0xc8: {  	_ =	swait.ge [sflag:s23], $0x800  }
0xc9: {  	[sflag:s23] =	ssyncset.done $0x0  }
0xca: {  	[sflag:s23] =	ssyncadd.s32 $0xFFFFF800  }
0xcb: {  	_ =	swait.ge [sflag:s23], $0x800  }
0xcc: {  	[sflag:s23] =	ssyncset.done $0x0  }
0xcd: {  	[sflag:s23] =	ssyncadd.s32 $0xFFFFF800  }
0xce: {  	_ =	swait.ge [sflag:s23], $0x800  }
0xcf: {  	[sflag:s23] =	ssyncset.done $0x0  }
0xd0: {  	[sflag:s23] =	ssyncadd.s32 $0xFFFFF800  }
0xd1: {  	_ =	swait.ge [sflag:s23], $0x800  }
0xd2: {  	[sflag:s23] =	ssyncset.done $0x0  }
0xd3: {  	s29 =	sadd.s32 $0x2800, s25;
	[sflag:s23] =	ssyncadd.s32 $0xFFFFF800  }
0xd4: {  	[spmem:s2] =	stream.indirect.scatter.add.f32 [tilespmem:s15], [sflag:$0x2], $0x10, s29, s14, $0xb8;
	[tilespmem:$0xB800] =	vst v63  }
0xd5: {  	_ =	swait.ge [sflag:s12], $0x800  }
0xd6: {  	[sflag:s12] =	ssyncset.done $0x0  }
0xd7: {  	s30 =	sadd.s32 $0x2880, s25;
	[sflag:s12] =	ssyncadd.s32 $0xFFFFF800  }
0xd8: {  	[spmem:s2] =	stream.indirect.scatter.add.f32 [tilespmem:s16], [sflag:$0x2], $0x10, s30, s14, $0xb8;
	[tilespmem:$0xB800] =	vst v63  }
0xd9: {  	_ =	swait.ge [sflag:s12], $0x800  }
0xda: {  	[sflag:s12] =	ssyncset.done $0x0  }
0xdb: {  	s31 =	sadd.s32 $0x2900, s25;
	[sflag:s12] =	ssyncadd.s32 $0xFFFFF800  }
0xdc: {  	[spmem:s2] =	stream.indirect.scatter.add.f32 [tilespmem:s17], [sflag:$0x2], $0x10, s31, s14, $0xb8;
	[tilespmem:$0xB800] =	vst v63  }
0xdd: {  	_ =	swait.ge [sflag:s12], $0x800  }
0xde: {  	[sflag:s12] =	ssyncset.done $0x0  }
0xdf: {  	s28 =	sadd.s32 $0x2980, s25;
	[sflag:s12] =	ssyncadd.s32 $0xFFFFF800  }
0xe0: {  	[spmem:s2] =	stream.indirect.scatter.add.f32 [tilespmem:s18], [sflag:$0x2], $0x10, s28, s14, $0xb8;
	[tilespmem:$0xB800] =	vst v63  }
0xe1: {  	_ =	swait.ge [sflag:s12], $0x800  }
0xe2: {  	[sflag:s12] =	ssyncset.done $0x0  }
0xe3: {  	s29 =	sadd.s32 $0x2A00, s25;
	[sflag:s12] =	ssyncadd.s32 $0xFFFFF800  }
0xe4: {  	[spmem:s2] =	stream.indirect.scatter.add.f32 [tilespmem:s19], [sflag:$0x2], $0x10, s29, s14, $0xb8;
	[tilespmem:$0xB800] =	vst v63  }
0xe5: {  	_ =	swait.ge [sflag:s12], $0x800  }
0xe6: {  	[sflag:s12] =	ssyncset.done $0x0  }
0xe7: {  	s30 =	sadd.s32 $0x2A80, s25;
	[sflag:s12] =	ssyncadd.s32 $0xFFFFF800  }
0xe8: {  	[spmem:s2] =	stream.indirect.scatter.add.f32 [tilespmem:s20], [sflag:$0x2], $0x10, s30, s14, $0xb8;
	[tilespmem:$0xB800] =	vst v63  }
0xe9: {  	_ =	swait.ge [sflag:s12], $0x800  }
0xea: {  	[sflag:s12] =	ssyncset.done $0x0  }
0xeb: {  	s31 =	sadd.s32 $0x2B00, s25;
	[sflag:s12] =	ssyncadd.s32 $0xFFFFF800  }
0xec: {  	[spmem:s2] =	stream.indirect.scatter.add.f32 [tilespmem:s21], [sflag:$0x2], $0x10, s31, s14, $0xb8;
	[tilespmem:$0xB800] =	vst v63  }
0xed: {  	_ =	swait.ge [sflag:s12], $0x800  }
0xee: {  	[sflag:s12] =	ssyncset.done $0x0  }
0xef: {  	s25 =	sadd.s32 $0x2B80, s25;
	[sflag:s12] =	ssyncadd.s32 $0xFFFFF800  }
0xf0: {  	[spmem:s2] =	stream.indirect.scatter.add.f32 [tilespmem:s22], [sflag:$0x2], $0x10, s25, s14, $0xb8;
	[tilespmem:$0xB800] =	vst v63  }
0xf1: {  	_ =	swait.ge [sflag:s12], $0x800  }
0xf2: {  	s24 =	sadd.s32 $0x1, s24;
	[sflag:s12] =	ssyncset.done $0x0  }
0xf3: {  	p0 =	sne.s32 s24, s10;
	[sflag:s12] =	ssyncadd.s32 $0xFFFFF800  }
.Ltmp1:
0xf4: {  	[bflag:$0x0] =	sbarrier.arrive $0xFFFF;
	(pc) =	sbr.rel @p0 .LBB2_1-.Ltmp1, $4  }
0xf5: {  	[hbm:s9], [sflag:s6] =	dma.local [spmem:s11], $0x500  }
0xf6: {  	_ =	swait.ge [sflag:s12], $0x500  }
0xf7: {  	[sflag:s12] =	ssyncset.done $0x0  }
0xf8: {  	[sflag:s12] =	ssyncadd.s32 $0xFFFFFB00  }
0xf9: {  	_ =	sfence.sel $0x180000  }
0xfa: {  	[bflag:$0x0] =	sbarrier.arrive $0xFFFF  }
0xfb: {  	p0 =	sne.s32 s0, $0x0;
	_ =	strace $0x9000004D  }
0xfc: {  	s0 =	sadd.s32 @!p0 $0x100000, s1;
	[bflag:$0x2] =	sbarrier.arrive $0xFFFF  }
0xfd: {  	[sflag:s0] =	ssyncadd.tile.s32 @!p0 $0x1;
	_ =	shalt  }
.Lfunc_end2:
_tile_overlayer_lowered:
.L_overlay_start_2:
0xfe: {  	(tag) =	ssettag $0x2  }
0xff: {  	s0 =	rddreg [dreg:$0x0];
	s2 =	stileid.u32  }
0x100: {  	s1 =	rddreg [dreg:$0x1];
	p0 =	sne.s32 s2, $0x0  }
0x101: {  	s3 =	rddreg [dreg:$0x2];
	[bflag:$0x3] =	sbarrier.arrive $0xFFFF;
	s2 =	simm.s32 @!p0 $0x1C02  }
0x102: {  	[timem:s3], [sflag:s2] =	dma.local @!p0 [hbm:s0], s1  }
0x103: {  	s0 =	simm.s32 @!p0 $0x2  }
0x104: {  	_ =	swait.ge @!p0 [sflag:s0], s1  }
0x105: {  	s1 =	ssub.s32 @!p0 $0x0, s1;
	[sflag:s0] =	ssyncset.done @!p0 $0x0  }
0x106: {  	[sflag:s0] =	ssyncadd.s32 @!p0 s1  }
0x107: {  	[bflag:$0x3] =	sbarrier.arrive $0xFFFF  }
0x108: {  	_ =	shalt  }

// kernel: kernel.8.cloned.1.call-start
scs
__scs_entry_jumppad:
0x0: {  	(pc) =	sbr.rel $0x88, $3  }
0x1: {  	(tag) =	ssettag $0x0;
	lr =	simm.s32 $0x1  }
0x2: {  	[smem:$0x3F9B] =	sst lr;
	_ =	strace $0xD0000000  }
0x3: {  	_ = 	snop  }
0x4: {  	_ = 	snop  }
0x5: {  	_ = 	snop  }
0x6: {  	_ = 	snop  }
0x7: {  	_ = 	snop  }
__scs_overlays_trampoline_lowered:
0x8: {  	[smem:$0x3FAA] =	sst s0  }
0x9: {  	[smem:$0x3FAB] =	sst s1  }
0xa: {  	[smem:$0x3FAC] =	sst s2  }
0xb: {  	[smem:$0x3FAD] =	sst s3  }
0xc: {  	[smem:$0x3FAE] =	sst s4  }
0xd: {  	[smem:$0x3FAF] =	sst s5  }
0xe: {  	[smem:$0x3FB0] =	sst s6  }
0xf: {  	[smem:$0x3FB1] =	sst s7  }
0x10: {  	[smem:$0x3FB2] =	sst s8  }
0x11: {  	[smem:$0x3FB3] =	sst s9;
	s0 =	simm.s32 @!p0 $0x0  }
0x12: {  	s1 =	sld [smem:$0x3F99];
	s0 =	simm.s32 @p0 $0x1  }
0x13: {  	[smem:$0x3FB4] =	sst s0;
	s0 =	simm.s32 @!p1 $0x0  }
0x14: {  	s2 =	sld [smem:$0x3F98];
	s0 =	simm.s32 @p1 $0x1  }
0x15: {  	[smem:$0x3FB5] =	sst s0;
	s0 =	simm.s32 @!p2 $0x0  }
0x16: {  	s3 =	sld [smem:$0x3FDB];
	s0 =	simm.s32 @p2 $0x1  }
0x17: {  	s4 =	simm.s32 $0x1BF5;
	[smem:$0x3FB7] =	sst s0  }
0x18: {  	s0 =	sld [smem:$0x3F9A];
	_ =	swait.ge [sflag:s4], $0x0  }
0x19: {  	s7 =	sld [smem:$0x3F9B]  }
0x1a: {  	s8 =	sadd.s32 $0xFFFFE003, lr  }
0x1b: {  	s9 =	sadd.s32 $0xFFFFFEF7, lr;
	s5 =	simm.s32 $0xFFFFFFFF;
	p2 =	slt.u32 s8, $0xFFFFF086  }
0x1c: {  	p1 =	slt.u32 s9, $0xF7A;
	s5 =	simm.s32 @!p2 $0x0  }
0x1d: {  	s5 =	simm.s32 @p1 $0x1;
	p0 =	seq.s32 s7, s2  }
0x1e: {  	s7 =	smul.u32 @!p0 $0xF7A, s2;
	p2 =	seq.s32 @!p0 s5, $0x0  }
0x1f: {  	s9 =	smul.u32 $0xF7A, s1;
	s8 =	simm.s32 @!p0 $0x1BF5;
	p2 =	por !p2, p0  }
0x20: {  	[sflag:s8] =	ssyncset.s32 @!p0 $0xFFFFF086;
	s6 =	sadd.s32 @!p0 s3, s7;
	s7 =	simm.s32 @!p0 $0x108  }
0x21: {  	s3 =	sadd.s32 s3, s9;
	s6 =	sadd.s32 @!p0 $0x88, s6;
	s7 =	simm.s32 @p2 $0x1082  }
0x22: {  	[simem:s7], [sflag:s8] =	dma.local @!p0 [hbm:s6], $0xF7A  }
0x23: {  	s9 =	sor.u32 $0xD0000000, s2;
	s6 =	simm.s32 $0x108;
	_ =	swait.ge @!p0 [sflag:s8], $0x0  }
0x24: {  	s3 =	sadd.s32 $0x88, s3;
	s6 =	simm.s32 @!p1 $0x1082;
	[sflag:s4] =	ssyncset.s32 $0xFFFFF086  }
0x25: {  	[simem:s6], [sflag:s4] =	dma.local [hbm:s3], $0xF7A  }
0x26: {  	[smem:$0x3F9B] =	sst s1;
	(tag) =	ssettag s2;
	_ =	strace s9  }
0x27: {  	s1 =	sld [smem:$0x3FAB]  }
0x28: {  	s2 =	sld [smem:$0x3FAC]  }
0x29: {  	s4 =	sld [smem:$0x3FAE]  }
0x2a: {  	p0 =	seq.s32 s5, $0x0;
	s5 =	sld [smem:$0x3FAF]  }
0x2b: {  	s6 =	sld [smem:$0x3FB0]  }
0x2c: {  	s7 =	sld [smem:$0x3FB1]  }
0x2d: {  	s3 =	simm.s32 $0x108;
	s8 =	sld [smem:$0x3FB2]  }
0x2e: {  	s3 =	simm.s32 @!p0 $0x1082;
	s9 =	sld [smem:$0x3FB3]  }
0x2f: {  	lr =	sadd.s32 s0, s3;
	s0 =	sld [smem:$0x3FAA]  }
0x30: {  	s3 =	sld [smem:$0x3FAD]  }
0x31: {  	[smem:$0x3FB6] =	sst s10  }
0x32: {  	s10 =	sld [smem:$0x3FB4];
	_ =	sdelay $0x3  }
0x33: {  	p0 =	seq.s32 s10, $0x1;
	s10 =	sld [smem:$0x3FB6];
	_ =	sdelay $0x3  }
0x34: {  	[smem:$0x3FB6] =	sst s10  }
0x35: {  	s10 =	sld [smem:$0x3FB5];
	_ =	sdelay $0x3  }
0x36: {  	p1 =	seq.s32 s10, $0x1;
	s10 =	sld [smem:$0x3FB6];
	_ =	sdelay $0x3  }
0x37: {  	[smem:$0x3FB6] =	sst s10  }
0x38: {  	s10 =	sld [smem:$0x3FB7]  }
0x39: {  	_ = 	snop;
	(pc) =	sbr.ind lr, $3  }
0x3a: {  	_ = 	snop  }
0x3b: {  	_ = 	snop  }
0x3c: {  	p2 =	seq.s32 s10, $0x1;
	s10 =	sld [smem:$0x3FB6]  }
0x3d: {  	_ =	shalt  }
0x3e: {  	_ =	shalt  }
0x3f: {  	_ =	shalt  }
0x40: {  	_ =	shalt  }
0x41: {  	_ =	shalt  }
0x42: {  	_ =	shalt  }
0x43: {  	_ =	shalt  }
0x44: {  	_ =	shalt  }
0x45: {  	_ =	shalt  }
0x46: {  	_ =	shalt  }
0x47: {  	_ =	shalt  }
0x48: {  	_ =	shalt  }
0x49: {  	_ =	shalt  }
0x4a: {  	_ =	shalt  }
0x4b: {  	_ =	shalt  }
0x4c: {  	_ =	shalt  }
0x4d: {  	_ =	shalt  }
0x4e: {  	_ =	shalt  }
0x4f: {  	_ =	shalt  }
0x50: {  	_ =	shalt  }
0x51: {  	_ =	shalt  }
0x52: {  	_ =	shalt  }
0x53: {  	_ =	shalt  }
0x54: {  	_ =	shalt  }
0x55: {  	_ =	shalt  }
0x56: {  	_ =	shalt  }
0x57: {  	_ =	shalt  }
0x58: {  	_ =	shalt  }
0x59: {  	_ =	shalt  }
0x5a: {  	_ =	shalt  }
0x5b: {  	_ =	shalt  }
0x5c: {  	_ =	shalt  }
0x5d: {  	_ =	shalt  }
0x5e: {  	_ =	shalt  }
0x5f: {  	_ =	shalt  }
0x60: {  	_ =	shalt  }
0x61: {  	_ =	shalt  }
0x62: {  	_ =	shalt  }
0x63: {  	_ =	shalt  }
0x64: {  	_ =	shalt  }
0x65: {  	_ =	shalt  }
0x66: {  	_ =	shalt  }
0x67: {  	_ =	shalt  }
0x68: {  	_ =	shalt  }
0x69: {  	_ =	shalt  }
0x6a: {  	_ =	shalt  }
0x6b: {  	_ =	shalt  }
0x6c: {  	_ =	shalt  }
0x6d: {  	_ =	shalt  }
0x6e: {  	_ =	shalt  }
0x6f: {  	_ =	shalt  }
0x70: {  	_ =	shalt  }
0x71: {  	_ =	shalt  }
0x72: {  	_ =	shalt  }
0x73: {  	_ =	shalt  }
0x74: {  	_ =	shalt  }
0x75: {  	_ =	shalt  }
0x76: {  	_ =	shalt  }
0x77: {  	_ =	shalt  }
0x78: {  	_ =	shalt  }
0x79: {  	_ =	shalt  }
0x7a: {  	_ =	shalt  }
0x7b: {  	_ =	shalt  }
0x7c: {  	_ =	shalt  }
0x7d: {  	_ =	shalt  }
0x7e: {  	_ =	shalt  }
0x7f: {  	_ =	shalt  }
0x80: {  	_ =	shalt  }
0x81: {  	_ =	shalt  }
0x82: {  	_ =	shalt  }
0x83: {  	_ =	shalt  }
0x84: {  	_ =	shalt  }
0x85: {  	_ =	shalt  }
0x86: {  	_ =	shalt  }
0x87: {  	_ =	shalt  }
.Lfunc_end0:
.L_simem_size_0:
called_computation_lowered:
.L_overlay_start_0:
0x88: {  	s2 =	sld [smem:$0x3FD9]  }
0x89: {  	s3 =	sld [smem:$0x3FFE];
	_ =	sdelay $0x1  }
0x8a: {  	s1 =	srdreg.scid  }
0x8b: {  	s0 =	sand.u32 $0x1, s1  }
0x8c: {  	s17 =	sshll.u32 s0, $0xA;
	s2 =	sadd.s32 s3, s2  }
0x8d: {  	s2 =	sadd.s32 s2, s17  }
0x8e: {  	[smem:$0x3FC2] =	sst s2  }
0x8f: {  	_ = 	snop  }
0x90: {  	s2 =	sld [smem:$0x3FD0];
	(tm) =	ssettm $0x1  }
0x91: {  	s18 =	sld [smem:$0x3FFB];
	_ =	sdelay $0x3  }
0x92: {  	_ =	strace s18  }
0x93: {  	s3 =	sld [smem:$0x3FFC];
	_ =	sdelay $0x3  }
0x94: {  	_ =	strace s3  }
0x95: {  	s3 =	sld [smem:$0x3FFD];
	_ =	sdelay $0x3  }
0x96: {  	_ =	strace s3  }
0x97: {  	_ =	strace $0x8FFFFFFF  }
0x98: {  	s19 =	sld [smem:$0x3FDB];
	_ =	sdelay $0x1  }
0x99: {  	s4 =	simm.s32 $_scs_section_size  }
0x9a: {  	s5 =	simm.s32 $_size__tile_overlayer_lowered;
	s6 =	simm.s32 $_tile_overlayer_lowered  }
0x9b: {  	s22 =	simm.s32 $0x1BFF;
	s21 =	sshll.u32 s6, $0x1;
	s3 =	sadd.s32 s4, s19  }
0x9c: {  	s7 =	simm.s32 $0x0;
	s20 =	sshll.u32 s5, $0x1;
	s5 =	sadd.s32 s21, s3  }
0x9d: {  	[timem:s7], [sflag:s22] =	dma.local [hbm:s5], s20  }
0x9e: {  	_ =	swait.ge [sflag:s22], s20  }
0x9f: {  	s4 =	ssub.s32 $0x0, s20;
	[sflag:s22] =	ssyncset.done $0x0  }
0xa0: {  	[sflag:s22] =	ssyncadd.s32 s4;
	_ =	sdelay $0x1  }
0xa1: {  	s23 =	simm.s32 $0x1B8B  }
0xa2: {  	_ =	swait.ge [sflag:s23], $0x1  }
0xa3: {  	[sflag:s23] =	ssyncset.done $0x0  }
0xa4: {  	s25 =	simm.s32 $0x1B8E;
	s24 =	sld [smem:$0x3FFE];
	[sflag:s23] =	ssyncadd.s32 $0xFFFFFFFF  }
0xa5: {  	s26 =	simm.s32 $execute0_lowered;
	[smem:$0x3FD2] =	sst s25  }
0xa6: {  	s5 =	sshll.u32 s26, $0x1;
	_ =	strace $0x80000046;
	[dreg:$0x1] =	wrdreg $0xFFFFFFFF  }
0xa7: {  	s28 =	simm.s32 $_size_execute0_lowered;
	s3 =	sadd.s32 s3, s5;
	[dreg:$0x0] =	wrdreg $0x0  }
0xa8: {  	s5 =	sshll.u32 s28, $0x1;
	[dreg:$0x2] =	wrdreg s3  }
0xa9: {  	[dreg:$0x3] =	wrdreg s5  }
0xaa: {  	[dreg:$0x4] =	wrdreg $0xC0  }
0xab: {  	_ =	task [dreg:s7], $0x5FFFF  }
0xac: {  	[dreg:$0x1] =	wrdreg $0xFFFFFFFF  }
0xad: {  	[dreg:$0x0] =	wrdreg $0x60  }
0xae: {  	[dreg:$0x2] =	wrdreg s24  }
0xaf: {  	[dreg:$0x3] =	wrdreg s2  }
0xb0: {  	[dreg:$0x4] =	wrdreg $0x28800  }
0xb1: {  	[dreg:$0x5] =	wrdreg $0x9  }
0xb2: {  	_ =	task.clear_ibuf [dreg:s7], $0x6FFFF;
	_ =	strace $0x90000046  }
0xb3: {  	s29 =	simm.s32 $0x9;
	_ =	strace $0x80000048  }
0xb4: {  	_ =	swait.ge [sflag:s29], $0x1  }
0xb5: {  	[sflag:s29] =	ssyncadd.s32 $0xFFFFFFFF  }
0xb6: {  	_ =	strace $0x90000048  }
0xb7: {  	_ =	sfence  }
0xb8: {  	s30 =	sld [smem:$0x0];
	_ =	sdelay $0x2  }
0xb9: {  	s31 =	sshll.u32 s1, $0xD;
	s1 =	sshrl.u32 s1, $0x2  }
0xba: {  	s3 =	sand.u32 $0x4000, s31;
	s1 =	sadd.s32 s1, s30  }
0xbb: {  	s0 =	sor.u32 s3, s0;
	s1 =	sshll.u32 s1, $0x11  }
0xbc: {  	s0 =	sor.u32 s1, s0  }
0xbd: {  	s0 =	sadd.s32 $0x8F2B, s0  }
0xbe: {  	[sflag:s0] =	ssyncadd.remote.s32 $0x1  }
0xbf: {  	_ =	sfence.sel $0xFFFF  }
0xc0: {  	[dreg:$0x0] =	wrdreg $0xFFFFFFFF;
	(pc) =	sbr.abs _section_cstart, $3  }
0xc1: {  	[dreg:$0x1] =	wrdreg $0xFFFFFFFF  }
0xc2: {  	_ =	task.clear_ibuf [dreg:s7], $0x2FFFF;
	_ =	strace $0x9FFFFFFF  }
0xc3: {  	(tm) =	ssettm $0x7FFFFFFF  }
tec
execute0_lowered:
.L_overlay_start_1:
0x0: {  	(tag) =	ssettag $0x1  }
0x1: {  	s4 =	rddreg [dreg:$0x0]  }
0x2: {  	s0 =	srdreg.scid;
	s8 =	rddreg [dreg:$0x1]  }
0x3: {  	s2 =	rddreg [dreg:$0x2];
	s3 =	simm.s32 $0x0;
	s13 =	simm.s32 $0x80  }
0x4: {  	s14 =	simm.s32 $0x0;
	s5 =	sand.u32 $0x1, s0;
	s0 =	stileid.u32  }
0x5: {  	[smem:$0x7FF] =	sst s3;
	s1 =	sshll.u32 s5, $0x4;
	s7 =	smul.u32 $0x280, s0  }
0x6: {  	s10 =	ssub.s32 $0x2, s5;
	s5 =	smul.u32 $0x2800, s5;
	s31 =	sshll.u32 s0, $0x6  }
0x7: {  	s6 =	sor.u32 s0, s1;
	s1 =	rddreg [dreg:$0x3];
	_ =	strace $0x80000047  }
0x8: {  	s11 =	sshrl.u32 s10, $0x1;
	s6 =	smul.u32 $0x500, s6;
	s29 =	sshrl.u32 s7, $0x3  }
0x9: {  	s10 =	ssub.s32 s10, s11;
	s30 =	sadd.s32 s7, s2;
	s7 =	sadd.s32 s7, s5  }
0xa: {  	s11 =	simm.s32 $0x1;
	s12 =	sshrl.u32 s7, $0x3;
	s9 =	sadd.s32 s6, s4  }
0xb: {  	s6 =	sadd.s32 s29, s4;
	s4 =	sadd.s32 $0x15C00, s4;
	s8 =	sadd.s32 s8, s12  }
0xc: {  	s12 =	simm.s32 $0x2800;
	s5 =	sadd.s32 $0x15600, s6;
	s6 =	sor.u32 $0x1C01, s31  }
0xd: {  	s7 =	sadd.s32 $0x1600, s9;
	s9 =	smax.u32 s10, $0x1;
	s10 =	sshrl.u32 s30, $0x3  }
.LBB2_1:
0xe: {  	[spmem:s10], [sflag:s6] =	dma.local [hbm:s5], $0x50  }
0xf: {  	_ =	swait.ge [sflag:s11], $0x50  }
0x10: {  	[sflag:s11] =	ssyncset.done $0x0  }
0x11: {  	[sflag:s11] =	ssyncadd.s32 $0xFFFFFFB0  }
0x12: {  	[tilespmem:s12], [sflag:$0x1] =	stream.linear.gather [hbm4b:s4+s3], $0x80, $0x38;
	[tilespmem:$0x2B00] =	vst v63  }
0x13: {  	_ =	swait.ge [sflag:s11], $0x80  }
0x14: {  	[sflag:s11] =	ssyncset.done $0x0  }
0x15: {  	[sflag:s11] =	ssyncadd.s32 $0xFFFFFF80  }
0x16: {  	[tilespmem:s3], [sflag:$0x1] =	stream.linear.gather [hbm4b:s7+s3], $0x2800, $0x38;
	[tilespmem:$0x2B00] =	vst v63  }
0x17: {  	_ =	swait.ge [sflag:s11], $0x2800  }
0x18: {  	[sflag:s11] =	ssyncset.done $0x0  }
0x19: {  	[sflag:s11] =	ssyncadd.s32 $0xFFFFD800  }
0x1a: {  	s15 =	simm.s32 $0x0;
	[bflag:$0x0] =	sbarrier.arrive $0xFFFF  }
0x1b: {  	[spmem:s2] =	stream.indirect.scatter.add.f32 [tilespmem:s12], [sflag:$0x1], $0x1, s15, s13, $0xb8;
	[tilespmem:$0x2B00] =	vst v63  }
0x1c: {  	_ =	swait.ge [sflag:s11], $0x80  }
0x1d: {  	s15 =	simm.s32 $0x200;
	[sflag:s11] =	ssyncset.done $0x0  }
.LBB2_2:
0x1e: {  	s16 =	sshra.s32 s15, $0x2;
	[sflag:s11] =	ssyncadd.s32 $0xFFFFFF80;
	p0 =	sne.s32 s15, $0x9E00  }
0x1f: {  	[spmem:s2] =	stream.indirect.scatter.add.f32 [tilespmem:s12], [sflag:$0x1], $0x1, s16, s13, $0xb8;
	[tilespmem:$0x2B00] =	vst v63  }
.Ltmp0:
0x20: {  	_ = 	snop;
	(pc) =	sbr.rel @p0 .LBB2_2-.Ltmp0, $4  }
0x21: {  	_ = 	snop  }
0x22: {  	s15 =	sadd.s32 $0x200, s15  }
0x23: {  	_ =	swait.ge [sflag:s11], $0x80  }
0x24: {  	[sflag:s11] =	ssyncset.done $0x0  }
0x25: {  	s14 =	sadd.s32 $0x1, s14  }
0x26: {  	[sflag:s11] =	ssyncadd.s32 $0xFFFFFF80;
	p0 =	sne.s32 s14, s9  }
.Ltmp1:
0x27: {  	[bflag:$0x0] =	sbarrier.arrive $0xFFFF;
	(pc) =	sbr.rel @p0 .LBB2_1-.Ltmp1, $4  }
0x28: {  	[hbm:s8], [sflag:s6] =	dma.local [spmem:s10], $0x50  }
0x29: {  	_ =	swait.ge [sflag:s11], $0x50  }
0x2a: {  	[sflag:s11] =	ssyncset.done $0x0  }
0x2b: {  	[sflag:s11] =	ssyncadd.s32 $0xFFFFFFB0  }
0x2c: {  	_ =	sfence.sel $0x180000  }
0x2d: {  	[bflag:$0x0] =	sbarrier.arrive $0xFFFF  }
0x2e: {  	p0 =	sne.s32 s0, $0x0;
	_ =	strace $0x90000047  }
0x2f: {  	s0 =	sadd.s32 @!p0 $0x100000, s1;
	[bflag:$0x2] =	sbarrier.arrive $0xFFFF  }
0x30: {  	[sflag:s0] =	ssyncadd.tile.s32 @!p0 $0x1;
	_ =	shalt  }
.Lfunc_end2:
_tile_overlayer_lowered:
.L_overlay_start_2:
0x31: {  	(tag) =	ssettag $0x2  }
0x32: {  	s0 =	rddreg [dreg:$0x0];
	s2 =	stileid.u32  }
0x33: {  	s1 =	rddreg [dreg:$0x1];
	p0 =	sne.s32 s2, $0x0  }
0x34: {  	s3 =	rddreg [dreg:$0x2];
	[bflag:$0x3] =	sbarrier.arrive $0xFFFF;
	s2 =	simm.s32 @!p0 $0x1C01  }
0x35: {  	[timem:s3], [sflag:s2] =	dma.local @!p0 [hbm:s0], s1  }
0x36: {  	s0 =	simm.s32 @!p0 $0x1  }
0x37: {  	_ =	swait.ge @!p0 [sflag:s0], s1  }
0x38: {  	s1 =	ssub.s32 @!p0 $0x0, s1;
	[sflag:s0] =	ssyncset.done @!p0 $0x0  }
0x39: {  	[sflag:s0] =	ssyncadd.s32 @!p0 s1  }
0x3a: {  	[bflag:$0x3] =	sbarrier.arrive $0xFFFF  }
0x3b: {  	_ =	shalt  }

</sc_bundles>
